<compile_context>
chip_gen: v7x
topology: tpu7x:2x2x1
jax: 0.10.2.dev20260603
libtpu: 0.0.44.dev20260713+nightly
codegen_flags: <defaults>
</compile_context>

<pallas_src>
import functools

import jax
import jax.numpy as jnp
from jax import lax
from jax.experimental import pallas as pl
from jax.experimental.pallas import tpu as pltpu
from jax.experimental.pallas import tpu_sc as plsc

N_NODES = 10000
N_EDGES = 320000
D_FEAT = 128
NUM_REL = 16

N_PAD = 10112
C = 128
NC, NS = 2, 16
EDGES_PER_CORE = N_EDGES // NC
CHUNKS_PER_CORE = EDGES_PER_CORE // C
ROWS_PER_TILE = N_PAD // NS
RBLK = 128
TAIL = ROWS_PER_TILE - 4 * RBLK
MAX_CHUNKS = (CHUNKS_PER_CORE + NS - 1) // NS


def _sc_body(src_hbm, dst_hbm, attr_hbm, xaug_hbm, px_hbm, pa_hbm,
             src0, src1, dst0, dst1, idx_i, rows0, rows1, abuf,
             acc, g0, g1):
    cid = lax.axis_index("c")
    sid = lax.axis_index("s")
    t0 = sid * ROWS_PER_TILE
    lanes = lax.iota(jnp.int32, 16)
    zvec = jnp.zeros((16,), jnp.float32)

    def _fill_iota(base, limit=C):
        for k in range(C // 16):
            v = base + k * 16 + lanes
            if (k + 1) * 16 > limit:
                v = jnp.where(k * 16 + lanes >= limit, base, v)
            idx_i[pl.ds(k * 16, 16)] = v

    def _zero(buf):
        def _z(i, _):
            r = i // (D_FEAT // 16)
            c0 = (i % (D_FEAT // 16)) * 16
            buf[r, pl.ds(c0, 16)] = zvec
            return _
        lax.fori_loop(0, C * (D_FEAT // 16), _z, None)

    def _zero_acc():
        for j in range(4):
            _fill_iota(t0 + j * RBLK)
            pltpu.sync_copy(rows0, acc.at[idx_i])
        _fill_iota(t0 + 4 * RBLK, TAIL)
        pltpu.sync_copy(rows0, acc.at[idx_i])

    def _drain(out_hbm):
        for j in range(4):
            r0 = t0 + j * RBLK
            _fill_iota(r0)
            pltpu.sync_copy(acc.at[idx_i], rows0)
            pltpu.sync_copy(rows0, out_hbm.at[cid, pl.ds(r0, RBLK)])
        r0 = t0 + 4 * RBLK
        _fill_iota(r0, TAIL)
        pltpu.sync_copy(acc.at[idx_i], rows0)
        pltpu.sync_copy(rows0.at[pl.ds(0, TAIL)],
                        out_hbm.at[cid, pl.ds(r0, TAIL)])

    n_chunks = 78 + jnp.where(sid < CHUNKS_PER_CORE - 78 * NS, 1, 0)

    def _ebase(i):
        return cid * EDGES_PER_CORE + (sid + i * NS) * C

    _zero(rows0)
    _zero_acc()
    plsc.subcore_barrier()

    def _load_idx(i, s_ref, d_ref):
        base = _ebase(i)
        pltpu.sync_copy(src_hbm.at[pl.ds(base, C)], s_ref)
        pltpu.sync_copy(dst_hbm.at[pl.ds(base, C)], d_ref)

    _load_idx(0, src0, dst0)
    cp0 = pltpu.async_copy(xaug_hbm.at[src0], rows0, g0)

    def _outer(i2, _):
        i0 = 2 * i2
        i1 = 2 * i2 + 1

        @pl.when(i1 < n_chunks)
        def _start1():
            _load_idx(i1, src1, dst1)
            pltpu.async_copy(xaug_hbm.at[src1], rows1, g1)

        @pl.when(i0 < n_chunks)
        def _fin0():
            cp0.wait()
            pltpu.sync_copy(rows0, acc.at[dst0], add=True)

        @pl.when(i0 + 2 < n_chunks)
        def _start0():
            _load_idx(i0 + 2, src0, dst0)
            pltpu.async_copy(xaug_hbm.at[src0], rows0, g0)

        @pl.when(i1 < n_chunks)
        def _fin1():
            pltpu.make_async_copy(xaug_hbm.at[src1], rows1, g1).wait()
            pltpu.sync_copy(rows1, acc.at[dst1], add=True)
        return _
    lax.fori_loop(0, (MAX_CHUNKS + 1) // 2, _outer, None)

    plsc.subcore_barrier()
    _drain(px_hbm)

    _zero(rows0)
    _zero(rows1)
    _zero_acc()
    plsc.subcore_barrier()

    def _load_expand(i, d_ref, r_ref):
        base = _ebase(i)
        pltpu.sync_copy(dst_hbm.at[pl.ds(base, C)], d_ref)
        pltpu.sync_copy(attr_hbm.at[pl.ds(base, C)], abuf)

        def _expand(e, _2):
            r_ref[e, pl.ds(0, NUM_REL)] = abuf[e, pl.ds(0, NUM_REL)]
            return _2
        lax.fori_loop(0, C, _expand, None)

    _load_expand(0, dst0, rows0)
    sp0 = pltpu.async_copy(rows0, acc.at[dst0], g0, add=True)

    def _outer_a(i2, _):
        i0 = 2 * i2
        i1 = 2 * i2 + 1

        @pl.when(i1 < n_chunks)
        def _s1():
            _load_expand(i1, dst1, rows1)
            pltpu.async_copy(rows1, acc.at[dst1], g1, add=True)

        @pl.when(i0 < n_chunks)
        def _w0():
            sp0.wait()

        @pl.when(i0 + 2 < n_chunks)
        def _s0():
            _load_expand(i0 + 2, dst0, rows0)
            pltpu.async_copy(rows0, acc.at[dst0], g0, add=True)

        @pl.when(i1 < n_chunks)
        def _w1():
            pltpu.make_async_copy(rows1, acc.at[dst1], g1).wait()
        return _
    lax.fori_loop(0, (MAX_CHUNKS + 1) // 2, _outer_a, None)

    plsc.subcore_barrier()
    _drain(pa_hbm)


_sc_scatter = functools.partial(
    pl.kernel,
    out_type=(
        jax.ShapeDtypeStruct((NC, N_PAD, D_FEAT), jnp.float32),
        jax.ShapeDtypeStruct((NC, N_PAD, D_FEAT), jnp.float32),
    ),
    mesh=plsc.VectorSubcoreMesh(core_axis_name="c", subcore_axis_name="s"),
    scratch_types=[
        pltpu.VMEM((C,), jnp.int32),
        pltpu.VMEM((C,), jnp.int32),
        pltpu.VMEM((C,), jnp.int32),
        pltpu.VMEM((C,), jnp.int32),
        pltpu.VMEM((C,), jnp.int32),
        pltpu.VMEM((C, D_FEAT), jnp.float32),
        pltpu.VMEM((C, D_FEAT), jnp.float32),
        pltpu.VMEM((C, NUM_REL), jnp.float32),
        pltpu.VMEM_SHARED((N_PAD, D_FEAT), jnp.float32),
        pltpu.SemaphoreType.DMA,
        pltpu.SemaphoreType.DMA,
    ],
)(_sc_body)


def _combine_body(px_ref, pa_ref, w_ref, o_ref):
    xs = px_ref[0] + px_ref[1]
    at = pa_ref[0] + pa_ref[1]
    o_ref[...] = xs + jnp.dot(at, w_ref[...],
                              preferred_element_type=jnp.float32)


_ROWS_BLK = 1000

_combine = pl.pallas_call(
    _combine_body,
    grid=(N_NODES // _ROWS_BLK,),
    in_specs=[
        pl.BlockSpec((NC, _ROWS_BLK, D_FEAT), lambda i: (0, i, 0)),
        pl.BlockSpec((NC, _ROWS_BLK, D_FEAT), lambda i: (0, i, 0)),
        pl.BlockSpec((D_FEAT, D_FEAT), lambda i: (0, 0)),
    ],
    out_specs=pl.BlockSpec((_ROWS_BLK, D_FEAT), lambda i: (i, 0)),
    out_shape=jax.ShapeDtypeStruct((N_NODES, D_FEAT), jnp.float32),
)


def kernel(x, edge_index, edge_attr, W_edge, b_edge):
    src = edge_index[0].astype(jnp.int32)
    dst = edge_index[1].astype(jnp.int32)
    x_aug = x + b_edge[None, :]
    w_pad = jnp.zeros((D_FEAT, D_FEAT), jnp.float32).at[:NUM_REL].set(W_edge)
    px, pa = _sc_scatter(src, dst, edge_attr, x_aug)
    return _combine(px, pa, w_pad)

# --- scband reference (transcript-rebuilt; emitter-appended) ---
"""Pipeline reference for scband-dagnn-11897059410771 (READ-ONLY COPY).

The authoritative reference and input builder live on the scoring server;
editing this copy changes nothing except your own understanding.
"""

import jax, jax.numpy as jnp
import numpy as np

N_NODES = 10000
N_EDGES = 320000
D_FEAT = 128
NUM_REL = 16


def setup_inputs(seed: int = 0) -> dict:
    key = jax.random.key(seed)
    k1, k2, k3, k4, k5 = jax.random.split(key, 5)
    x = jax.random.normal(k1, (N_NODES, D_FEAT), dtype=jnp.float32)
    edge_index = jax.random.randint(k2, (2, N_EDGES), 0, N_NODES, dtype=jnp.int64)
    edge_attr = jax.random.uniform(k3, (N_EDGES, NUM_REL), dtype=jnp.float32)
    # edge_encoder = nn.Linear(num_relations, emb_dim)
    W_edge = jax.random.normal(k4, (NUM_REL, D_FEAT), dtype=jnp.float32) * (1.0 / np.sqrt(NUM_REL))
    b_edge = jax.random.normal(k5, (D_FEAT,), dtype=jnp.float32) * 0.01
    return {"x": x, "edge_index": edge_index, "edge_attr": edge_attr, "W_edge": W_edge, "b_edge": b_edge}


def reference(x, edge_index, edge_attr, W_edge, b_edge):
    # AggConv forward (agg='add', wea=True, flow='source_to_target'):
    #   edge_embedding = edge_encoder(edge_attr)
    #   message: x_j + edge_embedding  (x_j gathered from source nodes, edge_index[0])
    #   aggregate: scatter-add into target nodes (edge_index[1])
    src = edge_index[0]
    dst = edge_index[1]
    edge_embedding = edge_attr @ W_edge + b_edge  # [E, D]
    msg = jnp.take(x, src, axis=0) + edge_embedding  # gather + add, [E, D]
    out = jax.ops.segment_sum(msg, dst, num_segments=x.shape[0])  # scatter-add, [N, D]
    return out

if __name__ == "__main__":
    import jax
    _d = setup_inputs()
    print(jax.jit(kernel)(*tuple(_d.values())))

</pallas_src>

<mosaic_0001>
#map = affine_map<(d0, d1) -> (0)>
#map1 = affine_map<(d0, d1) -> (0, 0)>
#map2 = affine_map<(d0, d1) -> (0, 0, 0)>
module attributes {stable_mosaic.version = 14 : i64} {
  func.func @_sc_body(%arg0: i32, %arg1: i32, %arg2: memref<320000xi32, #tpu.memory_space<hbm>>, %arg3: memref<320000xi32, #tpu.memory_space<hbm>>, %arg4: memref<320000x16xf32, #tpu.memory_space<hbm>>, %arg5: memref<10000x128xf32, #tpu.memory_space<hbm>>, %arg6: memref<2x10112x128xf32, #tpu.memory_space<hbm>>, %arg7: memref<2x10112x128xf32, #tpu.memory_space<hbm>>, %arg8: memref<128xi32, #tpu.memory_space<vmem>>, %arg9: memref<128xi32, #tpu.memory_space<vmem>>, %arg10: memref<128xi32, #tpu.memory_space<vmem>>, %arg11: memref<128xi32, #tpu.memory_space<vmem>>, %arg12: memref<128xi32, #tpu.memory_space<vmem>>, %arg13: memref<128x128xf32, #tpu.memory_space<vmem>>, %arg14: memref<128x128xf32, #tpu.memory_space<vmem>>, %arg15: memref<128x16xf32, #tpu.memory_space<vmem>>, %arg16: memref<10112x128xf32, #tpu.memory_space<vmem_shared>>, %arg17: memref<!tpu.dma_semaphore, #tpu.memory_space<semaphore_mem>>, %arg18: memref<!tpu.dma_semaphore, #tpu.memory_space<semaphore_mem>>) attributes {dimension_semantics = [#tpu.dimension_semantics<core_parallel>, #tpu.dimension_semantics<subcore_parallel>], iteration_bounds = array<i64: 2, 16>, scalar_prefetch = 0 : i64, scratch_operands = 11 : i64, tpu.core_type = #tpu.core_type<sc_vector_subcore>, window_params = [{transform_indices = #map}, {transform_indices = #map}, {transform_indices = #map1}, {transform_indices = #map1}, {transform_indices = #map2}, {transform_indices = #map2}]} {
    %mul3A = arith.constant 632 : i32
    %mul3A_0 = arith.muli %arg1, %mul3A : i32
    %iota3A = tpu.iota {dimensions = array<i32: 0>} : vector<16xi32>
    %broadcast_in_dim3A = arith.constant 0.000000e+00 : f32
    %broadcast_in_dim3A_1 = vector.broadcast %broadcast_in_dim3A : f32 to vector<16xf32>
    %lt3A = arith.constant 2 : i32
    %lt3A_2 = arith.cmpi slt, %arg1, %lt3A : i32
    %jit3A = arith.constant 1 : i32
    %jit3A_3 = arith.constant 0 : i32
    %select_n3A = arith.select %lt3A_2, %jit3A, %jit3A_3 : i32
    %add3A = arith.constant 78 : i32
    %add3A_4 = arith.addi %add3A, %select_n3A : i32
    %scan3A = arith.constant 0 : i32
    %scan3A_5 = arith.constant 1024 : i32
    %scan3A_6 = arith.addi %scan3A, %scan3A_5 : i32
    %scan3A_7 = arith.constant 1 : i32
    scf.for %scan3A_1406 = %scan3A to %scan3A_6 step %scan3A_7  : i32 {
      %jit3A_1407 = arith.constant 8 : i32
      %div3A = arith.divsi %scan3A_1406, %jit3A_1407 : i32
      %sign3A = arith.constant 0 : i32
      %sign3A_1408 = arith.cmpi sgt, %scan3A_1406, %sign3A : i32
      %sign3A_1409 = arith.extui %sign3A_1408 : i1 to i32
      %sign3A_1410 = arith.constant 0 : i32
      %sign3A_1411 = arith.cmpi slt, %scan3A_1406, %sign3A_1410 : i32
      %sign3A_1412 = arith.extui %sign3A_1411 : i1 to i32
      %sign3A_1413 = arith.subi %sign3A_1409, %sign3A_1412 : i32
      %sign3A_1414 = arith.constant 0 : i32
      %sign3A_1415 = arith.cmpi sgt, %jit3A_1407, %sign3A_1414 : i32
      %sign3A_1416 = arith.extui %sign3A_1415 : i1 to i32
      %sign3A_1417 = arith.constant 0 : i32
      %sign3A_1418 = arith.cmpi slt, %jit3A_1407, %sign3A_1417 : i32
      %sign3A_1419 = arith.extui %sign3A_1418 : i1 to i32
      %sign3A_1420 = arith.subi %sign3A_1416, %sign3A_1419 : i32
      %ne3A = arith.cmpi ne, %sign3A_1413, %sign3A_1420 : i32
      %rem3A = arith.remsi %scan3A_1406, %jit3A_1407 : i32
      %ne3A_1421 = arith.constant 0 : i32
      %ne3A_1422 = arith.cmpi ne, %rem3A, %ne3A_1421 : i32
      %and3A = arith.andi %ne3A, %ne3A_1422 : i1
      %sub3A = arith.constant 1 : i32
      %sub3A_1423 = arith.subi %div3A, %sub3A : i32
      %select_n3A_1424 = arith.select %and3A, %sub3A_1423, %div3A : i32
      %jit3A_1425 = arith.constant 8 : i32
      %eq3A = arith.constant 0 : i32
      %eq3A_1426 = arith.cmpi eq, %jit3A_1425, %eq3A : i32
      %jit3A_1427 = arith.constant 1 : i32
      %select_n3A_1428 = arith.select %eq3A_1426, %jit3A_1427, %jit3A_1425 : i32
      %rem3A_1429 = arith.remsi %scan3A_1406, %select_n3A_1428 : i32
      %ne3A_1430 = arith.constant 0 : i32
      %ne3A_1431 = arith.cmpi ne, %rem3A_1429, %ne3A_1430 : i32
      %lt3A_1432 = arith.constant 0 : i32
      %lt3A_1433 = arith.cmpi slt, %rem3A_1429, %lt3A_1432 : i32
      %lt3A_1434 = arith.constant 0 : i32
      %lt3A_1435 = arith.cmpi slt, %select_n3A_1428, %lt3A_1434 : i32
      %ne3A_1436 = arith.xori %lt3A_1433, %lt3A_1435 : i1
      %and3A_1437 = arith.andi %ne3A_1436, %ne3A_1431 : i1
      %add3A_1438 = arith.addi %rem3A_1429, %select_n3A_1428 : i32
      %select_n3A_1439 = arith.select %and3A_1437, %add3A_1438, %rem3A_1429 : i32
      %mul3A_1440 = arith.constant 16 : i32
      %mul3A_1441 = arith.muli %select_n3A_1439, %mul3A_1440 : i32
      %swap3A_1442 = arith.index_cast %select_n3A_1424 : i32 to index
      %swap3A_1443 = arith.index_cast %mul3A_1441 : i32 to index
      %swap3A_1444 = tpu.vector_load %arg13[%swap3A_1442, %swap3A_1443] {strides = array<i32>} : memref<128x128xf32, #tpu.memory_space<vmem>>, vector<1x16xf32>,
      %swap3A_1445 = vector.shape_cast %swap3A_1444 : vector<1x16xf32> to vector<16xf32>
      %swap3A_1446 = vector.shape_cast %broadcast_in_dim3A_1 : vector<16xf32> to vector<1x16xf32>
      tpu.vector_store %arg13[%swap3A_1442, %swap3A_1443], %swap3A_1446 {strides = array<i32>} : memref<128x128xf32, #tpu.memory_space<vmem>>, vector<1x16xf32>,
    }
    %scan3A_8 = arith.constant 1024 : i32
    %add3A_9 = arith.constant 0 : i32
    %add3A_10 = arith.addi %mul3A_0, %add3A_9 : i32
    %add3A_11 = arith.constant 0 : i32
    %add3A_12 = arith.addi %add3A_10, %add3A_11 : i32
    %add3A_13 = vector.broadcast %add3A_12 : i32 to vector<16xi32>
    %add3A_14 = arith.addi %add3A_13, %iota3A : vector<16xi32>
    %swap3A = arith.constant 0 : index
    %swap3A_15 = tpu.vector_load %arg12[%swap3A] {strides = array<i32>} : memref<128xi32, #tpu.memory_space<vmem>>, vector<16xi32>,
    %swap3A_16 = vector.shape_cast %swap3A_15 : vector<16xi32> to vector<16xi32>
    %swap3A_17 = vector.shape_cast %add3A_14 : vector<16xi32> to vector<16xi32>
    tpu.vector_store %arg12[%swap3A], %swap3A_17 {strides = array<i32>} : memref<128xi32, #tpu.memory_space<vmem>>, vector<16xi32>,
    %add3A_18 = arith.constant 16 : i32
    %add3A_19 = arith.addi %add3A_10, %add3A_18 : i32
    %add3A_20 = vector.broadcast %add3A_19 : i32 to vector<16xi32>
    %add3A_21 = arith.addi %add3A_20, %iota3A : vector<16xi32>
    %swap3A_22 = arith.constant 16 : index
    %swap3A_23 = tpu.vector_load %arg12[%swap3A_22] {strides = array<i32>} : memref<128xi32, #tpu.memory_space<vmem>>, vector<16xi32>,
    %swap3A_24 = vector.shape_cast %swap3A_23 : vector<16xi32> to vector<16xi32>
    %swap3A_25 = vector.shape_cast %add3A_21 : vector<16xi32> to vector<16xi32>
    tpu.vector_store %arg12[%swap3A_22], %swap3A_25 {strides = array<i32>} : memref<128xi32, #tpu.memory_space<vmem>>, vector<16xi32>,
    %add3A_26 = arith.constant 32 : i32
    %add3A_27 = arith.addi %add3A_10, %add3A_26 : i32
    %add3A_28 = vector.broadcast %add3A_27 : i32 to vector<16xi32>
    %add3A_29 = arith.addi %add3A_28, %iota3A : vector<16xi32>
    %swap3A_30 = arith.constant 32 : index
    %swap3A_31 = tpu.vector_load %arg12[%swap3A_30] {strides = array<i32>} : memref<128xi32, #tpu.memory_space<vmem>>, vector<16xi32>,
    %swap3A_32 = vector.shape_cast %swap3A_31 : vector<16xi32> to vector<16xi32>
    %swap3A_33 = vector.shape_cast %add3A_29 : vector<16xi32> to vector<16xi32>
    tpu.vector_store %arg12[%swap3A_30], %swap3A_33 {strides = array<i32>} : memref<128xi32, #tpu.memory_space<vmem>>, vector<16xi32>,
    %add3A_34 = arith.constant 48 : i32
    %add3A_35 = arith.addi %add3A_10, %add3A_34 : i32
    %add3A_36 = vector.broadcast %add3A_35 : i32 to vector<16xi32>
    %add3A_37 = arith.addi %add3A_36, %iota3A : vector<16xi32>
    %swap3A_38 = arith.constant 48 : index
    %swap3A_39 = tpu.vector_load %arg12[%swap3A_38] {strides = array<i32>} : memref<128xi32, #tpu.memory_space<vmem>>, vector<16xi32>,
    %swap3A_40 = vector.shape_cast %swap3A_39 : vector<16xi32> to vector<16xi32>
    %swap3A_41 = vector.shape_cast %add3A_37 : vector<16xi32> to vector<16xi32>
    tpu.vector_store %arg12[%swap3A_38], %swap3A_41 {strides = array<i32>} : memref<128xi32, #tpu.memory_space<vmem>>, vector<16xi32>,
    %add3A_42 = arith.constant 64 : i32
    %add3A_43 = arith.addi %add3A_10, %add3A_42 : i32
    %add3A_44 = vector.broadcast %add3A_43 : i32 to vector<16xi32>
    %add3A_45 = arith.addi %add3A_44, %iota3A : vector<16xi32>
    %swap3A_46 = arith.constant 64 : index
    %swap3A_47 = tpu.vector_load %arg12[%swap3A_46] {strides = array<i32>} : memref<128xi32, #tpu.memory_space<vmem>>, vector<16xi32>,
    %swap3A_48 = vector.shape_cast %swap3A_47 : vector<16xi32> to vector<16xi32>
    %swap3A_49 = vector.shape_cast %add3A_45 : vector<16xi32> to vector<16xi32>
    tpu.vector_store %arg12[%swap3A_46], %swap3A_49 {strides = array<i32>} : memref<128xi32, #tpu.memory_space<vmem>>, vector<16xi32>,
    %add3A_50 = arith.constant 80 : i32
    %add3A_51 = arith.addi %add3A_10, %add3A_50 : i32
    %add3A_52 = vector.broadcast %add3A_51 : i32 to vector<16xi32>
    %add3A_53 = arith.addi %add3A_52, %iota3A : vector<16xi32>
    %swap3A_54 = arith.constant 80 : index
    %swap3A_55 = tpu.vector_load %arg12[%swap3A_54] {strides = array<i32>} : memref<128xi32, #tpu.memory_space<vmem>>, vector<16xi32>,
    %swap3A_56 = vector.shape_cast %swap3A_55 : vector<16xi32> to vector<16xi32>
    %swap3A_57 = vector.shape_cast %add3A_53 : vector<16xi32> to vector<16xi32>
    tpu.vector_store %arg12[%swap3A_54], %swap3A_57 {strides = array<i32>} : memref<128xi32, #tpu.memory_space<vmem>>, vector<16xi32>,
    %add3A_58 = arith.constant 96 : i32
    %add3A_59 = arith.addi %add3A_10, %add3A_58 : i32
    %add3A_60 = vector.broadcast %add3A_59 : i32 to vector<16xi32>
    %add3A_61 = arith.addi %add3A_60, %iota3A : vector<16xi32>
    %swap3A_62 = arith.constant 96 : index
    %swap3A_63 = tpu.vector_load %arg12[%swap3A_62] {strides = array<i32>} : memref<128xi32, #tpu.memory_space<vmem>>, vector<16xi32>,
    %swap3A_64 = vector.shape_cast %swap3A_63 : vector<16xi32> to vector<16xi32>
    %swap3A_65 = vector.shape_cast %add3A_61 : vector<16xi32> to vector<16xi32>
    tpu.vector_store %arg12[%swap3A_62], %swap3A_65 {strides = array<i32>} : memref<128xi32, #tpu.memory_space<vmem>>, vector<16xi32>,
    %add3A_66 = arith.constant 112 : i32
    %add3A_67 = arith.addi %add3A_10, %add3A_66 : i32
    %add3A_68 = vector.broadcast %add3A_67 : i32 to vector<16xi32>
    %add3A_69 = arith.addi %add3A_68, %iota3A : vector<16xi32>
    %swap3A_70 = arith.constant 112 : index
    %swap3A_71 = tpu.vector_load %arg12[%swap3A_70] {strides = array<i32>} : memref<128xi32, #tpu.memory_space<vmem>>, vector<16xi32>,
    %swap3A_72 = vector.shape_cast %swap3A_71 : vector<16xi32> to vector<16xi32>
    %swap3A_73 = vector.shape_cast %add3A_69 : vector<16xi32> to vector<16xi32>
    tpu.vector_store %arg12[%swap3A_70], %swap3A_73 {strides = array<i32>} : memref<128xi32, #tpu.memory_space<vmem>>, vector<16xi32>,
    "tpu.region"() ({
      %run_scoped3A = tpu.sem_alloc : memref<!tpu.dma_semaphore, #tpu.memory_space<semaphore_mem>>
      %dma_start3A_1406 = arith.constant 0 : i32
      %dma_start3A_1407 = arith.constant 0 : i32
      %dma_start3A_1408 = tpu.memref_slice %arg16[%dma_start3A_1406, %dma_start3A_1407] : memref<10112x128xf32, #tpu.memory_space<vmem_shared>> -> memref<10112x128xf32, #tpu.memory_space<vmem_shared>>
      tpu.enqueue_indirect_dma source(%arg13 : memref<128x128xf32, #tpu.memory_space<vmem>>) target(%dma_start3A_1408 : memref<10112x128xf32, #tpu.memory_space<vmem_shared>>) offsets(%arg12 : memref<128xi32, #tpu.memory_space<vmem>>) semaphore(%run_scoped3A : memref<!tpu.dma_semaphore, #tpu.memory_space<semaphore_mem>>)
      %dma_wait3A = arith.constant 0 : i32
      %dma_wait3A_1409 = arith.constant 0 : i32
      %dma_wait3A_1410 = tpu.memref_slice %arg16[%dma_wait3A, %dma_wait3A_1409] : memref<10112x128xf32, #tpu.memory_space<vmem_shared>> -> memref<10112x128xf32, #tpu.memory_space<vmem_shared>>
      tpu.wait_indirect_dma semaphore(%run_scoped3A : memref<!tpu.dma_semaphore, #tpu.memory_space<semaphore_mem>>) src(%arg13 : memref<128x128xf32, #tpu.memory_space<vmem>>) dst(%dma_wait3A_1410 : memref<10112x128xf32, #tpu.memory_space<vmem_shared>>)
      tpu.yield
    }) : () -> ()
    %add3A_74 = arith.constant 128 : i32
    %add3A_75 = arith.addi %mul3A_0, %add3A_74 : i32
    %add3A_76 = arith.constant 0 : i32
    %add3A_77 = arith.addi %add3A_75, %add3A_76 : i32
    %add3A_78 = vector.broadcast %add3A_77 : i32 to vector<16xi32>
    %add3A_79 = arith.addi %add3A_78, %iota3A : vector<16xi32>
    %swap3A_80 = arith.constant 0 : index
    %swap3A_81 = tpu.vector_load %arg12[%swap3A_80] {strides = array<i32>} : memref<128xi32, #tpu.memory_space<vmem>>, vector<16xi32>,
    %swap3A_82 = vector.shape_cast %swap3A_81 : vector<16xi32> to vector<16xi32>
    %swap3A_83 = vector.shape_cast %add3A_79 : vector<16xi32> to vector<16xi32>
    tpu.vector_store %arg12[%swap3A_80], %swap3A_83 {strides = array<i32>} : memref<128xi32, #tpu.memory_space<vmem>>, vector<16xi32>,
    %add3A_84 = arith.constant 16 : i32
    %add3A_85 = arith.addi %add3A_75, %add3A_84 : i32
    %add3A_86 = vector.broadcast %add3A_85 : i32 to vector<16xi32>
    %add3A_87 = arith.addi %add3A_86, %iota3A : vector<16xi32>
    %swap3A_88 = arith.constant 16 : index
    %swap3A_89 = tpu.vector_load %arg12[%swap3A_88] {strides = array<i32>} : memref<128xi32, #tpu.memory_space<vmem>>, vector<16xi32>,
    %swap3A_90 = vector.shape_cast %swap3A_89 : vector<16xi32> to vector<16xi32>
    %swap3A_91 = vector.shape_cast %add3A_87 : vector<16xi32> to vector<16xi32>
    tpu.vector_store %arg12[%swap3A_88], %swap3A_91 {strides = array<i32>} : memref<128xi32, #tpu.memory_space<vmem>>, vector<16xi32>,
    %add3A_92 = arith.constant 32 : i32
    %add3A_93 = arith.addi %add3A_75, %add3A_92 : i32
    %add3A_94 = vector.broadcast %add3A_93 : i32 to vector<16xi32>
    %add3A_95 = arith.addi %add3A_94, %iota3A : vector<16xi32>
    %swap3A_96 = arith.constant 32 : index
    %swap3A_97 = tpu.vector_load %arg12[%swap3A_96] {strides = array<i32>} : memref<128xi32, #tpu.memory_space<vmem>>, vector<16xi32>,
    %swap3A_98 = vector.shape_cast %swap3A_97 : vector<16xi32> to vector<16xi32>
    %swap3A_99 = vector.shape_cast %add3A_95 : vector<16xi32> to vector<16xi32>
    tpu.vector_store %arg12[%swap3A_96], %swap3A_99 {strides = array<i32>} : memref<128xi32, #tpu.memory_space<vmem>>, vector<16xi32>,
    %add3A_100 = arith.constant 48 : i32
    %add3A_101 = arith.addi %add3A_75, %add3A_100 : i32
    %add3A_102 = vector.broadcast %add3A_101 : i32 to vector<16xi32>
    %add3A_103 = arith.addi %add3A_102, %iota3A : vector<16xi32>
    %swap3A_104 = arith.constant 48 : index
    %swap3A_105 = tpu.vector_load %arg12[%swap3A_104] {strides = array<i32>} : memref<128xi32, #tpu.memory_space<vmem>>, vector<16xi32>,
    %swap3A_106 = vector.shape_cast %swap3A_105 : vector<16xi32> to vector<16xi32>
    %swap3A_107 = vector.shape_cast %add3A_103 : vector<16xi32> to vector<16xi32>
    tpu.vector_store %arg12[%swap3A_104], %swap3A_107 {strides = array<i32>} : memref<128xi32, #tpu.memory_space<vmem>>, vector<16xi32>,
    %add3A_108 = arith.constant 64 : i32
    %add3A_109 = arith.addi %add3A_75, %add3A_108 : i32
    %add3A_110 = vector.broadcast %add3A_109 : i32 to vector<16xi32>
    %add3A_111 = arith.addi %add3A_110, %iota3A : vector<16xi32>
    %swap3A_112 = arith.constant 64 : index
    %swap3A_113 = tpu.vector_load %arg12[%swap3A_112] {strides = array<i32>} : memref<128xi32, #tpu.memory_space<vmem>>, vector<16xi32>,
    %swap3A_114 = vector.shape_cast %swap3A_113 : vector<16xi32> to vector<16xi32>
    %swap3A_115 = vector.shape_cast %add3A_111 : vector<16xi32> to vector<16xi32>
    tpu.vector_store %arg12[%swap3A_112], %swap3A_115 {strides = array<i32>} : memref<128xi32, #tpu.memory_space<vmem>>, vector<16xi32>,
    %add3A_116 = arith.constant 80 : i32
    %add3A_117 = arith.addi %add3A_75, %add3A_116 : i32
    %add3A_118 = vector.broadcast %add3A_117 : i32 to vector<16xi32>
    %add3A_119 = arith.addi %add3A_118, %iota3A : vector<16xi32>
    %swap3A_120 = arith.constant 80 : index
    %swap3A_121 = tpu.vector_load %arg12[%swap3A_120] {strides = array<i32>} : memref<128xi32, #tpu.memory_space<vmem>>, vector<16xi32>,
    %swap3A_122 = vector.shape_cast %swap3A_121 : vector<16xi32> to vector<16xi32>
    %swap3A_123 = vector.shape_cast %add3A_119 : vector<16xi32> to vector<16xi32>
    tpu.vector_store %arg12[%swap3A_120], %swap3A_123 {strides = array<i32>} : memref<128xi32, #tpu.memory_space<vmem>>, vector<16xi32>,
    %add3A_124 = arith.constant 96 : i32
    %add3A_125 = arith.addi %add3A_75, %add3A_124 : i32
    %add3A_126 = vector.broadcast %add3A_125 : i32 to vector<16xi32>
    %add3A_127 = arith.addi %add3A_126, %iota3A : vector<16xi32>
    %swap3A_128 = arith.constant 96 : index
    %swap3A_129 = tpu.vector_load %arg12[%swap3A_128] {strides = array<i32>} : memref<128xi32, #tpu.memory_space<vmem>>, vector<16xi32>,
    %swap3A_130 = vector.shape_cast %swap3A_129 : vector<16xi32> to vector<16xi32>
    %swap3A_131 = vector.shape_cast %add3A_127 : vector<16xi32> to vector<16xi32>
    tpu.vector_store %arg12[%swap3A_128], %swap3A_131 {strides = array<i32>} : memref<128xi32, #tpu.memory_space<vmem>>, vector<16xi32>,
    %add3A_132 = arith.constant 112 : i32
    %add3A_133 = arith.addi %add3A_75, %add3A_132 : i32
    %add3A_134 = vector.broadcast %add3A_133 : i32 to vector<16xi32>
    %add3A_135 = arith.addi %add3A_134, %iota3A : vector<16xi32>
    %swap3A_136 = arith.constant 112 : index
    %swap3A_137 = tpu.vector_load %arg12[%swap3A_136] {strides = array<i32>} : memref<128xi32, #tpu.memory_space<vmem>>, vector<16xi32>,
    %swap3A_138 = vector.shape_cast %swap3A_137 : vector<16xi32> to vector<16xi32>
    %swap3A_139 = vector.shape_cast %add3A_135 : vector<16xi32> to vector<16xi32>
    tpu.vector_store %arg12[%swap3A_136], %swap3A_139 {strides = array<i32>} : memref<128xi32, #tpu.memory_space<vmem>>, vector<16xi32>,
    "tpu.region"() ({
      %run_scoped3A = tpu.sem_alloc : memref<!tpu.dma_semaphore, #tpu.memory_space<semaphore_mem>>
      %dma_start3A_1406 = arith.constant 0 : i32
      %dma_start3A_1407 = arith.constant 0 : i32
      %dma_start3A_1408 = tpu.memref_slice %arg16[%dma_start3A_1406, %dma_start3A_1407] : memref<10112x128xf32, #tpu.memory_space<vmem_shared>> -> memref<10112x128xf32, #tpu.memory_space<vmem_shared>>
      tpu.enqueue_indirect_dma source(%arg13 : memref<128x128xf32, #tpu.memory_space<vmem>>) target(%dma_start3A_1408 : memref<10112x128xf32, #tpu.memory_space<vmem_shared>>) offsets(%arg12 : memref<128xi32, #tpu.memory_space<vmem>>) semaphore(%run_scoped3A : memref<!tpu.dma_semaphore, #tpu.memory_space<semaphore_mem>>)
      %dma_wait3A = arith.constant 0 : i32
      %dma_wait3A_1409 = arith.constant 0 : i32
      %dma_wait3A_1410 = tpu.memref_slice %arg16[%dma_wait3A, %dma_wait3A_1409] : memref<10112x128xf32, #tpu.memory_space<vmem_shared>> -> memref<10112x128xf32, #tpu.memory_space<vmem_shared>>
      tpu.wait_indirect_dma semaphore(%run_scoped3A : memref<!tpu.dma_semaphore, #tpu.memory_space<semaphore_mem>>) src(%arg13 : memref<128x128xf32, #tpu.memory_space<vmem>>) dst(%dma_wait3A_1410 : memref<10112x128xf32, #tpu.memory_space<vmem_shared>>)
      tpu.yield
    }) : () -> ()
    %add3A_140 = arith.constant 256 : i32
    %add3A_141 = arith.addi %mul3A_0, %add3A_140 : i32
    %add3A_142 = arith.constant 0 : i32
    %add3A_143 = arith.addi %add3A_141, %add3A_142 : i32
    %add3A_144 = vector.broadcast %add3A_143 : i32 to vector<16xi32>
    %add3A_145 = arith.addi %add3A_144, %iota3A : vector<16xi32>
    %swap3A_146 = arith.constant 0 : index
    %swap3A_147 = tpu.vector_load %arg12[%swap3A_146] {strides = array<i32>} : memref<128xi32, #tpu.memory_space<vmem>>, vector<16xi32>,
    %swap3A_148 = vector.shape_cast %swap3A_147 : vector<16xi32> to vector<16xi32>
    %swap3A_149 = vector.shape_cast %add3A_145 : vector<16xi32> to vector<16xi32>
    tpu.vector_store %arg12[%swap3A_146], %swap3A_149 {strides = array<i32>} : memref<128xi32, #tpu.memory_space<vmem>>, vector<16xi32>,
    %add3A_150 = arith.constant 16 : i32
    %add3A_151 = arith.addi %add3A_141, %add3A_150 : i32
    %add3A_152 = vector.broadcast %add3A_151 : i32 to vector<16xi32>
    %add3A_153 = arith.addi %add3A_152, %iota3A : vector<16xi32>
    %swap3A_154 = arith.constant 16 : index
    %swap3A_155 = tpu.vector_load %arg12[%swap3A_154] {strides = array<i32>} : memref<128xi32, #tpu.memory_space<vmem>>, vector<16xi32>,
    %swap3A_156 = vector.shape_cast %swap3A_155 : vector<16xi32> to vector<16xi32>
    %swap3A_157 = vector.shape_cast %add3A_153 : vector<16xi32> to vector<16xi32>
    tpu.vector_store %arg12[%swap3A_154], %swap3A_157 {strides = array<i32>} : memref<128xi32, #tpu.memory_space<vmem>>, vector<16xi32>,
    %add3A_158 = arith.constant 32 : i32
    %add3A_159 = arith.addi %add3A_141, %add3A_158 : i32
    %add3A_160 = vector.broadcast %add3A_159 : i32 to vector<16xi32>
    %add3A_161 = arith.addi %add3A_160, %iota3A : vector<16xi32>
    %swap3A_162 = arith.constant 32 : index
    %swap3A_163 = tpu.vector_load %arg12[%swap3A_162] {strides = array<i32>} : memref<128xi32, #tpu.memory_space<vmem>>, vector<16xi32>,
    %swap3A_164 = vector.shape_cast %swap3A_163 : vector<16xi32> to vector<16xi32>
    %swap3A_165 = vector.shape_cast %add3A_161 : vector<16xi32> to vector<16xi32>
    tpu.vector_store %arg12[%swap3A_162], %swap3A_165 {strides = array<i32>} : memref<128xi32, #tpu.memory_space<vmem>>, vector<16xi32>,
    %add3A_166 = arith.constant 48 : i32
    %add3A_167 = arith.addi %add3A_141, %add3A_166 : i32
    %add3A_168 = vector.broadcast %add3A_167 : i32 to vector<16xi32>
    %add3A_169 = arith.addi %add3A_168, %iota3A : vector<16xi32>
    %swap3A_170 = arith.constant 48 : index
    %swap3A_171 = tpu.vector_load %arg12[%swap3A_170] {strides = array<i32>} : memref<128xi32, #tpu.memory_space<vmem>>, vector<16xi32>,
    %swap3A_172 = vector.shape_cast %swap3A_171 : vector<16xi32> to vector<16xi32>
    %swap3A_173 = vector.shape_cast %add3A_169 : vector<16xi32> to vector<16xi32>
    tpu.vector_store %arg12[%swap3A_170], %swap3A_173 {strides = array<i32>} : memref<128xi32, #tpu.memory_space<vmem>>, vector<16xi32>,
    %add3A_174 = arith.constant 64 : i32
    %add3A_175 = arith.addi %add3A_141, %add3A_174 : i32
    %add3A_176 = vector.broadcast %add3A_175 : i32 to vector<16xi32>
    %add3A_177 = arith.addi %add3A_176, %iota3A : vector<16xi32>
    %swap3A_178 = arith.constant 64 : index
    %swap3A_179 = tpu.vector_load %arg12[%swap3A_178] {strides = array<i32>} : memref<128xi32, #tpu.memory_space<vmem>>, vector<16xi32>,
    %swap3A_180 = vector.shape_cast %swap3A_179 : vector<16xi32> to vector<16xi32>
    %swap3A_181 = vector.shape_cast %add3A_177 : vector<16xi32> to vector<16xi32>
    tpu.vector_store %arg12[%swap3A_178], %swap3A_181 {strides = array<i32>} : memref<128xi32, #tpu.memory_space<vmem>>, vector<16xi32>,
    %add3A_182 = arith.constant 80 : i32
    %add3A_183 = arith.addi %add3A_141, %add3A_182 : i32
    %add3A_184 = vector.broadcast %add3A_183 : i32 to vector<16xi32>
    %add3A_185 = arith.addi %add3A_184, %iota3A : vector<16xi32>
    %swap3A_186 = arith.constant 80 : index
    %swap3A_187 = tpu.vector_load %arg12[%swap3A_186] {strides = array<i32>} : memref<128xi32, #tpu.memory_space<vmem>>, vector<16xi32>,
    %swap3A_188 = vector.shape_cast %swap3A_187 : vector<16xi32> to vector<16xi32>
    %swap3A_189 = vector.shape_cast %add3A_185 : vector<16xi32> to vector<16xi32>
    tpu.vector_store %arg12[%swap3A_186], %swap3A_189 {strides = array<i32>} : memref<128xi32, #tpu.memory_space<vmem>>, vector<16xi32>,
    %add3A_190 = arith.constant 96 : i32
    %add3A_191 = arith.addi %add3A_141, %add3A_190 : i32
    %add3A_192 = vector.broadcast %add3A_191 : i32 to vector<16xi32>
    %add3A_193 = arith.addi %add3A_192, %iota3A : vector<16xi32>
    %swap3A_194 = arith.constant 96 : index
    %swap3A_195 = tpu.vector_load %arg12[%swap3A_194] {strides = array<i32>} : memref<128xi32, #tpu.memory_space<vmem>>, vector<16xi32>,
    %swap3A_196 = vector.shape_cast %swap3A_195 : vector<16xi32> to vector<16xi32>
    %swap3A_197 = vector.shape_cast %add3A_193 : vector<16xi32> to vector<16xi32>
    tpu.vector_store %arg12[%swap3A_194], %swap3A_197 {strides = array<i32>} : memref<128xi32, #tpu.memory_space<vmem>>, vector<16xi32>,
    %add3A_198 = arith.constant 112 : i32
    %add3A_199 = arith.addi %add3A_141, %add3A_198 : i32
    %add3A_200 = vector.broadcast %add3A_199 : i32 to vector<16xi32>
    %add3A_201 = arith.addi %add3A_200, %iota3A : vector<16xi32>
    %swap3A_202 = arith.constant 112 : index
    %swap3A_203 = tpu.vector_load %arg12[%swap3A_202] {strides = array<i32>} : memref<128xi32, #tpu.memory_space<vmem>>, vector<16xi32>,
    %swap3A_204 = vector.shape_cast %swap3A_203 : vector<16xi32> to vector<16xi32>
    %swap3A_205 = vector.shape_cast %add3A_201 : vector<16xi32> to vector<16xi32>
    tpu.vector_store %arg12[%swap3A_202], %swap3A_205 {strides = array<i32>} : memref<128xi32, #tpu.memory_space<vmem>>, vector<16xi32>,
    "tpu.region"() ({
      %run_scoped3A = tpu.sem_alloc : memref<!tpu.dma_semaphore, #tpu.memory_space<semaphore_mem>>
      %dma_start3A_1406 = arith.constant 0 : i32
      %dma_start3A_1407 = arith.constant 0 : i32
      %dma_start3A_1408 = tpu.memref_slice %arg16[%dma_start3A_1406, %dma_start3A_1407] : memref<10112x128xf32, #tpu.memory_space<vmem_shared>> -> memref<10112x128xf32, #tpu.memory_space<vmem_shared>>
      tpu.enqueue_indirect_dma source(%arg13 : memref<128x128xf32, #tpu.memory_space<vmem>>) target(%dma_start3A_1408 : memref<10112x128xf32, #tpu.memory_space<vmem_shared>>) offsets(%arg12 : memref<128xi32, #tpu.memory_space<vmem>>) semaphore(%run_scoped3A : memref<!tpu.dma_semaphore, #tpu.memory_space<semaphore_mem>>)
      %dma_wait3A = arith.constant 0 : i32
      %dma_wait3A_1409 = arith.constant 0 : i32
      %dma_wait3A_1410 = tpu.memref_slice %arg16[%dma_wait3A, %dma_wait3A_1409] : memref<10112x128xf32, #tpu.memory_space<vmem_shared>> -> memref<10112x128xf32, #tpu.memory_space<vmem_shared>>
      tpu.wait_indirect_dma semaphore(%run_scoped3A : memref<!tpu.dma_semaphore, #tpu.memory_space<semaphore_mem>>) src(%arg13 : memref<128x128xf32, #tpu.memory_space<vmem>>) dst(%dma_wait3A_1410 : memref<10112x128xf32, #tpu.memory_space<vmem_shared>>)
      tpu.yield
    }) : () -> ()
    %add3A_206 = arith.constant 384 : i32
    %add3A_207 = arith.addi %mul3A_0, %add3A_206 : i32
    %add3A_208 = arith.constant 0 : i32
    %add3A_209 = arith.addi %add3A_207, %add3A_208 : i32
    %add3A_210 = vector.broadcast %add3A_209 : i32 to vector<16xi32>
    %add3A_211 = arith.addi %add3A_210, %iota3A : vector<16xi32>
    %swap3A_212 = arith.constant 0 : index
    %swap3A_213 = tpu.vector_load %arg12[%swap3A_212] {strides = array<i32>} : memref<128xi32, #tpu.memory_space<vmem>>, vector<16xi32>,
    %swap3A_214 = vector.shape_cast %swap3A_213 : vector<16xi32> to vector<16xi32>
    %swap3A_215 = vector.shape_cast %add3A_211 : vector<16xi32> to vector<16xi32>
    tpu.vector_store %arg12[%swap3A_212], %swap3A_215 {strides = array<i32>} : memref<128xi32, #tpu.memory_space<vmem>>, vector<16xi32>,
    %add3A_216 = arith.constant 16 : i32
    %add3A_217 = arith.addi %add3A_207, %add3A_216 : i32
    %add3A_218 = vector.broadcast %add3A_217 : i32 to vector<16xi32>
    %add3A_219 = arith.addi %add3A_218, %iota3A : vector<16xi32>
    %swap3A_220 = arith.constant 16 : index
    %swap3A_221 = tpu.vector_load %arg12[%swap3A_220] {strides = array<i32>} : memref<128xi32, #tpu.memory_space<vmem>>, vector<16xi32>,
    %swap3A_222 = vector.shape_cast %swap3A_221 : vector<16xi32> to vector<16xi32>
    %swap3A_223 = vector.shape_cast %add3A_219 : vector<16xi32> to vector<16xi32>
    tpu.vector_store %arg12[%swap3A_220], %swap3A_223 {strides = array<i32>} : memref<128xi32, #tpu.memory_space<vmem>>, vector<16xi32>,
    %add3A_224 = arith.constant 32 : i32
    %add3A_225 = arith.addi %add3A_207, %add3A_224 : i32
    %add3A_226 = vector.broadcast %add3A_225 : i32 to vector<16xi32>
    %add3A_227 = arith.addi %add3A_226, %iota3A : vector<16xi32>
    %swap3A_228 = arith.constant 32 : index
    %swap3A_229 = tpu.vector_load %arg12[%swap3A_228] {strides = array<i32>} : memref<128xi32, #tpu.memory_space<vmem>>, vector<16xi32>,
    %swap3A_230 = vector.shape_cast %swap3A_229 : vector<16xi32> to vector<16xi32>
    %swap3A_231 = vector.shape_cast %add3A_227 : vector<16xi32> to vector<16xi32>
    tpu.vector_store %arg12[%swap3A_228], %swap3A_231 {strides = array<i32>} : memref<128xi32, #tpu.memory_space<vmem>>, vector<16xi32>,
    %add3A_232 = arith.constant 48 : i32
    %add3A_233 = arith.addi %add3A_207, %add3A_232 : i32
    %add3A_234 = vector.broadcast %add3A_233 : i32 to vector<16xi32>
    %add3A_235 = arith.addi %add3A_234, %iota3A : vector<16xi32>
    %swap3A_236 = arith.constant 48 : index
    %swap3A_237 = tpu.vector_load %arg12[%swap3A_236] {strides = array<i32>} : memref<128xi32, #tpu.memory_space<vmem>>, vector<16xi32>,
    %swap3A_238 = vector.shape_cast %swap3A_237 : vector<16xi32> to vector<16xi32>
    %swap3A_239 = vector.shape_cast %add3A_235 : vector<16xi32> to vector<16xi32>
    tpu.vector_store %arg12[%swap3A_236], %swap3A_239 {strides = array<i32>} : memref<128xi32, #tpu.memory_space<vmem>>, vector<16xi32>,
    %add3A_240 = arith.constant 64 : i32
    %add3A_241 = arith.addi %add3A_207, %add3A_240 : i32
    %add3A_242 = vector.broadcast %add3A_241 : i32 to vector<16xi32>
    %add3A_243 = arith.addi %add3A_242, %iota3A : vector<16xi32>
    %swap3A_244 = arith.constant 64 : index
    %swap3A_245 = tpu.vector_load %arg12[%swap3A_244] {strides = array<i32>} : memref<128xi32, #tpu.memory_space<vmem>>, vector<16xi32>,
    %swap3A_246 = vector.shape_cast %swap3A_245 : vector<16xi32> to vector<16xi32>
    %swap3A_247 = vector.shape_cast %add3A_243 : vector<16xi32> to vector<16xi32>
    tpu.vector_store %arg12[%swap3A_244], %swap3A_247 {strides = array<i32>} : memref<128xi32, #tpu.memory_space<vmem>>, vector<16xi32>,
    %add3A_248 = arith.constant 80 : i32
    %add3A_249 = arith.addi %add3A_207, %add3A_248 : i32
    %add3A_250 = vector.broadcast %add3A_249 : i32 to vector<16xi32>
    %add3A_251 = arith.addi %add3A_250, %iota3A : vector<16xi32>
    %swap3A_252 = arith.constant 80 : index
    %swap3A_253 = tpu.vector_load %arg12[%swap3A_252] {strides = array<i32>} : memref<128xi32, #tpu.memory_space<vmem>>, vector<16xi32>,
    %swap3A_254 = vector.shape_cast %swap3A_253 : vector<16xi32> to vector<16xi32>
    %swap3A_255 = vector.shape_cast %add3A_251 : vector<16xi32> to vector<16xi32>
    tpu.vector_store %arg12[%swap3A_252], %swap3A_255 {strides = array<i32>} : memref<128xi32, #tpu.memory_space<vmem>>, vector<16xi32>,
    %add3A_256 = arith.constant 96 : i32
    %add3A_257 = arith.addi %add3A_207, %add3A_256 : i32
    %add3A_258 = vector.broadcast %add3A_257 : i32 to vector<16xi32>
    %add3A_259 = arith.addi %add3A_258, %iota3A : vector<16xi32>
    %swap3A_260 = arith.constant 96 : index
    %swap3A_261 = tpu.vector_load %arg12[%swap3A_260] {strides = array<i32>} : memref<128xi32, #tpu.memory_space<vmem>>, vector<16xi32>,
    %swap3A_262 = vector.shape_cast %swap3A_261 : vector<16xi32> to vector<16xi32>
    %swap3A_263 = vector.shape_cast %add3A_259 : vector<16xi32> to vector<16xi32>
    tpu.vector_store %arg12[%swap3A_260], %swap3A_263 {strides = array<i32>} : memref<128xi32, #tpu.memory_space<vmem>>, vector<16xi32>,
    %add3A_264 = arith.constant 112 : i32
    %add3A_265 = arith.addi %add3A_207, %add3A_264 : i32
    %add3A_266 = vector.broadcast %add3A_265 : i32 to vector<16xi32>
    %add3A_267 = arith.addi %add3A_266, %iota3A : vector<16xi32>
    %swap3A_268 = arith.constant 112 : index
    %swap3A_269 = tpu.vector_load %arg12[%swap3A_268] {strides = array<i32>} : memref<128xi32, #tpu.memory_space<vmem>>, vector<16xi32>,
    %swap3A_270 = vector.shape_cast %swap3A_269 : vector<16xi32> to vector<16xi32>
    %swap3A_271 = vector.shape_cast %add3A_267 : vector<16xi32> to vector<16xi32>
    tpu.vector_store %arg12[%swap3A_268], %swap3A_271 {strides = array<i32>} : memref<128xi32, #tpu.memory_space<vmem>>, vector<16xi32>,
    "tpu.region"() ({
      %run_scoped3A = tpu.sem_alloc : memref<!tpu.dma_semaphore, #tpu.memory_space<semaphore_mem>>
      %dma_start3A_1406 = arith.constant 0 : i32
      %dma_start3A_1407 = arith.constant 0 : i32
      %dma_start3A_1408 = tpu.memref_slice %arg16[%dma_start3A_1406, %dma_start3A_1407] : memref<10112x128xf32, #tpu.memory_space<vmem_shared>> -> memref<10112x128xf32, #tpu.memory_space<vmem_shared>>
      tpu.enqueue_indirect_dma source(%arg13 : memref<128x128xf32, #tpu.memory_space<vmem>>) target(%dma_start3A_1408 : memref<10112x128xf32, #tpu.memory_space<vmem_shared>>) offsets(%arg12 : memref<128xi32, #tpu.memory_space<vmem>>) semaphore(%run_scoped3A : memref<!tpu.dma_semaphore, #tpu.memory_space<semaphore_mem>>)
      %dma_wait3A = arith.constant 0 : i32
      %dma_wait3A_1409 = arith.constant 0 : i32
      %dma_wait3A_1410 = tpu.memref_slice %arg16[%dma_wait3A, %dma_wait3A_1409] : memref<10112x128xf32, #tpu.memory_space<vmem_shared>> -> memref<10112x128xf32, #tpu.memory_space<vmem_shared>>
      tpu.wait_indirect_dma semaphore(%run_scoped3A : memref<!tpu.dma_semaphore, #tpu.memory_space<semaphore_mem>>) src(%arg13 : memref<128x128xf32, #tpu.memory_space<vmem>>) dst(%dma_wait3A_1410 : memref<10112x128xf32, #tpu.memory_space<vmem_shared>>)
      tpu.yield
    }) : () -> ()
    %add3A_272 = arith.constant 512 : i32
    %add3A_273 = arith.addi %mul3A_0, %add3A_272 : i32
    %add3A_274 = arith.constant 0 : i32
    %add3A_275 = arith.addi %add3A_273, %add3A_274 : i32
    %add3A_276 = vector.broadcast %add3A_275 : i32 to vector<16xi32>
    %add3A_277 = arith.addi %add3A_276, %iota3A : vector<16xi32>
    %swap3A_278 = arith.constant 0 : index
    %swap3A_279 = tpu.vector_load %arg12[%swap3A_278] {strides = array<i32>} : memref<128xi32, #tpu.memory_space<vmem>>, vector<16xi32>,
    %swap3A_280 = vector.shape_cast %swap3A_279 : vector<16xi32> to vector<16xi32>
    %swap3A_281 = vector.shape_cast %add3A_277 : vector<16xi32> to vector<16xi32>
    tpu.vector_store %arg12[%swap3A_278], %swap3A_281 {strides = array<i32>} : memref<128xi32, #tpu.memory_space<vmem>>, vector<16xi32>,
    %add3A_282 = arith.constant 16 : i32
    %add3A_283 = arith.addi %add3A_273, %add3A_282 : i32
    %add3A_284 = vector.broadcast %add3A_283 : i32 to vector<16xi32>
    %add3A_285 = arith.addi %add3A_284, %iota3A : vector<16xi32>
    %swap3A_286 = arith.constant 16 : index
    %swap3A_287 = tpu.vector_load %arg12[%swap3A_286] {strides = array<i32>} : memref<128xi32, #tpu.memory_space<vmem>>, vector<16xi32>,
    %swap3A_288 = vector.shape_cast %swap3A_287 : vector<16xi32> to vector<16xi32>
    %swap3A_289 = vector.shape_cast %add3A_285 : vector<16xi32> to vector<16xi32>
    tpu.vector_store %arg12[%swap3A_286], %swap3A_289 {strides = array<i32>} : memref<128xi32, #tpu.memory_space<vmem>>, vector<16xi32>,
    %add3A_290 = arith.constant 32 : i32
    %add3A_291 = arith.addi %add3A_273, %add3A_290 : i32
    %add3A_292 = vector.broadcast %add3A_291 : i32 to vector<16xi32>
    %add3A_293 = arith.addi %add3A_292, %iota3A : vector<16xi32>
    %swap3A_294 = arith.constant 32 : index
    %swap3A_295 = tpu.vector_load %arg12[%swap3A_294] {strides = array<i32>} : memref<128xi32, #tpu.memory_space<vmem>>, vector<16xi32>,
    %swap3A_296 = vector.shape_cast %swap3A_295 : vector<16xi32> to vector<16xi32>
    %swap3A_297 = vector.shape_cast %add3A_293 : vector<16xi32> to vector<16xi32>
    tpu.vector_store %arg12[%swap3A_294], %swap3A_297 {strides = array<i32>} : memref<128xi32, #tpu.memory_space<vmem>>, vector<16xi32>,
    %add3A_298 = arith.constant 48 : i32
    %add3A_299 = arith.addi %add3A_273, %add3A_298 : i32
    %add3A_300 = vector.broadcast %add3A_299 : i32 to vector<16xi32>
    %add3A_301 = arith.addi %add3A_300, %iota3A : vector<16xi32>
    %swap3A_302 = arith.constant 48 : index
    %swap3A_303 = tpu.vector_load %arg12[%swap3A_302] {strides = array<i32>} : memref<128xi32, #tpu.memory_space<vmem>>, vector<16xi32>,
    %swap3A_304 = vector.shape_cast %swap3A_303 : vector<16xi32> to vector<16xi32>
    %swap3A_305 = vector.shape_cast %add3A_301 : vector<16xi32> to vector<16xi32>
    tpu.vector_store %arg12[%swap3A_302], %swap3A_305 {strides = array<i32>} : memref<128xi32, #tpu.memory_space<vmem>>, vector<16xi32>,
    %add3A_306 = arith.constant 64 : i32
    %add3A_307 = arith.addi %add3A_273, %add3A_306 : i32
    %add3A_308 = vector.broadcast %add3A_307 : i32 to vector<16xi32>
    %add3A_309 = arith.addi %add3A_308, %iota3A : vector<16xi32>
    %swap3A_310 = arith.constant 64 : index
    %swap3A_311 = tpu.vector_load %arg12[%swap3A_310] {strides = array<i32>} : memref<128xi32, #tpu.memory_space<vmem>>, vector<16xi32>,
    %swap3A_312 = vector.shape_cast %swap3A_311 : vector<16xi32> to vector<16xi32>
    %swap3A_313 = vector.shape_cast %add3A_309 : vector<16xi32> to vector<16xi32>
    tpu.vector_store %arg12[%swap3A_310], %swap3A_313 {strides = array<i32>} : memref<128xi32, #tpu.memory_space<vmem>>, vector<16xi32>,
    %add3A_314 = arith.constant 80 : i32
    %add3A_315 = arith.addi %add3A_273, %add3A_314 : i32
    %add3A_316 = vector.broadcast %add3A_315 : i32 to vector<16xi32>
    %add3A_317 = arith.addi %add3A_316, %iota3A : vector<16xi32>
    %swap3A_318 = arith.constant 80 : index
    %swap3A_319 = tpu.vector_load %arg12[%swap3A_318] {strides = array<i32>} : memref<128xi32, #tpu.memory_space<vmem>>, vector<16xi32>,
    %swap3A_320 = vector.shape_cast %swap3A_319 : vector<16xi32> to vector<16xi32>
    %swap3A_321 = vector.shape_cast %add3A_317 : vector<16xi32> to vector<16xi32>
    tpu.vector_store %arg12[%swap3A_318], %swap3A_321 {strides = array<i32>} : memref<128xi32, #tpu.memory_space<vmem>>, vector<16xi32>,
    %add3A_322 = arith.constant 96 : i32
    %add3A_323 = arith.addi %add3A_273, %add3A_322 : i32
    %add3A_324 = vector.broadcast %add3A_323 : i32 to vector<16xi32>
    %add3A_325 = arith.addi %add3A_324, %iota3A : vector<16xi32>
    %swap3A_326 = arith.constant 96 : index
    %swap3A_327 = tpu.vector_load %arg12[%swap3A_326] {strides = array<i32>} : memref<128xi32, #tpu.memory_space<vmem>>, vector<16xi32>,
    %swap3A_328 = vector.shape_cast %swap3A_327 : vector<16xi32> to vector<16xi32>
    %swap3A_329 = vector.shape_cast %add3A_325 : vector<16xi32> to vector<16xi32>
    tpu.vector_store %arg12[%swap3A_326], %swap3A_329 {strides = array<i32>} : memref<128xi32, #tpu.memory_space<vmem>>, vector<16xi32>,
    %add3A_330 = arith.constant 112 : i32
    %add3A_331 = arith.addi %add3A_273, %add3A_330 : i32
    %add3A_332 = vector.broadcast %add3A_331 : i32 to vector<16xi32>
    %add3A_333 = arith.addi %add3A_332, %iota3A : vector<16xi32>
    %add3A_334 = arith.constant 112 : i32
    %add3A_335 = vector.broadcast %add3A_334 : i32 to vector<16xi32>
    %add3A_336 = arith.addi %add3A_335, %iota3A : vector<16xi32>
    %ge3A = arith.constant 120 : i32
    %ge3A_337 = vector.broadcast %ge3A : i32 to vector<16xi32>
    %ge3A_338 = arith.cmpi sge, %add3A_336, %ge3A_337 : vector<16xi32>
    %broadcast_in_dim3A_339 = vector.broadcast %add3A_273 : i32 to vector<16xi32>
    %select_n3A_340 = arith.select %ge3A_338, %broadcast_in_dim3A_339, %add3A_333 : vector<16xi1>, vector<16xi32>
    %swap3A_341 = arith.constant 112 : index
    %swap3A_342 = tpu.vector_load %arg12[%swap3A_341] {strides = array<i32>} : memref<128xi32, #tpu.memory_space<vmem>>, vector<16xi32>,
    %swap3A_343 = vector.shape_cast %swap3A_342 : vector<16xi32> to vector<16xi32>
    %swap3A_344 = vector.shape_cast %select_n3A_340 : vector<16xi32> to vector<16xi32>
    tpu.vector_store %arg12[%swap3A_341], %swap3A_344 {strides = array<i32>} : memref<128xi32, #tpu.memory_space<vmem>>, vector<16xi32>,
    "tpu.region"() ({
      %run_scoped3A = tpu.sem_alloc : memref<!tpu.dma_semaphore, #tpu.memory_space<semaphore_mem>>
      %dma_start3A_1406 = arith.constant 0 : i32
      %dma_start3A_1407 = arith.constant 0 : i32
      %dma_start3A_1408 = tpu.memref_slice %arg16[%dma_start3A_1406, %dma_start3A_1407] : memref<10112x128xf32, #tpu.memory_space<vmem_shared>> -> memref<10112x128xf32, #tpu.memory_space<vmem_shared>>
      tpu.enqueue_indirect_dma source(%arg13 : memref<128x128xf32, #tpu.memory_space<vmem>>) target(%dma_start3A_1408 : memref<10112x128xf32, #tpu.memory_space<vmem_shared>>) offsets(%arg12 : memref<128xi32, #tpu.memory_space<vmem>>) semaphore(%run_scoped3A : memref<!tpu.dma_semaphore, #tpu.memory_space<semaphore_mem>>)
      %dma_wait3A = arith.constant 0 : i32
      %dma_wait3A_1409 = arith.constant 0 : i32
      %dma_wait3A_1410 = tpu.memref_slice %arg16[%dma_wait3A, %dma_wait3A_1409] : memref<10112x128xf32, #tpu.memory_space<vmem_shared>> -> memref<10112x128xf32, #tpu.memory_space<vmem_shared>>
      tpu.wait_indirect_dma semaphore(%run_scoped3A : memref<!tpu.dma_semaphore, #tpu.memory_space<semaphore_mem>>) src(%arg13 : memref<128x128xf32, #tpu.memory_space<vmem>>) dst(%dma_wait3A_1410 : memref<10112x128xf32, #tpu.memory_space<vmem_shared>>)
      tpu.yield
    }) : () -> ()
    %barrier3A = arith.constant 0 : index
    tpu.barrier barrier_id(%barrier3A)
    %mul3A_345 = arith.constant 160000 : i32
    %mul3A_346 = arith.muli %arg0, %mul3A_345 : i32
    %add3A_347 = arith.constant 0 : i32
    %add3A_348 = arith.addi %arg1, %add3A_347 : i32
    %mul3A_349 = arith.constant 128 : i32
    %mul3A_350 = arith.muli %add3A_348, %mul3A_349 : i32
    %add3A_351 = arith.addi %mul3A_346, %mul3A_350 : i32
    "tpu.region"() ({
      %run_scoped3A = tpu.sem_alloc : memref<!tpu.dma_semaphore, #tpu.memory_space<semaphore_mem>>
      %dma_start3A_1406 = tpu.memref_slice %arg2[%add3A_351] : memref<320000xi32, #tpu.memory_space<hbm>> -> memref<128xi32, #tpu.memory_space<hbm>>
      %dma_start3A_1407 = tpu.memref_slice %arg2[%add3A_351] : memref<320000xi32, #tpu.memory_space<hbm>> -> memref<128xi32, #tpu.memory_space<hbm>>
      tpu.enqueue_dma source(%dma_start3A_1407 : memref<128xi32, #tpu.memory_space<hbm>>) target(%arg8 : memref<128xi32, #tpu.memory_space<vmem>>) target_semaphore(%run_scoped3A : memref<!tpu.dma_semaphore, #tpu.memory_space<semaphore_mem>>)
      %dma_wait3A = tpu.memref_slice %arg2[%add3A_351] : memref<320000xi32, #tpu.memory_space<hbm>> -> memref<128xi32, #tpu.memory_space<hbm>>
      %dma_wait3A_1408 = tpu.memref_slice %arg2[%add3A_351] : memref<320000xi32, #tpu.memory_space<hbm>> -> memref<128xi32, #tpu.memory_space<hbm>>
      tpu.wait_dma2 semaphore(%run_scoped3A : memref<!tpu.dma_semaphore, #tpu.memory_space<semaphore_mem>>) src(%dma_wait3A_1408 : memref<128xi32, #tpu.memory_space<hbm>>) dst(%arg8 : memref<128xi32, #tpu.memory_space<vmem>>)
      tpu.yield
    }) : () -> ()
    "tpu.region"() ({
      %run_scoped3A = tpu.sem_alloc : memref<!tpu.dma_semaphore, #tpu.memory_space<semaphore_mem>>
      %dma_start3A_1406 = tpu.memref_slice %arg3[%add3A_351] : memref<320000xi32, #tpu.memory_space<hbm>> -> memref<128xi32, #tpu.memory_space<hbm>>
      %dma_start3A_1407 = tpu.memref_slice %arg3[%add3A_351] : memref<320000xi32, #tpu.memory_space<hbm>> -> memref<128xi32, #tpu.memory_space<hbm>>
      tpu.enqueue_dma source(%dma_start3A_1407 : memref<128xi32, #tpu.memory_space<hbm>>) target(%arg10 : memref<128xi32, #tpu.memory_space<vmem>>) target_semaphore(%run_scoped3A : memref<!tpu.dma_semaphore, #tpu.memory_space<semaphore_mem>>)
      %dma_wait3A = tpu.memref_slice %arg3[%add3A_351] : memref<320000xi32, #tpu.memory_space<hbm>> -> memref<128xi32, #tpu.memory_space<hbm>>
      %dma_wait3A_1408 = tpu.memref_slice %arg3[%add3A_351] : memref<320000xi32, #tpu.memory_space<hbm>> -> memref<128xi32, #tpu.memory_space<hbm>>
      tpu.wait_dma2 semaphore(%run_scoped3A : memref<!tpu.dma_semaphore, #tpu.memory_space<semaphore_mem>>) src(%dma_wait3A_1408 : memref<128xi32, #tpu.memory_space<hbm>>) dst(%arg10 : memref<128xi32, #tpu.memory_space<vmem>>)
      tpu.yield
    }) : () -> ()
    %dma_start3A = arith.constant 0 : i32
    %dma_start3A_352 = arith.constant 0 : i32
    %dma_start3A_353 = tpu.memref_slice %arg5[%dma_start3A, %dma_start3A_352] : memref<10000x128xf32, #tpu.memory_space<hbm>> -> memref<10000x128xf32, #tpu.memory_space<hbm>>
    tpu.enqueue_indirect_dma source(%dma_start3A_353 : memref<10000x128xf32, #tpu.memory_space<hbm>>) target(%arg13 : memref<128x128xf32, #tpu.memory_space<vmem>>) offsets(%arg8 : memref<128xi32, #tpu.memory_space<vmem>>) semaphore(%arg17 : memref<!tpu.dma_semaphore, #tpu.memory_space<semaphore_mem>>)
    %scan3A_354 = arith.constant 0 : i32
    %scan3A_355 = arith.constant 40 : i32
    %scan3A_356 = arith.addi %scan3A_354, %scan3A_355 : i32
    %scan3A_357 = arith.constant 1 : i32
    scf.for %scan3A_1406 = %scan3A_354 to %scan3A_356 step %scan3A_357  : i32 {
      %mul3A_1407 = arith.constant 2 : i32
      %mul3A_1408 = arith.muli %mul3A_1407, %scan3A_1406 : i32
      %mul3A_1409 = arith.constant 2 : i32
      %mul3A_1410 = arith.muli %mul3A_1409, %scan3A_1406 : i32
      %add3A_1411 = arith.constant 1 : i32
      %add3A_1412 = arith.addi %mul3A_1410, %add3A_1411 : i32
      %lt3A_1413 = arith.cmpi slt, %add3A_1412, %add3A_4 : i32
      %convert_element_type3A = arith.extui %lt3A_1413 : i1 to i32
      %cond3A = arith.constant 0 : i32
      %cond3A_1414 = arith.cmpi ne, %convert_element_type3A, %cond3A : i32
      scf.if %cond3A_1414 {
        %mul3A_1429 = arith.constant 160000 : i32
        %mul3A_1430 = arith.muli %arg0, %mul3A_1429 : i32
        %mul3A_1431 = arith.constant 16 : i32
        %mul3A_1432 = arith.muli %add3A_1412, %mul3A_1431 : i32
        %add3A_1433 = arith.addi %arg1, %mul3A_1432 : i32
        %mul3A_1434 = arith.constant 128 : i32
        %mul3A_1435 = arith.muli %add3A_1433, %mul3A_1434 : i32
        %add3A_1436 = arith.addi %mul3A_1430, %mul3A_1435 : i32
        "tpu.region"() ({
          %run_scoped3A = tpu.sem_alloc : memref<!tpu.dma_semaphore, #tpu.memory_space<semaphore_mem>>
          %dma_start3A_1440 = tpu.memref_slice %arg2[%add3A_1436] : memref<320000xi32, #tpu.memory_space<hbm>> -> memref<128xi32, #tpu.memory_space<hbm>>
          %dma_start3A_1441 = tpu.memref_slice %arg2[%add3A_1436] : memref<320000xi32, #tpu.memory_space<hbm>> -> memref<128xi32, #tpu.memory_space<hbm>>
          tpu.enqueue_dma source(%dma_start3A_1441 : memref<128xi32, #tpu.memory_space<hbm>>) target(%arg9 : memref<128xi32, #tpu.memory_space<vmem>>) target_semaphore(%run_scoped3A : memref<!tpu.dma_semaphore, #tpu.memory_space<semaphore_mem>>)
          %dma_wait3A = tpu.memref_slice %arg2[%add3A_1436] : memref<320000xi32, #tpu.memory_space<hbm>> -> memref<128xi32, #tpu.memory_space<hbm>>
          %dma_wait3A_1442 = tpu.memref_slice %arg2[%add3A_1436] : memref<320000xi32, #tpu.memory_space<hbm>> -> memref<128xi32, #tpu.memory_space<hbm>>
          tpu.wait_dma2 semaphore(%run_scoped3A : memref<!tpu.dma_semaphore, #tpu.memory_space<semaphore_mem>>) src(%dma_wait3A_1442 : memref<128xi32, #tpu.memory_space<hbm>>) dst(%arg9 : memref<128xi32, #tpu.memory_space<vmem>>)
          tpu.yield
        }) : () -> ()
        "tpu.region"() ({
          %run_scoped3A = tpu.sem_alloc : memref<!tpu.dma_semaphore, #tpu.memory_space<semaphore_mem>>
          %dma_start3A_1440 = tpu.memref_slice %arg3[%add3A_1436] : memref<320000xi32, #tpu.memory_space<hbm>> -> memref<128xi32, #tpu.memory_space<hbm>>
          %dma_start3A_1441 = tpu.memref_slice %arg3[%add3A_1436] : memref<320000xi32, #tpu.memory_space<hbm>> -> memref<128xi32, #tpu.memory_space<hbm>>
          tpu.enqueue_dma source(%dma_start3A_1441 : memref<128xi32, #tpu.memory_space<hbm>>) target(%arg11 : memref<128xi32, #tpu.memory_space<vmem>>) target_semaphore(%run_scoped3A : memref<!tpu.dma_semaphore, #tpu.memory_space<semaphore_mem>>)
          %dma_wait3A = tpu.memref_slice %arg3[%add3A_1436] : memref<320000xi32, #tpu.memory_space<hbm>> -> memref<128xi32, #tpu.memory_space<hbm>>
          %dma_wait3A_1442 = tpu.memref_slice %arg3[%add3A_1436] : memref<320000xi32, #tpu.memory_space<hbm>> -> memref<128xi32, #tpu.memory_space<hbm>>
          tpu.wait_dma2 semaphore(%run_scoped3A : memref<!tpu.dma_semaphore, #tpu.memory_space<semaphore_mem>>) src(%dma_wait3A_1442 : memref<128xi32, #tpu.memory_space<hbm>>) dst(%arg11 : memref<128xi32, #tpu.memory_space<vmem>>)
          tpu.yield
        }) : () -> ()
        %dma_start3A_1437 = arith.constant 0 : i32
        %dma_start3A_1438 = arith.constant 0 : i32
        %dma_start3A_1439 = tpu.memref_slice %arg5[%dma_start3A_1437, %dma_start3A_1438] : memref<10000x128xf32, #tpu.memory_space<hbm>> -> memref<10000x128xf32, #tpu.memory_space<hbm>>
        tpu.enqueue_indirect_dma source(%dma_start3A_1439 : memref<10000x128xf32, #tpu.memory_space<hbm>>) target(%arg14 : memref<128x128xf32, #tpu.memory_space<vmem>>) offsets(%arg9 : memref<128xi32, #tpu.memory_space<vmem>>) semaphore(%arg18 : memref<!tpu.dma_semaphore, #tpu.memory_space<semaphore_mem>>)
      } else {
      }
      %lt3A_1415 = arith.cmpi slt, %mul3A_1408, %add3A_4 : i32
      %convert_element_type3A_1416 = arith.extui %lt3A_1415 : i1 to i32
      %cond3A_1417 = arith.constant 0 : i32
      %cond3A_1418 = arith.cmpi ne, %convert_element_type3A_1416, %cond3A_1417 : i32
      scf.if %cond3A_1418 {
        %dma_wait3A = arith.constant 0 : i32
        %dma_wait3A_1429 = arith.constant 0 : i32
        %dma_wait3A_1430 = tpu.memref_slice %arg5[%dma_wait3A, %dma_wait3A_1429] : memref<10000x128xf32, #tpu.memory_space<hbm>> -> memref<10000x128xf32, #tpu.memory_space<hbm>>
        tpu.wait_indirect_dma semaphore(%arg17 : memref<!tpu.dma_semaphore, #tpu.memory_space<semaphore_mem>>) src(%dma_wait3A_1430 : memref<10000x128xf32, #tpu.memory_space<hbm>>) dst(%arg13 : memref<128x128xf32, #tpu.memory_space<vmem>>)
        "tpu.region"() ({
          %run_scoped3A = tpu.sem_alloc : memref<!tpu.dma_semaphore, #tpu.memory_space<semaphore_mem>>
          %dma_start3A_1431 = arith.constant 0 : i32
          %dma_start3A_1432 = arith.constant 0 : i32
          %dma_start3A_1433 = tpu.memref_slice %arg16[%dma_start3A_1431, %dma_start3A_1432] : memref<10112x128xf32, #tpu.memory_space<vmem_shared>> -> memref<10112x128xf32, #tpu.memory_space<vmem_shared>>
          tpu.enqueue_indirect_dma source(%arg13 : memref<128x128xf32, #tpu.memory_space<vmem>>) target(%dma_start3A_1433 : memref<10112x128xf32, #tpu.memory_space<vmem_shared>>) offsets(%arg10 : memref<128xi32, #tpu.memory_space<vmem>>) semaphore(%run_scoped3A : memref<!tpu.dma_semaphore, #tpu.memory_space<semaphore_mem>>) {add = true}
          %dma_wait3A_1434 = arith.constant 0 : i32
          %dma_wait3A_1435 = arith.constant 0 : i32
          %dma_wait3A_1436 = tpu.memref_slice %arg16[%dma_wait3A_1434, %dma_wait3A_1435] : memref<10112x128xf32, #tpu.memory_space<vmem_shared>> -> memref<10112x128xf32, #tpu.memory_space<vmem_shared>>
          tpu.wait_indirect_dma semaphore(%run_scoped3A : memref<!tpu.dma_semaphore, #tpu.memory_space<semaphore_mem>>) src(%arg13 : memref<128x128xf32, #tpu.memory_space<vmem>>) dst(%dma_wait3A_1436 : memref<10112x128xf32, #tpu.memory_space<vmem_shared>>)
          tpu.yield
        }) : () -> ()
      } else {
      }
      %add3A_1419 = arith.constant 2 : i32
      %add3A_1420 = arith.addi %mul3A_1408, %add3A_1419 : i32
      %lt3A_1421 = arith.cmpi slt, %add3A_1420, %add3A_4 : i32
      %convert_element_type3A_1422 = arith.extui %lt3A_1421 : i1 to i32
      %cond3A_1423 = arith.constant 0 : i32
      %cond3A_1424 = arith.cmpi ne, %convert_element_type3A_1422, %cond3A_1423 : i32
      scf.if %cond3A_1424 {
        %add3A_1429 = arith.constant 2 : i32
        %add3A_1430 = arith.addi %mul3A_1408, %add3A_1429 : i32
        %mul3A_1431 = arith.constant 160000 : i32
        %mul3A_1432 = arith.muli %arg0, %mul3A_1431 : i32
        %mul3A_1433 = arith.constant 16 : i32
        %mul3A_1434 = arith.muli %add3A_1430, %mul3A_1433 : i32
        %add3A_1435 = arith.addi %arg1, %mul3A_1434 : i32
        %mul3A_1436 = arith.constant 128 : i32
        %mul3A_1437 = arith.muli %add3A_1435, %mul3A_1436 : i32
        %add3A_1438 = arith.addi %mul3A_1432, %mul3A_1437 : i32
        "tpu.region"() ({
          %run_scoped3A = tpu.sem_alloc : memref<!tpu.dma_semaphore, #tpu.memory_space<semaphore_mem>>
          %dma_start3A_1442 = tpu.memref_slice %arg2[%add3A_1438] : memref<320000xi32, #tpu.memory_space<hbm>> -> memref<128xi32, #tpu.memory_space<hbm>>
          %dma_start3A_1443 = tpu.memref_slice %arg2[%add3A_1438] : memref<320000xi32, #tpu.memory_space<hbm>> -> memref<128xi32, #tpu.memory_space<hbm>>
          tpu.enqueue_dma source(%dma_start3A_1443 : memref<128xi32, #tpu.memory_space<hbm>>) target(%arg8 : memref<128xi32, #tpu.memory_space<vmem>>) target_semaphore(%run_scoped3A : memref<!tpu.dma_semaphore, #tpu.memory_space<semaphore_mem>>)
          %dma_wait3A = tpu.memref_slice %arg2[%add3A_1438] : memref<320000xi32, #tpu.memory_space<hbm>> -> memref<128xi32, #tpu.memory_space<hbm>>
          %dma_wait3A_1444 = tpu.memref_slice %arg2[%add3A_1438] : memref<320000xi32, #tpu.memory_space<hbm>> -> memref<128xi32, #tpu.memory_space<hbm>>
          tpu.wait_dma2 semaphore(%run_scoped3A : memref<!tpu.dma_semaphore, #tpu.memory_space<semaphore_mem>>) src(%dma_wait3A_1444 : memref<128xi32, #tpu.memory_space<hbm>>) dst(%arg8 : memref<128xi32, #tpu.memory_space<vmem>>)
          tpu.yield
        }) : () -> ()
        "tpu.region"() ({
          %run_scoped3A = tpu.sem_alloc : memref<!tpu.dma_semaphore, #tpu.memory_space<semaphore_mem>>
          %dma_start3A_1442 = tpu.memref_slice %arg3[%add3A_1438] : memref<320000xi32, #tpu.memory_space<hbm>> -> memref<128xi32, #tpu.memory_space<hbm>>
          %dma_start3A_1443 = tpu.memref_slice %arg3[%add3A_1438] : memref<320000xi32, #tpu.memory_space<hbm>> -> memref<128xi32, #tpu.memory_space<hbm>>
          tpu.enqueue_dma source(%dma_start3A_1443 : memref<128xi32, #tpu.memory_space<hbm>>) target(%arg10 : memref<128xi32, #tpu.memory_space<vmem>>) target_semaphore(%run_scoped3A : memref<!tpu.dma_semaphore, #tpu.memory_space<semaphore_mem>>)
          %dma_wait3A = tpu.memref_slice %arg3[%add3A_1438] : memref<320000xi32, #tpu.memory_space<hbm>> -> memref<128xi32, #tpu.memory_space<hbm>>
          %dma_wait3A_1444 = tpu.memref_slice %arg3[%add3A_1438] : memref<320000xi32, #tpu.memory_space<hbm>> -> memref<128xi32, #tpu.memory_space<hbm>>
          tpu.wait_dma2 semaphore(%run_scoped3A : memref<!tpu.dma_semaphore, #tpu.memory_space<semaphore_mem>>) src(%dma_wait3A_1444 : memref<128xi32, #tpu.memory_space<hbm>>) dst(%arg10 : memref<128xi32, #tpu.memory_space<vmem>>)
          tpu.yield
        }) : () -> ()
        %dma_start3A_1439 = arith.constant 0 : i32
        %dma_start3A_1440 = arith.constant 0 : i32
        %dma_start3A_1441 = tpu.memref_slice %arg5[%dma_start3A_1439, %dma_start3A_1440] : memref<10000x128xf32, #tpu.memory_space<hbm>> -> memref<10000x128xf32, #tpu.memory_space<hbm>>
        tpu.enqueue_indirect_dma source(%dma_start3A_1441 : memref<10000x128xf32, #tpu.memory_space<hbm>>) target(%arg13 : memref<128x128xf32, #tpu.memory_space<vmem>>) offsets(%arg8 : memref<128xi32, #tpu.memory_space<vmem>>) semaphore(%arg17 : memref<!tpu.dma_semaphore, #tpu.memory_space<semaphore_mem>>)
      } else {
      }
      %lt3A_1425 = arith.cmpi slt, %add3A_1412, %add3A_4 : i32
      %convert_element_type3A_1426 = arith.extui %lt3A_1425 : i1 to i32
      %cond3A_1427 = arith.constant 0 : i32
      %cond3A_1428 = arith.cmpi ne, %convert_element_type3A_1426, %cond3A_1427 : i32
      scf.if %cond3A_1428 {
        %dma_wait3A = arith.constant 0 : i32
        %dma_wait3A_1429 = arith.constant 0 : i32
        %dma_wait3A_1430 = tpu.memref_slice %arg5[%dma_wait3A, %dma_wait3A_1429] : memref<10000x128xf32, #tpu.memory_space<hbm>> -> memref<10000x128xf32, #tpu.memory_space<hbm>>
        tpu.wait_indirect_dma semaphore(%arg18 : memref<!tpu.dma_semaphore, #tpu.memory_space<semaphore_mem>>) src(%dma_wait3A_1430 : memref<10000x128xf32, #tpu.memory_space<hbm>>) dst(%arg14 : memref<128x128xf32, #tpu.memory_space<vmem>>)
        "tpu.region"() ({
          %run_scoped3A = tpu.sem_alloc : memref<!tpu.dma_semaphore, #tpu.memory_space<semaphore_mem>>
          %dma_start3A_1431 = arith.constant 0 : i32
          %dma_start3A_1432 = arith.constant 0 : i32
          %dma_start3A_1433 = tpu.memref_slice %arg16[%dma_start3A_1431, %dma_start3A_1432] : memref<10112x128xf32, #tpu.memory_space<vmem_shared>> -> memref<10112x128xf32, #tpu.memory_space<vmem_shared>>
          tpu.enqueue_indirect_dma source(%arg14 : memref<128x128xf32, #tpu.memory_space<vmem>>) target(%dma_start3A_1433 : memref<10112x128xf32, #tpu.memory_space<vmem_shared>>) offsets(%arg11 : memref<128xi32, #tpu.memory_space<vmem>>) semaphore(%run_scoped3A : memref<!tpu.dma_semaphore, #tpu.memory_space<semaphore_mem>>) {add = true}
          %dma_wait3A_1434 = arith.constant 0 : i32
          %dma_wait3A_1435 = arith.constant 0 : i32
          %dma_wait3A_1436 = tpu.memref_slice %arg16[%dma_wait3A_1434, %dma_wait3A_1435] : memref<10112x128xf32, #tpu.memory_space<vmem_shared>> -> memref<10112x128xf32, #tpu.memory_space<vmem_shared>>
          tpu.wait_indirect_dma semaphore(%run_scoped3A : memref<!tpu.dma_semaphore, #tpu.memory_space<semaphore_mem>>) src(%arg14 : memref<128x128xf32, #tpu.memory_space<vmem>>) dst(%dma_wait3A_1436 : memref<10112x128xf32, #tpu.memory_space<vmem_shared>>)
          tpu.yield
        }) : () -> ()
      } else {
      }
    }
    %scan3A_358 = arith.constant 40 : i32
    %barrier3A_359 = arith.constant 0 : index
    tpu.barrier barrier_id(%barrier3A_359)
    %add3A_360 = arith.constant 0 : i32
    %add3A_361 = arith.addi %mul3A_0, %add3A_360 : i32
    %add3A_362 = arith.constant 0 : i32
    %add3A_363 = arith.addi %add3A_361, %add3A_362 : i32
    %add3A_364 = vector.broadcast %add3A_363 : i32 to vector<16xi32>
    %add3A_365 = arith.addi %add3A_364, %iota3A : vector<16xi32>
    %swap3A_366 = arith.constant 0 : index
    %swap3A_367 = tpu.vector_load %arg12[%swap3A_366] {strides = array<i32>} : memref<128xi32, #tpu.memory_space<vmem>>, vector<16xi32>,
    %swap3A_368 = vector.shape_cast %swap3A_367 : vector<16xi32> to vector<16xi32>
    %swap3A_369 = vector.shape_cast %add3A_365 : vector<16xi32> to vector<16xi32>
    tpu.vector_store %arg12[%swap3A_366], %swap3A_369 {strides = array<i32>} : memref<128xi32, #tpu.memory_space<vmem>>, vector<16xi32>,
    %add3A_370 = arith.constant 16 : i32
    %add3A_371 = arith.addi %add3A_361, %add3A_370 : i32
    %add3A_372 = vector.broadcast %add3A_371 : i32 to vector<16xi32>
    %add3A_373 = arith.addi %add3A_372, %iota3A : vector<16xi32>
    %swap3A_374 = arith.constant 16 : index
    %swap3A_375 = tpu.vector_load %arg12[%swap3A_374] {strides = array<i32>} : memref<128xi32, #tpu.memory_space<vmem>>, vector<16xi32>,
    %swap3A_376 = vector.shape_cast %swap3A_375 : vector<16xi32> to vector<16xi32>
    %swap3A_377 = vector.shape_cast %add3A_373 : vector<16xi32> to vector<16xi32>
    tpu.vector_store %arg12[%swap3A_374], %swap3A_377 {strides = array<i32>} : memref<128xi32, #tpu.memory_space<vmem>>, vector<16xi32>,
    %add3A_378 = arith.constant 32 : i32
    %add3A_379 = arith.addi %add3A_361, %add3A_378 : i32
    %add3A_380 = vector.broadcast %add3A_379 : i32 to vector<16xi32>
    %add3A_381 = arith.addi %add3A_380, %iota3A : vector<16xi32>
    %swap3A_382 = arith.constant 32 : index
    %swap3A_383 = tpu.vector_load %arg12[%swap3A_382] {strides = array<i32>} : memref<128xi32, #tpu.memory_space<vmem>>, vector<16xi32>,
    %swap3A_384 = vector.shape_cast %swap3A_383 : vector<16xi32> to vector<16xi32>
    %swap3A_385 = vector.shape_cast %add3A_381 : vector<16xi32> to vector<16xi32>
    tpu.vector_store %arg12[%swap3A_382], %swap3A_385 {strides = array<i32>} : memref<128xi32, #tpu.memory_space<vmem>>, vector<16xi32>,
    %add3A_386 = arith.constant 48 : i32
    %add3A_387 = arith.addi %add3A_361, %add3A_386 : i32
    %add3A_388 = vector.broadcast %add3A_387 : i32 to vector<16xi32>
    %add3A_389 = arith.addi %add3A_388, %iota3A : vector<16xi32>
    %swap3A_390 = arith.constant 48 : index
    %swap3A_391 = tpu.vector_load %arg12[%swap3A_390] {strides = array<i32>} : memref<128xi32, #tpu.memory_space<vmem>>, vector<16xi32>,
    %swap3A_392 = vector.shape_cast %swap3A_391 : vector<16xi32> to vector<16xi32>
    %swap3A_393 = vector.shape_cast %add3A_389 : vector<16xi32> to vector<16xi32>
    tpu.vector_store %arg12[%swap3A_390], %swap3A_393 {strides = array<i32>} : memref<128xi32, #tpu.memory_space<vmem>>, vector<16xi32>,
    %add3A_394 = arith.constant 64 : i32
    %add3A_395 = arith.addi %add3A_361, %add3A_394 : i32
    %add3A_396 = vector.broadcast %add3A_395 : i32 to vector<16xi32>
    %add3A_397 = arith.addi %add3A_396, %iota3A : vector<16xi32>
    %swap3A_398 = arith.constant 64 : index
    %swap3A_399 = tpu.vector_load %arg12[%swap3A_398] {strides = array<i32>} : memref<128xi32, #tpu.memory_space<vmem>>, vector<16xi32>,
    %swap3A_400 = vector.shape_cast %swap3A_399 : vector<16xi32> to vector<16xi32>
    %swap3A_401 = vector.shape_cast %add3A_397 : vector<16xi32> to vector<16xi32>
    tpu.vector_store %arg12[%swap3A_398], %swap3A_401 {strides = array<i32>} : memref<128xi32, #tpu.memory_space<vmem>>, vector<16xi32>,
    %add3A_402 = arith.constant 80 : i32
    %add3A_403 = arith.addi %add3A_361, %add3A_402 : i32
    %add3A_404 = vector.broadcast %add3A_403 : i32 to vector<16xi32>
    %add3A_405 = arith.addi %add3A_404, %iota3A : vector<16xi32>
    %swap3A_406 = arith.constant 80 : index
    %swap3A_407 = tpu.vector_load %arg12[%swap3A_406] {strides = array<i32>} : memref<128xi32, #tpu.memory_space<vmem>>, vector<16xi32>,
    %swap3A_408 = vector.shape_cast %swap3A_407 : vector<16xi32> to vector<16xi32>
    %swap3A_409 = vector.shape_cast %add3A_405 : vector<16xi32> to vector<16xi32>
    tpu.vector_store %arg12[%swap3A_406], %swap3A_409 {strides = array<i32>} : memref<128xi32, #tpu.memory_space<vmem>>, vector<16xi32>,
    %add3A_410 = arith.constant 96 : i32
    %add3A_411 = arith.addi %add3A_361, %add3A_410 : i32
    %add3A_412 = vector.broadcast %add3A_411 : i32 to vector<16xi32>
    %add3A_413 = arith.addi %add3A_412, %iota3A : vector<16xi32>
    %swap3A_414 = arith.constant 96 : index
    %swap3A_415 = tpu.vector_load %arg12[%swap3A_414] {strides = array<i32>} : memref<128xi32, #tpu.memory_space<vmem>>, vector<16xi32>,
    %swap3A_416 = vector.shape_cast %swap3A_415 : vector<16xi32> to vector<16xi32>
    %swap3A_417 = vector.shape_cast %add3A_413 : vector<16xi32> to vector<16xi32>
    tpu.vector_store %arg12[%swap3A_414], %swap3A_417 {strides = array<i32>} : memref<128xi32, #tpu.memory_space<vmem>>, vector<16xi32>,
    %add3A_418 = arith.constant 112 : i32
    %add3A_419 = arith.addi %add3A_361, %add3A_418 : i32
    %add3A_420 = vector.broadcast %add3A_419 : i32 to vector<16xi32>
    %add3A_421 = arith.addi %add3A_420, %iota3A : vector<16xi32>
    %swap3A_422 = arith.constant 112 : index
    %swap3A_423 = tpu.vector_load %arg12[%swap3A_422] {strides = array<i32>} : memref<128xi32, #tpu.memory_space<vmem>>, vector<16xi32>,
    %swap3A_424 = vector.shape_cast %swap3A_423 : vector<16xi32> to vector<16xi32>
    %swap3A_425 = vector.shape_cast %add3A_421 : vector<16xi32> to vector<16xi32>
    tpu.vector_store %arg12[%swap3A_422], %swap3A_425 {strides = array<i32>} : memref<128xi32, #tpu.memory_space<vmem>>, vector<16xi32>,
    "tpu.region"() ({
      %run_scoped3A = tpu.sem_alloc : memref<!tpu.dma_semaphore, #tpu.memory_space<semaphore_mem>>
      %dma_start3A_1406 = arith.constant 0 : i32
      %dma_start3A_1407 = arith.constant 0 : i32
      %dma_start3A_1408 = tpu.memref_slice %arg16[%dma_start3A_1406, %dma_start3A_1407] : memref<10112x128xf32, #tpu.memory_space<vmem_shared>> -> memref<10112x128xf32, #tpu.memory_space<vmem_shared>>
      tpu.enqueue_indirect_dma source(%dma_start3A_1408 : memref<10112x128xf32, #tpu.memory_space<vmem_shared>>) target(%arg13 : memref<128x128xf32, #tpu.memory_space<vmem>>) offsets(%arg12 : memref<128xi32, #tpu.memory_space<vmem>>) semaphore(%run_scoped3A : memref<!tpu.dma_semaphore, #tpu.memory_space<semaphore_mem>>)
      %dma_wait3A = arith.constant 0 : i32
      %dma_wait3A_1409 = arith.constant 0 : i32
      %dma_wait3A_1410 = tpu.memref_slice %arg16[%dma_wait3A, %dma_wait3A_1409] : memref<10112x128xf32, #tpu.memory_space<vmem_shared>> -> memref<10112x128xf32, #tpu.memory_space<vmem_shared>>
      tpu.wait_indirect_dma semaphore(%run_scoped3A : memref<!tpu.dma_semaphore, #tpu.memory_space<semaphore_mem>>) src(%dma_wait3A_1410 : memref<10112x128xf32, #tpu.memory_space<vmem_shared>>) dst(%arg13 : memref<128x128xf32, #tpu.memory_space<vmem>>)
      tpu.yield
    }) : () -> ()
    "tpu.region"() ({
      %run_scoped3A = tpu.sem_alloc : memref<!tpu.dma_semaphore, #tpu.memory_space<semaphore_mem>>
      %dma_start3A_1406 = arith.constant 0 : i32
      %dma_start3A_1407 = tpu.memref_slice %arg6[%arg0, %add3A_361, %dma_start3A_1406] : memref<2x10112x128xf32, #tpu.memory_space<hbm>> -> memref<1x128x128xf32, #tpu.memory_space<hbm>>
      %dma_start3A_1408 = tpu.memref_squeeze %dma_start3A_1407 : memref<1x128x128xf32, #tpu.memory_space<hbm>> -> memref<128x128xf32, #tpu.memory_space<hbm>>
      %dma_start3A_1409 = arith.constant 0 : i32
      %dma_start3A_1410 = tpu.memref_slice %arg6[%arg0, %add3A_361, %dma_start3A_1409] : memref<2x10112x128xf32, #tpu.memory_space<hbm>> -> memref<1x128x128xf32, #tpu.memory_space<hbm>>
      %dma_start3A_1411 = tpu.memref_squeeze %dma_start3A_1410 : memref<1x128x128xf32, #tpu.memory_space<hbm>> -> memref<128x128xf32, #tpu.memory_space<hbm>>
      tpu.enqueue_dma source(%arg13 : memref<128x128xf32, #tpu.memory_space<vmem>>) target(%dma_start3A_1411 : memref<128x128xf32, #tpu.memory_space<hbm>>) target_semaphore(%run_scoped3A : memref<!tpu.dma_semaphore, #tpu.memory_space<semaphore_mem>>)
      %dma_wait3A = arith.constant 0 : i32
      %dma_wait3A_1412 = tpu.memref_slice %arg6[%arg0, %add3A_361, %dma_wait3A] : memref<2x10112x128xf32, #tpu.memory_space<hbm>> -> memref<1x128x128xf32, #tpu.memory_space<hbm>>
      %dma_wait3A_1413 = tpu.memref_squeeze %dma_wait3A_1412 : memref<1x128x128xf32, #tpu.memory_space<hbm>> -> memref<128x128xf32, #tpu.memory_space<hbm>>
      %dma_wait3A_1414 = arith.constant 0 : i32
      %dma_wait3A_1415 = tpu.memref_slice %arg6[%arg0, %add3A_361, %dma_wait3A_1414] : memref<2x10112x128xf32, #tpu.memory_space<hbm>> -> memref<1x128x128xf32, #tpu.memory_space<hbm>>
      %dma_wait3A_1416 = tpu.memref_squeeze %dma_wait3A_1415 : memref<1x128x128xf32, #tpu.memory_space<hbm>> -> memref<128x128xf32, #tpu.memory_space<hbm>>
      tpu.wait_dma2 semaphore(%run_scoped3A : memref<!tpu.dma_semaphore, #tpu.memory_space<semaphore_mem>>) src(%arg13 : memref<128x128xf32, #tpu.memory_space<vmem>>) dst(%dma_wait3A_1416 : memref<128x128xf32, #tpu.memory_space<hbm>>)
      tpu.yield
    }) : () -> ()
    %add3A_426 = arith.constant 128 : i32
    %add3A_427 = arith.addi %mul3A_0, %add3A_426 : i32
    %add3A_428 = arith.constant 0 : i32
    %add3A_429 = arith.addi %add3A_427, %add3A_428 : i32
    %add3A_430 = vector.broadcast %add3A_429 : i32 to vector<16xi32>
    %add3A_431 = arith.addi %add3A_430, %iota3A : vector<16xi32>
    %swap3A_432 = arith.constant 0 : index
    %swap3A_433 = tpu.vector_load %arg12[%swap3A_432] {strides = array<i32>} : memref<128xi32, #tpu.memory_space<vmem>>, vector<16xi32>,
    %swap3A_434 = vector.shape_cast %swap3A_433 : vector<16xi32> to vector<16xi32>
    %swap3A_435 = vector.shape_cast %add3A_431 : vector<16xi32> to vector<16xi32>
    tpu.vector_store %arg12[%swap3A_432], %swap3A_435 {strides = array<i32>} : memref<128xi32, #tpu.memory_space<vmem>>, vector<16xi32>,
    %add3A_436 = arith.constant 16 : i32
    %add3A_437 = arith.addi %add3A_427, %add3A_436 : i32
    %add3A_438 = vector.broadcast %add3A_437 : i32 to vector<16xi32>
    %add3A_439 = arith.addi %add3A_438, %iota3A : vector<16xi32>
    %swap3A_440 = arith.constant 16 : index
    %swap3A_441 = tpu.vector_load %arg12[%swap3A_440] {strides = array<i32>} : memref<128xi32, #tpu.memory_space<vmem>>, vector<16xi32>,
    %swap3A_442 = vector.shape_cast %swap3A_441 : vector<16xi32> to vector<16xi32>
    %swap3A_443 = vector.shape_cast %add3A_439 : vector<16xi32> to vector<16xi32>
    tpu.vector_store %arg12[%swap3A_440], %swap3A_443 {strides = array<i32>} : memref<128xi32, #tpu.memory_space<vmem>>, vector<16xi32>,
    %add3A_444 = arith.constant 32 : i32
    %add3A_445 = arith.addi %add3A_427, %add3A_444 : i32
    %add3A_446 = vector.broadcast %add3A_445 : i32 to vector<16xi32>
    %add3A_447 = arith.addi %add3A_446, %iota3A : vector<16xi32>
    %swap3A_448 = arith.constant 32 : index
    %swap3A_449 = tpu.vector_load %arg12[%swap3A_448] {strides = array<i32>} : memref<128xi32, #tpu.memory_space<vmem>>, vector<16xi32>,
    %swap3A_450 = vector.shape_cast %swap3A_449 : vector<16xi32> to vector<16xi32>
    %swap3A_451 = vector.shape_cast %add3A_447 : vector<16xi32> to vector<16xi32>
    tpu.vector_store %arg12[%swap3A_448], %swap3A_451 {strides = array<i32>} : memref<128xi32, #tpu.memory_space<vmem>>, vector<16xi32>,
    %add3A_452 = arith.constant 48 : i32
    %add3A_453 = arith.addi %add3A_427, %add3A_452 : i32
    %add3A_454 = vector.broadcast %add3A_453 : i32 to vector<16xi32>
    %add3A_455 = arith.addi %add3A_454, %iota3A : vector<16xi32>
    %swap3A_456 = arith.constant 48 : index
    %swap3A_457 = tpu.vector_load %arg12[%swap3A_456] {strides = array<i32>} : memref<128xi32, #tpu.memory_space<vmem>>, vector<16xi32>,
    %swap3A_458 = vector.shape_cast %swap3A_457 : vector<16xi32> to vector<16xi32>
    %swap3A_459 = vector.shape_cast %add3A_455 : vector<16xi32> to vector<16xi32>
    tpu.vector_store %arg12[%swap3A_456], %swap3A_459 {strides = array<i32>} : memref<128xi32, #tpu.memory_space<vmem>>, vector<16xi32>,
    %add3A_460 = arith.constant 64 : i32
    %add3A_461 = arith.addi %add3A_427, %add3A_460 : i32
    %add3A_462 = vector.broadcast %add3A_461 : i32 to vector<16xi32>
    %add3A_463 = arith.addi %add3A_462, %iota3A : vector<16xi32>
    %swap3A_464 = arith.constant 64 : index
    %swap3A_465 = tpu.vector_load %arg12[%swap3A_464] {strides = array<i32>} : memref<128xi32, #tpu.memory_space<vmem>>, vector<16xi32>,
    %swap3A_466 = vector.shape_cast %swap3A_465 : vector<16xi32> to vector<16xi32>
    %swap3A_467 = vector.shape_cast %add3A_463 : vector<16xi32> to vector<16xi32>
    tpu.vector_store %arg12[%swap3A_464], %swap3A_467 {strides = array<i32>} : memref<128xi32, #tpu.memory_space<vmem>>, vector<16xi32>,
    %add3A_468 = arith.constant 80 : i32
    %add3A_469 = arith.addi %add3A_427, %add3A_468 : i32
    %add3A_470 = vector.broadcast %add3A_469 : i32 to vector<16xi32>
    %add3A_471 = arith.addi %add3A_470, %iota3A : vector<16xi32>
    %swap3A_472 = arith.constant 80 : index
    %swap3A_473 = tpu.vector_load %arg12[%swap3A_472] {strides = array<i32>} : memref<128xi32, #tpu.memory_space<vmem>>, vector<16xi32>,
    %swap3A_474 = vector.shape_cast %swap3A_473 : vector<16xi32> to vector<16xi32>
    %swap3A_475 = vector.shape_cast %add3A_471 : vector<16xi32> to vector<16xi32>
    tpu.vector_store %arg12[%swap3A_472], %swap3A_475 {strides = array<i32>} : memref<128xi32, #tpu.memory_space<vmem>>, vector<16xi32>,
    %add3A_476 = arith.constant 96 : i32
    %add3A_477 = arith.addi %add3A_427, %add3A_476 : i32
    %add3A_478 = vector.broadcast %add3A_477 : i32 to vector<16xi32>
    %add3A_479 = arith.addi %add3A_478, %iota3A : vector<16xi32>
    %swap3A_480 = arith.constant 96 : index
    %swap3A_481 = tpu.vector_load %arg12[%swap3A_480] {strides = array<i32>} : memref<128xi32, #tpu.memory_space<vmem>>, vector<16xi32>,
    %swap3A_482 = vector.shape_cast %swap3A_481 : vector<16xi32> to vector<16xi32>
    %swap3A_483 = vector.shape_cast %add3A_479 : vector<16xi32> to vector<16xi32>
    tpu.vector_store %arg12[%swap3A_480], %swap3A_483 {strides = array<i32>} : memref<128xi32, #tpu.memory_space<vmem>>, vector<16xi32>,
    %add3A_484 = arith.constant 112 : i32
    %add3A_485 = arith.addi %add3A_427, %add3A_484 : i32
    %add3A_486 = vector.broadcast %add3A_485 : i32 to vector<16xi32>
    %add3A_487 = arith.addi %add3A_486, %iota3A : vector<16xi32>
    %swap3A_488 = arith.constant 112 : index
    %swap3A_489 = tpu.vector_load %arg12[%swap3A_488] {strides = array<i32>} : memref<128xi32, #tpu.memory_space<vmem>>, vector<16xi32>,
    %swap3A_490 = vector.shape_cast %swap3A_489 : vector<16xi32> to vector<16xi32>
    %swap3A_491 = vector.shape_cast %add3A_487 : vector<16xi32> to vector<16xi32>
    tpu.vector_store %arg12[%swap3A_488], %swap3A_491 {strides = array<i32>} : memref<128xi32, #tpu.memory_space<vmem>>, vector<16xi32>,
    "tpu.region"() ({
      %run_scoped3A = tpu.sem_alloc : memref<!tpu.dma_semaphore, #tpu.memory_space<semaphore_mem>>
      %dma_start3A_1406 = arith.constant 0 : i32
      %dma_start3A_1407 = arith.constant 0 : i32
      %dma_start3A_1408 = tpu.memref_slice %arg16[%dma_start3A_1406, %dma_start3A_1407] : memref<10112x128xf32, #tpu.memory_space<vmem_shared>> -> memref<10112x128xf32, #tpu.memory_space<vmem_shared>>
      tpu.enqueue_indirect_dma source(%dma_start3A_1408 : memref<10112x128xf32, #tpu.memory_space<vmem_shared>>) target(%arg13 : memref<128x128xf32, #tpu.memory_space<vmem>>) offsets(%arg12 : memref<128xi32, #tpu.memory_space<vmem>>) semaphore(%run_scoped3A : memref<!tpu.dma_semaphore, #tpu.memory_space<semaphore_mem>>)
      %dma_wait3A = arith.constant 0 : i32
      %dma_wait3A_1409 = arith.constant 0 : i32
      %dma_wait3A_1410 = tpu.memref_slice %arg16[%dma_wait3A, %dma_wait3A_1409] : memref<10112x128xf32, #tpu.memory_space<vmem_shared>> -> memref<10112x128xf32, #tpu.memory_space<vmem_shared>>
      tpu.wait_indirect_dma semaphore(%run_scoped3A : memref<!tpu.dma_semaphore, #tpu.memory_space<semaphore_mem>>) src(%dma_wait3A_1410 : memref<10112x128xf32, #tpu.memory_space<vmem_shared>>) dst(%arg13 : memref<128x128xf32, #tpu.memory_space<vmem>>)
      tpu.yield
    }) : () -> ()
    "tpu.region"() ({
      %run_scoped3A = tpu.sem_alloc : memref<!tpu.dma_semaphore, #tpu.memory_space<semaphore_mem>>
      %dma_start3A_1406 = arith.constant 0 : i32
      %dma_start3A_1407 = tpu.memref_slice %arg6[%arg0, %add3A_427, %dma_start3A_1406] : memref<2x10112x128xf32, #tpu.memory_space<hbm>> -> memref<1x128x128xf32, #tpu.memory_space<hbm>>
      %dma_start3A_1408 = tpu.memref_squeeze %dma_start3A_1407 : memref<1x128x128xf32, #tpu.memory_space<hbm>> -> memref<128x128xf32, #tpu.memory_space<hbm>>
      %dma_start3A_1409 = arith.constant 0 : i32
      %dma_start3A_1410 = tpu.memref_slice %arg6[%arg0, %add3A_427, %dma_start3A_1409] : memref<2x10112x128xf32, #tpu.memory_space<hbm>> -> memref<1x128x128xf32, #tpu.memory_space<hbm>>
      %dma_start3A_1411 = tpu.memref_squeeze %dma_start3A_1410 : memref<1x128x128xf32, #tpu.memory_space<hbm>> -> memref<128x128xf32, #tpu.memory_space<hbm>>
      tpu.enqueue_dma source(%arg13 : memref<128x128xf32, #tpu.memory_space<vmem>>) target(%dma_start3A_1411 : memref<128x128xf32, #tpu.memory_space<hbm>>) target_semaphore(%run_scoped3A : memref<!tpu.dma_semaphore, #tpu.memory_space<semaphore_mem>>)
      %dma_wait3A = arith.constant 0 : i32
      %dma_wait3A_1412 = tpu.memref_slice %arg6[%arg0, %add3A_427, %dma_wait3A] : memref<2x10112x128xf32, #tpu.memory_space<hbm>> -> memref<1x128x128xf32, #tpu.memory_space<hbm>>
      %dma_wait3A_1413 = tpu.memref_squeeze %dma_wait3A_1412 : memref<1x128x128xf32, #tpu.memory_space<hbm>> -> memref<128x128xf32, #tpu.memory_space<hbm>>
      %dma_wait3A_1414 = arith.constant 0 : i32
      %dma_wait3A_1415 = tpu.memref_slice %arg6[%arg0, %add3A_427, %dma_wait3A_1414] : memref<2x10112x128xf32, #tpu.memory_space<hbm>> -> memref<1x128x128xf32, #tpu.memory_space<hbm>>
      %dma_wait3A_1416 = tpu.memref_squeeze %dma_wait3A_1415 : memref<1x128x128xf32, #tpu.memory_space<hbm>> -> memref<128x128xf32, #tpu.memory_space<hbm>>
      tpu.wait_dma2 semaphore(%run_scoped3A : memref<!tpu.dma_semaphore, #tpu.memory_space<semaphore_mem>>) src(%arg13 : memref<128x128xf32, #tpu.memory_space<vmem>>) dst(%dma_wait3A_1416 : memref<128x128xf32, #tpu.memory_space<hbm>>)
      tpu.yield
    }) : () -> ()
    %add3A_492 = arith.constant 256 : i32
    %add3A_493 = arith.addi %mul3A_0, %add3A_492 : i32
    %add3A_494 = arith.constant 0 : i32
    %add3A_495 = arith.addi %add3A_493, %add3A_494 : i32
    %add3A_496 = vector.broadcast %add3A_495 : i32 to vector<16xi32>
    %add3A_497 = arith.addi %add3A_496, %iota3A : vector<16xi32>
    %swap3A_498 = arith.constant 0 : index
    %swap3A_499 = tpu.vector_load %arg12[%swap3A_498] {strides = array<i32>} : memref<128xi32, #tpu.memory_space<vmem>>, vector<16xi32>,
    %swap3A_500 = vector.shape_cast %swap3A_499 : vector<16xi32> to vector<16xi32>
    %swap3A_501 = vector.shape_cast %add3A_497 : vector<16xi32> to vector<16xi32>
    tpu.vector_store %arg12[%swap3A_498], %swap3A_501 {strides = array<i32>} : memref<128xi32, #tpu.memory_space<vmem>>, vector<16xi32>,
    %add3A_502 = arith.constant 16 : i32
    %add3A_503 = arith.addi %add3A_493, %add3A_502 : i32
    %add3A_504 = vector.broadcast %add3A_503 : i32 to vector<16xi32>
    %add3A_505 = arith.addi %add3A_504, %iota3A : vector<16xi32>
    %swap3A_506 = arith.constant 16 : index
    %swap3A_507 = tpu.vector_load %arg12[%swap3A_506] {strides = array<i32>} : memref<128xi32, #tpu.memory_space<vmem>>, vector<16xi32>,
    %swap3A_508 = vector.shape_cast %swap3A_507 : vector<16xi32> to vector<16xi32>
    %swap3A_509 = vector.shape_cast %add3A_505 : vector<16xi32> to vector<16xi32>
    tpu.vector_store %arg12[%swap3A_506], %swap3A_509 {strides = array<i32>} : memref<128xi32, #tpu.memory_space<vmem>>, vector<16xi32>,
    %add3A_510 = arith.constant 32 : i32
    %add3A_511 = arith.addi %add3A_493, %add3A_510 : i32
    %add3A_512 = vector.broadcast %add3A_511 : i32 to vector<16xi32>
    %add3A_513 = arith.addi %add3A_512, %iota3A : vector<16xi32>
    %swap3A_514 = arith.constant 32 : index
    %swap3A_515 = tpu.vector_load %arg12[%swap3A_514] {strides = array<i32>} : memref<128xi32, #tpu.memory_space<vmem>>, vector<16xi32>,
    %swap3A_516 = vector.shape_cast %swap3A_515 : vector<16xi32> to vector<16xi32>
    %swap3A_517 = vector.shape_cast %add3A_513 : vector<16xi32> to vector<16xi32>
    tpu.vector_store %arg12[%swap3A_514], %swap3A_517 {strides = array<i32>} : memref<128xi32, #tpu.memory_space<vmem>>, vector<16xi32>,
    %add3A_518 = arith.constant 48 : i32
    %add3A_519 = arith.addi %add3A_493, %add3A_518 : i32
    %add3A_520 = vector.broadcast %add3A_519 : i32 to vector<16xi32>
    %add3A_521 = arith.addi %add3A_520, %iota3A : vector<16xi32>
    %swap3A_522 = arith.constant 48 : index
    %swap3A_523 = tpu.vector_load %arg12[%swap3A_522] {strides = array<i32>} : memref<128xi32, #tpu.memory_space<vmem>>, vector<16xi32>,
    %swap3A_524 = vector.shape_cast %swap3A_523 : vector<16xi32> to vector<16xi32>
    %swap3A_525 = vector.shape_cast %add3A_521 : vector<16xi32> to vector<16xi32>
    tpu.vector_store %arg12[%swap3A_522], %swap3A_525 {strides = array<i32>} : memref<128xi32, #tpu.memory_space<vmem>>, vector<16xi32>,
    %add3A_526 = arith.constant 64 : i32
    %add3A_527 = arith.addi %add3A_493, %add3A_526 : i32
    %add3A_528 = vector.broadcast %add3A_527 : i32 to vector<16xi32>
    %add3A_529 = arith.addi %add3A_528, %iota3A : vector<16xi32>
    %swap3A_530 = arith.constant 64 : index
    %swap3A_531 = tpu.vector_load %arg12[%swap3A_530] {strides = array<i32>} : memref<128xi32, #tpu.memory_space<vmem>>, vector<16xi32>,
    %swap3A_532 = vector.shape_cast %swap3A_531 : vector<16xi32> to vector<16xi32>
    %swap3A_533 = vector.shape_cast %add3A_529 : vector<16xi32> to vector<16xi32>
    tpu.vector_store %arg12[%swap3A_530], %swap3A_533 {strides = array<i32>} : memref<128xi32, #tpu.memory_space<vmem>>, vector<16xi32>,
    %add3A_534 = arith.constant 80 : i32
    %add3A_535 = arith.addi %add3A_493, %add3A_534 : i32
    %add3A_536 = vector.broadcast %add3A_535 : i32 to vector<16xi32>
    %add3A_537 = arith.addi %add3A_536, %iota3A : vector<16xi32>
    %swap3A_538 = arith.constant 80 : index
    %swap3A_539 = tpu.vector_load %arg12[%swap3A_538] {strides = array<i32>} : memref<128xi32, #tpu.memory_space<vmem>>, vector<16xi32>,
    %swap3A_540 = vector.shape_cast %swap3A_539 : vector<16xi32> to vector<16xi32>
    %swap3A_541 = vector.shape_cast %add3A_537 : vector<16xi32> to vector<16xi32>
    tpu.vector_store %arg12[%swap3A_538], %swap3A_541 {strides = array<i32>} : memref<128xi32, #tpu.memory_space<vmem>>, vector<16xi32>,
    %add3A_542 = arith.constant 96 : i32
    %add3A_543 = arith.addi %add3A_493, %add3A_542 : i32
    %add3A_544 = vector.broadcast %add3A_543 : i32 to vector<16xi32>
    %add3A_545 = arith.addi %add3A_544, %iota3A : vector<16xi32>
    %swap3A_546 = arith.constant 96 : index
    %swap3A_547 = tpu.vector_load %arg12[%swap3A_546] {strides = array<i32>} : memref<128xi32, #tpu.memory_space<vmem>>, vector<16xi32>,
    %swap3A_548 = vector.shape_cast %swap3A_547 : vector<16xi32> to vector<16xi32>
    %swap3A_549 = vector.shape_cast %add3A_545 : vector<16xi32> to vector<16xi32>
    tpu.vector_store %arg12[%swap3A_546], %swap3A_549 {strides = array<i32>} : memref<128xi32, #tpu.memory_space<vmem>>, vector<16xi32>,
    %add3A_550 = arith.constant 112 : i32
    %add3A_551 = arith.addi %add3A_493, %add3A_550 : i32
    %add3A_552 = vector.broadcast %add3A_551 : i32 to vector<16xi32>
    %add3A_553 = arith.addi %add3A_552, %iota3A : vector<16xi32>
    %swap3A_554 = arith.constant 112 : index
    %swap3A_555 = tpu.vector_load %arg12[%swap3A_554] {strides = array<i32>} : memref<128xi32, #tpu.memory_space<vmem>>, vector<16xi32>,
    %swap3A_556 = vector.shape_cast %swap3A_555 : vector<16xi32> to vector<16xi32>
    %swap3A_557 = vector.shape_cast %add3A_553 : vector<16xi32> to vector<16xi32>
    tpu.vector_store %arg12[%swap3A_554], %swap3A_557 {strides = array<i32>} : memref<128xi32, #tpu.memory_space<vmem>>, vector<16xi32>,
    "tpu.region"() ({
      %run_scoped3A = tpu.sem_alloc : memref<!tpu.dma_semaphore, #tpu.memory_space<semaphore_mem>>
      %dma_start3A_1406 = arith.constant 0 : i32
      %dma_start3A_1407 = arith.constant 0 : i32
      %dma_start3A_1408 = tpu.memref_slice %arg16[%dma_start3A_1406, %dma_start3A_1407] : memref<10112x128xf32, #tpu.memory_space<vmem_shared>> -> memref<10112x128xf32, #tpu.memory_space<vmem_shared>>
      tpu.enqueue_indirect_dma source(%dma_start3A_1408 : memref<10112x128xf32, #tpu.memory_space<vmem_shared>>) target(%arg13 : memref<128x128xf32, #tpu.memory_space<vmem>>) offsets(%arg12 : memref<128xi32, #tpu.memory_space<vmem>>) semaphore(%run_scoped3A : memref<!tpu.dma_semaphore, #tpu.memory_space<semaphore_mem>>)
      %dma_wait3A = arith.constant 0 : i32
      %dma_wait3A_1409 = arith.constant 0 : i32
      %dma_wait3A_1410 = tpu.memref_slice %arg16[%dma_wait3A, %dma_wait3A_1409] : memref<10112x128xf32, #tpu.memory_space<vmem_shared>> -> memref<10112x128xf32, #tpu.memory_space<vmem_shared>>
      tpu.wait_indirect_dma semaphore(%run_scoped3A : memref<!tpu.dma_semaphore, #tpu.memory_space<semaphore_mem>>) src(%dma_wait3A_1410 : memref<10112x128xf32, #tpu.memory_space<vmem_shared>>) dst(%arg13 : memref<128x128xf32, #tpu.memory_space<vmem>>)
      tpu.yield
    }) : () -> ()
    "tpu.region"() ({
      %run_scoped3A = tpu.sem_alloc : memref<!tpu.dma_semaphore, #tpu.memory_space<semaphore_mem>>
      %dma_start3A_1406 = arith.constant 0 : i32
      %dma_start3A_1407 = tpu.memref_slice %arg6[%arg0, %add3A_493, %dma_start3A_1406] : memref<2x10112x128xf32, #tpu.memory_space<hbm>> -> memref<1x128x128xf32, #tpu.memory_space<hbm>>
      %dma_start3A_1408 = tpu.memref_squeeze %dma_start3A_1407 : memref<1x128x128xf32, #tpu.memory_space<hbm>> -> memref<128x128xf32, #tpu.memory_space<hbm>>
      %dma_start3A_1409 = arith.constant 0 : i32
      %dma_start3A_1410 = tpu.memref_slice %arg6[%arg0, %add3A_493, %dma_start3A_1409] : memref<2x10112x128xf32, #tpu.memory_space<hbm>> -> memref<1x128x128xf32, #tpu.memory_space<hbm>>
      %dma_start3A_1411 = tpu.memref_squeeze %dma_start3A_1410 : memref<1x128x128xf32, #tpu.memory_space<hbm>> -> memref<128x128xf32, #tpu.memory_space<hbm>>
      tpu.enqueue_dma source(%arg13 : memref<128x128xf32, #tpu.memory_space<vmem>>) target(%dma_start3A_1411 : memref<128x128xf32, #tpu.memory_space<hbm>>) target_semaphore(%run_scoped3A : memref<!tpu.dma_semaphore, #tpu.memory_space<semaphore_mem>>)
      %dma_wait3A = arith.constant 0 : i32
      %dma_wait3A_1412 = tpu.memref_slice %arg6[%arg0, %add3A_493, %dma_wait3A] : memref<2x10112x128xf32, #tpu.memory_space<hbm>> -> memref<1x128x128xf32, #tpu.memory_space<hbm>>
      %dma_wait3A_1413 = tpu.memref_squeeze %dma_wait3A_1412 : memref<1x128x128xf32, #tpu.memory_space<hbm>> -> memref<128x128xf32, #tpu.memory_space<hbm>>
      %dma_wait3A_1414 = arith.constant 0 : i32
      %dma_wait3A_1415 = tpu.memref_slice %arg6[%arg0, %add3A_493, %dma_wait3A_1414] : memref<2x10112x128xf32, #tpu.memory_space<hbm>> -> memref<1x128x128xf32, #tpu.memory_space<hbm>>
      %dma_wait3A_1416 = tpu.memref_squeeze %dma_wait3A_1415 : memref<1x128x128xf32, #tpu.memory_space<hbm>> -> memref<128x128xf32, #tpu.memory_space<hbm>>
      tpu.wait_dma2 semaphore(%run_scoped3A : memref<!tpu.dma_semaphore, #tpu.memory_space<semaphore_mem>>) src(%arg13 : memref<128x128xf32, #tpu.memory_space<vmem>>) dst(%dma_wait3A_1416 : memref<128x128xf32, #tpu.memory_space<hbm>>)
      tpu.yield
    }) : () -> ()
    %add3A_558 = arith.constant 384 : i32
    %add3A_559 = arith.addi %mul3A_0, %add3A_558 : i32
    %add3A_560 = arith.constant 0 : i32
    %add3A_561 = arith.addi %add3A_559, %add3A_560 : i32
    %add3A_562 = vector.broadcast %add3A_561 : i32 to vector<16xi32>
    %add3A_563 = arith.addi %add3A_562, %iota3A : vector<16xi32>
    %swap3A_564 = arith.constant 0 : index
    %swap3A_565 = tpu.vector_load %arg12[%swap3A_564] {strides = array<i32>} : memref<128xi32, #tpu.memory_space<vmem>>, vector<16xi32>,
    %swap3A_566 = vector.shape_cast %swap3A_565 : vector<16xi32> to vector<16xi32>
    %swap3A_567 = vector.shape_cast %add3A_563 : vector<16xi32> to vector<16xi32>
    tpu.vector_store %arg12[%swap3A_564], %swap3A_567 {strides = array<i32>} : memref<128xi32, #tpu.memory_space<vmem>>, vector<16xi32>,
    %add3A_568 = arith.constant 16 : i32
    %add3A_569 = arith.addi %add3A_559, %add3A_568 : i32
    %add3A_570 = vector.broadcast %add3A_569 : i32 to vector<16xi32>
    %add3A_571 = arith.addi %add3A_570, %iota3A : vector<16xi32>
    %swap3A_572 = arith.constant 16 : index
    %swap3A_573 = tpu.vector_load %arg12[%swap3A_572] {strides = array<i32>} : memref<128xi32, #tpu.memory_space<vmem>>, vector<16xi32>,
    %swap3A_574 = vector.shape_cast %swap3A_573 : vector<16xi32> to vector<16xi32>
    %swap3A_575 = vector.shape_cast %add3A_571 : vector<16xi32> to vector<16xi32>
    tpu.vector_store %arg12[%swap3A_572], %swap3A_575 {strides = array<i32>} : memref<128xi32, #tpu.memory_space<vmem>>, vector<16xi32>,
    %add3A_576 = arith.constant 32 : i32
    %add3A_577 = arith.addi %add3A_559, %add3A_576 : i32
    %add3A_578 = vector.broadcast %add3A_577 : i32 to vector<16xi32>
    %add3A_579 = arith.addi %add3A_578, %iota3A : vector<16xi32>
    %swap3A_580 = arith.constant 32 : index
    %swap3A_581 = tpu.vector_load %arg12[%swap3A_580] {strides = array<i32>} : memref<128xi32, #tpu.memory_space<vmem>>, vector<16xi32>,
    %swap3A_582 = vector.shape_cast %swap3A_581 : vector<16xi32> to vector<16xi32>
    %swap3A_583 = vector.shape_cast %add3A_579 : vector<16xi32> to vector<16xi32>
    tpu.vector_store %arg12[%swap3A_580], %swap3A_583 {strides = array<i32>} : memref<128xi32, #tpu.memory_space<vmem>>, vector<16xi32>,
    %add3A_584 = arith.constant 48 : i32
    %add3A_585 = arith.addi %add3A_559, %add3A_584 : i32
    %add3A_586 = vector.broadcast %add3A_585 : i32 to vector<16xi32>
    %add3A_587 = arith.addi %add3A_586, %iota3A : vector<16xi32>
    %swap3A_588 = arith.constant 48 : index
    %swap3A_589 = tpu.vector_load %arg12[%swap3A_588] {strides = array<i32>} : memref<128xi32, #tpu.memory_space<vmem>>, vector<16xi32>,
    %swap3A_590 = vector.shape_cast %swap3A_589 : vector<16xi32> to vector<16xi32>
    %swap3A_591 = vector.shape_cast %add3A_587 : vector<16xi32> to vector<16xi32>
    tpu.vector_store %arg12[%swap3A_588], %swap3A_591 {strides = array<i32>} : memref<128xi32, #tpu.memory_space<vmem>>, vector<16xi32>,
    %add3A_592 = arith.constant 64 : i32
    %add3A_593 = arith.addi %add3A_559, %add3A_592 : i32
    %add3A_594 = vector.broadcast %add3A_593 : i32 to vector<16xi32>
    %add3A_595 = arith.addi %add3A_594, %iota3A : vector<16xi32>
    %swap3A_596 = arith.constant 64 : index
    %swap3A_597 = tpu.vector_load %arg12[%swap3A_596] {strides = array<i32>} : memref<128xi32, #tpu.memory_space<vmem>>, vector<16xi32>,
    %swap3A_598 = vector.shape_cast %swap3A_597 : vector<16xi32> to vector<16xi32>
    %swap3A_599 = vector.shape_cast %add3A_595 : vector<16xi32> to vector<16xi32>
    tpu.vector_store %arg12[%swap3A_596], %swap3A_599 {strides = array<i32>} : memref<128xi32, #tpu.memory_space<vmem>>, vector<16xi32>,
    %add3A_600 = arith.constant 80 : i32
    %add3A_601 = arith.addi %add3A_559, %add3A_600 : i32
    %add3A_602 = vector.broadcast %add3A_601 : i32 to vector<16xi32>
    %add3A_603 = arith.addi %add3A_602, %iota3A : vector<16xi32>
    %swap3A_604 = arith.constant 80 : index
    %swap3A_605 = tpu.vector_load %arg12[%swap3A_604] {strides = array<i32>} : memref<128xi32, #tpu.memory_space<vmem>>, vector<16xi32>,
    %swap3A_606 = vector.shape_cast %swap3A_605 : vector<16xi32> to vector<16xi32>
    %swap3A_607 = vector.shape_cast %add3A_603 : vector<16xi32> to vector<16xi32>
    tpu.vector_store %arg12[%swap3A_604], %swap3A_607 {strides = array<i32>} : memref<128xi32, #tpu.memory_space<vmem>>, vector<16xi32>,
    %add3A_608 = arith.constant 96 : i32
    %add3A_609 = arith.addi %add3A_559, %add3A_608 : i32
    %add3A_610 = vector.broadcast %add3A_609 : i32 to vector<16xi32>
    %add3A_611 = arith.addi %add3A_610, %iota3A : vector<16xi32>
    %swap3A_612 = arith.constant 96 : index
    %swap3A_613 = tpu.vector_load %arg12[%swap3A_612] {strides = array<i32>} : memref<128xi32, #tpu.memory_space<vmem>>, vector<16xi32>,
    %swap3A_614 = vector.shape_cast %swap3A_613 : vector<16xi32> to vector<16xi32>
    %swap3A_615 = vector.shape_cast %add3A_611 : vector<16xi32> to vector<16xi32>
    tpu.vector_store %arg12[%swap3A_612], %swap3A_615 {strides = array<i32>} : memref<128xi32, #tpu.memory_space<vmem>>, vector<16xi32>,
    %add3A_616 = arith.constant 112 : i32
    %add3A_617 = arith.addi %add3A_559, %add3A_616 : i32
    %add3A_618 = vector.broadcast %add3A_617 : i32 to vector<16xi32>
    %add3A_619 = arith.addi %add3A_618, %iota3A : vector<16xi32>
    %swap3A_620 = arith.constant 112 : index
    %swap3A_621 = tpu.vector_load %arg12[%swap3A_620] {strides = array<i32>} : memref<128xi32, #tpu.memory_space<vmem>>, vector<16xi32>,
    %swap3A_622 = vector.shape_cast %swap3A_621 : vector<16xi32> to vector<16xi32>
    %swap3A_623 = vector.shape_cast %add3A_619 : vector<16xi32> to vector<16xi32>
    tpu.vector_store %arg12[%swap3A_620], %swap3A_623 {strides = array<i32>} : memref<128xi32, #tpu.memory_space<vmem>>, vector<16xi32>,
    "tpu.region"() ({
      %run_scoped3A = tpu.sem_alloc : memref<!tpu.dma_semaphore, #tpu.memory_space<semaphore_mem>>
      %dma_start3A_1406 = arith.constant 0 : i32
      %dma_start3A_1407 = arith.constant 0 : i32
      %dma_start3A_1408 = tpu.memref_slice %arg16[%dma_start3A_1406, %dma_start3A_1407] : memref<10112x128xf32, #tpu.memory_space<vmem_shared>> -> memref<10112x128xf32, #tpu.memory_space<vmem_shared>>
      tpu.enqueue_indirect_dma source(%dma_start3A_1408 : memref<10112x128xf32, #tpu.memory_space<vmem_shared>>) target(%arg13 : memref<128x128xf32, #tpu.memory_space<vmem>>) offsets(%arg12 : memref<128xi32, #tpu.memory_space<vmem>>) semaphore(%run_scoped3A : memref<!tpu.dma_semaphore, #tpu.memory_space<semaphore_mem>>)
      %dma_wait3A = arith.constant 0 : i32
      %dma_wait3A_1409 = arith.constant 0 : i32
      %dma_wait3A_1410 = tpu.memref_slice %arg16[%dma_wait3A, %dma_wait3A_1409] : memref<10112x128xf32, #tpu.memory_space<vmem_shared>> -> memref<10112x128xf32, #tpu.memory_space<vmem_shared>>
      tpu.wait_indirect_dma semaphore(%run_scoped3A : memref<!tpu.dma_semaphore, #tpu.memory_space<semaphore_mem>>) src(%dma_wait3A_1410 : memref<10112x128xf32, #tpu.memory_space<vmem_shared>>) dst(%arg13 : memref<128x128xf32, #tpu.memory_space<vmem>>)
      tpu.yield
    }) : () -> ()
    "tpu.region"() ({
      %run_scoped3A = tpu.sem_alloc : memref<!tpu.dma_semaphore, #tpu.memory_space<semaphore_mem>>
      %dma_start3A_1406 = arith.constant 0 : i32
      %dma_start3A_1407 = tpu.memref_slice %arg6[%arg0, %add3A_559, %dma_start3A_1406] : memref<2x10112x128xf32, #tpu.memory_space<hbm>> -> memref<1x128x128xf32, #tpu.memory_space<hbm>>
      %dma_start3A_1408 = tpu.memref_squeeze %dma_start3A_1407 : memref<1x128x128xf32, #tpu.memory_space<hbm>> -> memref<128x128xf32, #tpu.memory_space<hbm>>
      %dma_start3A_1409 = arith.constant 0 : i32
      %dma_start3A_1410 = tpu.memref_slice %arg6[%arg0, %add3A_559, %dma_start3A_1409] : memref<2x10112x128xf32, #tpu.memory_space<hbm>> -> memref<1x128x128xf32, #tpu.memory_space<hbm>>
      %dma_start3A_1411 = tpu.memref_squeeze %dma_start3A_1410 : memref<1x128x128xf32, #tpu.memory_space<hbm>> -> memref<128x128xf32, #tpu.memory_space<hbm>>
      tpu.enqueue_dma source(%arg13 : memref<128x128xf32, #tpu.memory_space<vmem>>) target(%dma_start3A_1411 : memref<128x128xf32, #tpu.memory_space<hbm>>) target_semaphore(%run_scoped3A : memref<!tpu.dma_semaphore, #tpu.memory_space<semaphore_mem>>)
      %dma_wait3A = arith.constant 0 : i32
      %dma_wait3A_1412 = tpu.memref_slice %arg6[%arg0, %add3A_559, %dma_wait3A] : memref<2x10112x128xf32, #tpu.memory_space<hbm>> -> memref<1x128x128xf32, #tpu.memory_space<hbm>>
      %dma_wait3A_1413 = tpu.memref_squeeze %dma_wait3A_1412 : memref<1x128x128xf32, #tpu.memory_space<hbm>> -> memref<128x128xf32, #tpu.memory_space<hbm>>
      %dma_wait3A_1414 = arith.constant 0 : i32
      %dma_wait3A_1415 = tpu.memref_slice %arg6[%arg0, %add3A_559, %dma_wait3A_1414] : memref<2x10112x128xf32, #tpu.memory_space<hbm>> -> memref<1x128x128xf32, #tpu.memory_space<hbm>>
      %dma_wait3A_1416 = tpu.memref_squeeze %dma_wait3A_1415 : memref<1x128x128xf32, #tpu.memory_space<hbm>> -> memref<128x128xf32, #tpu.memory_space<hbm>>
      tpu.wait_dma2 semaphore(%run_scoped3A : memref<!tpu.dma_semaphore, #tpu.memory_space<semaphore_mem>>) src(%arg13 : memref<128x128xf32, #tpu.memory_space<vmem>>) dst(%dma_wait3A_1416 : memref<128x128xf32, #tpu.memory_space<hbm>>)
      tpu.yield
    }) : () -> ()
    %add3A_624 = arith.constant 512 : i32
    %add3A_625 = arith.addi %mul3A_0, %add3A_624 : i32
    %add3A_626 = arith.constant 0 : i32
    %add3A_627 = arith.addi %add3A_625, %add3A_626 : i32
    %add3A_628 = vector.broadcast %add3A_627 : i32 to vector<16xi32>
    %add3A_629 = arith.addi %add3A_628, %iota3A : vector<16xi32>
    %swap3A_630 = arith.constant 0 : index
    %swap3A_631 = tpu.vector_load %arg12[%swap3A_630] {strides = array<i32>} : memref<128xi32, #tpu.memory_space<vmem>>, vector<16xi32>,
    %swap3A_632 = vector.shape_cast %swap3A_631 : vector<16xi32> to vector<16xi32>
    %swap3A_633 = vector.shape_cast %add3A_629 : vector<16xi32> to vector<16xi32>
    tpu.vector_store %arg12[%swap3A_630], %swap3A_633 {strides = array<i32>} : memref<128xi32, #tpu.memory_space<vmem>>, vector<16xi32>,
    %add3A_634 = arith.constant 16 : i32
    %add3A_635 = arith.addi %add3A_625, %add3A_634 : i32
    %add3A_636 = vector.broadcast %add3A_635 : i32 to vector<16xi32>
    %add3A_637 = arith.addi %add3A_636, %iota3A : vector<16xi32>
    %swap3A_638 = arith.constant 16 : index
    %swap3A_639 = tpu.vector_load %arg12[%swap3A_638] {strides = array<i32>} : memref<128xi32, #tpu.memory_space<vmem>>, vector<16xi32>,
    %swap3A_640 = vector.shape_cast %swap3A_639 : vector<16xi32> to vector<16xi32>
    %swap3A_641 = vector.shape_cast %add3A_637 : vector<16xi32> to vector<16xi32>
    tpu.vector_store %arg12[%swap3A_638], %swap3A_641 {strides = array<i32>} : memref<128xi32, #tpu.memory_space<vmem>>, vector<16xi32>,
    %add3A_642 = arith.constant 32 : i32
    %add3A_643 = arith.addi %add3A_625, %add3A_642 : i32
    %add3A_644 = vector.broadcast %add3A_643 : i32 to vector<16xi32>
    %add3A_645 = arith.addi %add3A_644, %iota3A : vector<16xi32>
    %swap3A_646 = arith.constant 32 : index
    %swap3A_647 = tpu.vector_load %arg12[%swap3A_646] {strides = array<i32>} : memref<128xi32, #tpu.memory_space<vmem>>, vector<16xi32>,
    %swap3A_648 = vector.shape_cast %swap3A_647 : vector<16xi32> to vector<16xi32>
    %swap3A_649 = vector.shape_cast %add3A_645 : vector<16xi32> to vector<16xi32>
    tpu.vector_store %arg12[%swap3A_646], %swap3A_649 {strides = array<i32>} : memref<128xi32, #tpu.memory_space<vmem>>, vector<16xi32>,
    %add3A_650 = arith.constant 48 : i32
    %add3A_651 = arith.addi %add3A_625, %add3A_650 : i32
    %add3A_652 = vector.broadcast %add3A_651 : i32 to vector<16xi32>
    %add3A_653 = arith.addi %add3A_652, %iota3A : vector<16xi32>
    %swap3A_654 = arith.constant 48 : index
    %swap3A_655 = tpu.vector_load %arg12[%swap3A_654] {strides = array<i32>} : memref<128xi32, #tpu.memory_space<vmem>>, vector<16xi32>,
    %swap3A_656 = vector.shape_cast %swap3A_655 : vector<16xi32> to vector<16xi32>
    %swap3A_657 = vector.shape_cast %add3A_653 : vector<16xi32> to vector<16xi32>
    tpu.vector_store %arg12[%swap3A_654], %swap3A_657 {strides = array<i32>} : memref<128xi32, #tpu.memory_space<vmem>>, vector<16xi32>,
    %add3A_658 = arith.constant 64 : i32
    %add3A_659 = arith.addi %add3A_625, %add3A_658 : i32
    %add3A_660 = vector.broadcast %add3A_659 : i32 to vector<16xi32>
    %add3A_661 = arith.addi %add3A_660, %iota3A : vector<16xi32>
    %swap3A_662 = arith.constant 64 : index
    %swap3A_663 = tpu.vector_load %arg12[%swap3A_662] {strides = array<i32>} : memref<128xi32, #tpu.memory_space<vmem>>, vector<16xi32>,
    %swap3A_664 = vector.shape_cast %swap3A_663 : vector<16xi32> to vector<16xi32>
    %swap3A_665 = vector.shape_cast %add3A_661 : vector<16xi32> to vector<16xi32>
    tpu.vector_store %arg12[%swap3A_662], %swap3A_665 {strides = array<i32>} : memref<128xi32, #tpu.memory_space<vmem>>, vector<16xi32>,
    %add3A_666 = arith.constant 80 : i32
    %add3A_667 = arith.addi %add3A_625, %add3A_666 : i32
    %add3A_668 = vector.broadcast %add3A_667 : i32 to vector<16xi32>
    %add3A_669 = arith.addi %add3A_668, %iota3A : vector<16xi32>
    %swap3A_670 = arith.constant 80 : index
    %swap3A_671 = tpu.vector_load %arg12[%swap3A_670] {strides = array<i32>} : memref<128xi32, #tpu.memory_space<vmem>>, vector<16xi32>,
    %swap3A_672 = vector.shape_cast %swap3A_671 : vector<16xi32> to vector<16xi32>
    %swap3A_673 = vector.shape_cast %add3A_669 : vector<16xi32> to vector<16xi32>
    tpu.vector_store %arg12[%swap3A_670], %swap3A_673 {strides = array<i32>} : memref<128xi32, #tpu.memory_space<vmem>>, vector<16xi32>,
    %add3A_674 = arith.constant 96 : i32
    %add3A_675 = arith.addi %add3A_625, %add3A_674 : i32
    %add3A_676 = vector.broadcast %add3A_675 : i32 to vector<16xi32>
    %add3A_677 = arith.addi %add3A_676, %iota3A : vector<16xi32>
    %swap3A_678 = arith.constant 96 : index
    %swap3A_679 = tpu.vector_load %arg12[%swap3A_678] {strides = array<i32>} : memref<128xi32, #tpu.memory_space<vmem>>, vector<16xi32>,
    %swap3A_680 = vector.shape_cast %swap3A_679 : vector<16xi32> to vector<16xi32>
    %swap3A_681 = vector.shape_cast %add3A_677 : vector<16xi32> to vector<16xi32>
    tpu.vector_store %arg12[%swap3A_678], %swap3A_681 {strides = array<i32>} : memref<128xi32, #tpu.memory_space<vmem>>, vector<16xi32>,
    %add3A_682 = arith.constant 112 : i32
    %add3A_683 = arith.addi %add3A_625, %add3A_682 : i32
    %add3A_684 = vector.broadcast %add3A_683 : i32 to vector<16xi32>
    %add3A_685 = arith.addi %add3A_684, %iota3A : vector<16xi32>
    %add3A_686 = arith.constant 112 : i32
    %add3A_687 = vector.broadcast %add3A_686 : i32 to vector<16xi32>
    %add3A_688 = arith.addi %add3A_687, %iota3A : vector<16xi32>
    %ge3A_689 = arith.constant 120 : i32
    %ge3A_690 = vector.broadcast %ge3A_689 : i32 to vector<16xi32>
    %ge3A_691 = arith.cmpi sge, %add3A_688, %ge3A_690 : vector<16xi32>
    %broadcast_in_dim3A_692 = vector.broadcast %add3A_625 : i32 to vector<16xi32>
    %select_n3A_693 = arith.select %ge3A_691, %broadcast_in_dim3A_692, %add3A_685 : vector<16xi1>, vector<16xi32>
    %swap3A_694 = arith.constant 112 : index
    %swap3A_695 = tpu.vector_load %arg12[%swap3A_694] {strides = array<i32>} : memref<128xi32, #tpu.memory_space<vmem>>, vector<16xi32>,
    %swap3A_696 = vector.shape_cast %swap3A_695 : vector<16xi32> to vector<16xi32>
    %swap3A_697 = vector.shape_cast %select_n3A_693 : vector<16xi32> to vector<16xi32>
    tpu.vector_store %arg12[%swap3A_694], %swap3A_697 {strides = array<i32>} : memref<128xi32, #tpu.memory_space<vmem>>, vector<16xi32>,
    "tpu.region"() ({
      %run_scoped3A = tpu.sem_alloc : memref<!tpu.dma_semaphore, #tpu.memory_space<semaphore_mem>>
      %dma_start3A_1406 = arith.constant 0 : i32
      %dma_start3A_1407 = arith.constant 0 : i32
      %dma_start3A_1408 = tpu.memref_slice %arg16[%dma_start3A_1406, %dma_start3A_1407] : memref<10112x128xf32, #tpu.memory_space<vmem_shared>> -> memref<10112x128xf32, #tpu.memory_space<vmem_shared>>
      tpu.enqueue_indirect_dma source(%dma_start3A_1408 : memref<10112x128xf32, #tpu.memory_space<vmem_shared>>) target(%arg13 : memref<128x128xf32, #tpu.memory_space<vmem>>) offsets(%arg12 : memref<128xi32, #tpu.memory_space<vmem>>) semaphore(%run_scoped3A : memref<!tpu.dma_semaphore, #tpu.memory_space<semaphore_mem>>)
      %dma_wait3A = arith.constant 0 : i32
      %dma_wait3A_1409 = arith.constant 0 : i32
      %dma_wait3A_1410 = tpu.memref_slice %arg16[%dma_wait3A, %dma_wait3A_1409] : memref<10112x128xf32, #tpu.memory_space<vmem_shared>> -> memref<10112x128xf32, #tpu.memory_space<vmem_shared>>
      tpu.wait_indirect_dma semaphore(%run_scoped3A : memref<!tpu.dma_semaphore, #tpu.memory_space<semaphore_mem>>) src(%dma_wait3A_1410 : memref<10112x128xf32, #tpu.memory_space<vmem_shared>>) dst(%arg13 : memref<128x128xf32, #tpu.memory_space<vmem>>)
      tpu.yield
    }) : () -> ()
    "tpu.region"() ({
      %run_scoped3A = tpu.sem_alloc : memref<!tpu.dma_semaphore, #tpu.memory_space<semaphore_mem>>
      %dma_start3A_1406 = arith.constant 0 : i32
      %dma_start3A_1407 = arith.constant 0 : i32
      %dma_start3A_1408 = tpu.memref_slice %arg13[%dma_start3A_1406, %dma_start3A_1407] : memref<128x128xf32, #tpu.memory_space<vmem>> -> memref<120x128xf32, #tpu.memory_space<vmem>>
      %dma_start3A_1409 = arith.constant 0 : i32
      %dma_start3A_1410 = tpu.memref_slice %arg6[%arg0, %add3A_625, %dma_start3A_1409] : memref<2x10112x128xf32, #tpu.memory_space<hbm>> -> memref<1x120x128xf32, #tpu.memory_space<hbm>>
      %dma_start3A_1411 = tpu.memref_squeeze %dma_start3A_1410 : memref<1x120x128xf32, #tpu.memory_space<hbm>> -> memref<120x128xf32, #tpu.memory_space<hbm>>
      %dma_start3A_1412 = arith.constant 0 : i32
      %dma_start3A_1413 = tpu.memref_slice %arg6[%arg0, %add3A_625, %dma_start3A_1412] : memref<2x10112x128xf32, #tpu.memory_space<hbm>> -> memref<1x120x128xf32, #tpu.memory_space<hbm>>
      %dma_start3A_1414 = tpu.memref_squeeze %dma_start3A_1413 : memref<1x120x128xf32, #tpu.memory_space<hbm>> -> memref<120x128xf32, #tpu.memory_space<hbm>>
      %dma_start3A_1415 = arith.constant 0 : i32
      %dma_start3A_1416 = arith.constant 0 : i32
      %dma_start3A_1417 = tpu.memref_slice %arg13[%dma_start3A_1415, %dma_start3A_1416] : memref<128x128xf32, #tpu.memory_space<vmem>> -> memref<120x128xf32, #tpu.memory_space<vmem>>
      tpu.enqueue_dma source(%dma_start3A_1417 : memref<120x128xf32, #tpu.memory_space<vmem>>) target(%dma_start3A_1414 : memref<120x128xf32, #tpu.memory_space<hbm>>) target_semaphore(%run_scoped3A : memref<!tpu.dma_semaphore, #tpu.memory_space<semaphore_mem>>)
      %dma_wait3A = arith.constant 0 : i32
      %dma_wait3A_1418 = arith.constant 0 : i32
      %dma_wait3A_1419 = tpu.memref_slice %arg13[%dma_wait3A, %dma_wait3A_1418] : memref<128x128xf32, #tpu.memory_space<vmem>> -> memref<120x128xf32, #tpu.memory_space<vmem>>
      %dma_wait3A_1420 = arith.constant 0 : i32
      %dma_wait3A_1421 = tpu.memref_slice %arg6[%arg0, %add3A_625, %dma_wait3A_1420] : memref<2x10112x128xf32, #tpu.memory_space<hbm>> -> memref<1x120x128xf32, #tpu.memory_space<hbm>>
      %dma_wait3A_1422 = tpu.memref_squeeze %dma_wait3A_1421 : memref<1x120x128xf32, #tpu.memory_space<hbm>> -> memref<120x128xf32, #tpu.memory_space<hbm>>
      %dma_wait3A_1423 = arith.constant 0 : i32
      %dma_wait3A_1424 = tpu.memref_slice %arg6[%arg0, %add3A_625, %dma_wait3A_1423] : memref<2x10112x128xf32, #tpu.memory_space<hbm>> -> memref<1x120x128xf32, #tpu.memory_space<hbm>>
      %dma_wait3A_1425 = tpu.memref_squeeze %dma_wait3A_1424 : memref<1x120x128xf32, #tpu.memory_space<hbm>> -> memref<120x128xf32, #tpu.memory_space<hbm>>
      %dma_wait3A_1426 = arith.constant 0 : i32
      %dma_wait3A_1427 = arith.constant 0 : i32
      %dma_wait3A_1428 = tpu.memref_slice %arg13[%dma_wait3A_1426, %dma_wait3A_1427] : memref<128x128xf32, #tpu.memory_space<vmem>> -> memref<120x128xf32, #tpu.memory_space<vmem>>
      tpu.wait_dma2 semaphore(%run_scoped3A : memref<!tpu.dma_semaphore, #tpu.memory_space<semaphore_mem>>) src(%dma_wait3A_1428 : memref<120x128xf32, #tpu.memory_space<vmem>>) dst(%dma_wait3A_1425 : memref<120x128xf32, #tpu.memory_space<hbm>>)
      tpu.yield
    }) : () -> ()
    %scan3A_698 = arith.constant 0 : i32
    %scan3A_699 = arith.constant 1024 : i32
    %scan3A_700 = arith.addi %scan3A_698, %scan3A_699 : i32
    %scan3A_701 = arith.constant 1 : i32
    scf.for %scan3A_1406 = %scan3A_698 to %scan3A_700 step %scan3A_701  : i32 {
      %jit3A_1407 = arith.constant 8 : i32
      %div3A = arith.divsi %scan3A_1406, %jit3A_1407 : i32
      %sign3A = arith.constant 0 : i32
      %sign3A_1408 = arith.cmpi sgt, %scan3A_1406, %sign3A : i32
      %sign3A_1409 = arith.extui %sign3A_1408 : i1 to i32
      %sign3A_1410 = arith.constant 0 : i32
      %sign3A_1411 = arith.cmpi slt, %scan3A_1406, %sign3A_1410 : i32
      %sign3A_1412 = arith.extui %sign3A_1411 : i1 to i32
      %sign3A_1413 = arith.subi %sign3A_1409, %sign3A_1412 : i32
      %sign3A_1414 = arith.constant 0 : i32
      %sign3A_1415 = arith.cmpi sgt, %jit3A_1407, %sign3A_1414 : i32
      %sign3A_1416 = arith.extui %sign3A_1415 : i1 to i32
      %sign3A_1417 = arith.constant 0 : i32
      %sign3A_1418 = arith.cmpi slt, %jit3A_1407, %sign3A_1417 : i32
      %sign3A_1419 = arith.extui %sign3A_1418 : i1 to i32
      %sign3A_1420 = arith.subi %sign3A_1416, %sign3A_1419 : i32
      %ne3A = arith.cmpi ne, %sign3A_1413, %sign3A_1420 : i32
      %rem3A = arith.remsi %scan3A_1406, %jit3A_1407 : i32
      %ne3A_1421 = arith.constant 0 : i32
      %ne3A_1422 = arith.cmpi ne, %rem3A, %ne3A_1421 : i32
      %and3A = arith.andi %ne3A, %ne3A_1422 : i1
      %sub3A = arith.constant 1 : i32
      %sub3A_1423 = arith.subi %div3A, %sub3A : i32
      %select_n3A_1424 = arith.select %and3A, %sub3A_1423, %div3A : i32
      %jit3A_1425 = arith.constant 8 : i32
      %eq3A = arith.constant 0 : i32
      %eq3A_1426 = arith.cmpi eq, %jit3A_1425, %eq3A : i32
      %jit3A_1427 = arith.constant 1 : i32
      %select_n3A_1428 = arith.select %eq3A_1426, %jit3A_1427, %jit3A_1425 : i32
      %rem3A_1429 = arith.remsi %scan3A_1406, %select_n3A_1428 : i32
      %ne3A_1430 = arith.constant 0 : i32
      %ne3A_1431 = arith.cmpi ne, %rem3A_1429, %ne3A_1430 : i32
      %lt3A_1432 = arith.constant 0 : i32
      %lt3A_1433 = arith.cmpi slt, %rem3A_1429, %lt3A_1432 : i32
      %lt3A_1434 = arith.constant 0 : i32
      %lt3A_1435 = arith.cmpi slt, %select_n3A_1428, %lt3A_1434 : i32
      %ne3A_1436 = arith.xori %lt3A_1433, %lt3A_1435 : i1
      %and3A_1437 = arith.andi %ne3A_1436, %ne3A_1431 : i1
      %add3A_1438 = arith.addi %rem3A_1429, %select_n3A_1428 : i32
      %select_n3A_1439 = arith.select %and3A_1437, %add3A_1438, %rem3A_1429 : i32
      %mul3A_1440 = arith.constant 16 : i32
      %mul3A_1441 = arith.muli %select_n3A_1439, %mul3A_1440 : i32
      %swap3A_1442 = arith.index_cast %select_n3A_1424 : i32 to index
      %swap3A_1443 = arith.index_cast %mul3A_1441 : i32 to index
      %swap3A_1444 = tpu.vector_load %arg13[%swap3A_1442, %swap3A_1443] {strides = array<i32>} : memref<128x128xf32, #tpu.memory_space<vmem>>, vector<1x16xf32>,
      %swap3A_1445 = vector.shape_cast %swap3A_1444 : vector<1x16xf32> to vector<16xf32>
      %swap3A_1446 = vector.shape_cast %broadcast_in_dim3A_1 : vector<16xf32> to vector<1x16xf32>
      tpu.vector_store %arg13[%swap3A_1442, %swap3A_1443], %swap3A_1446 {strides = array<i32>} : memref<128x128xf32, #tpu.memory_space<vmem>>, vector<1x16xf32>,
    }
    %scan3A_702 = arith.constant 1024 : i32
    %scan3A_703 = arith.constant 0 : i32
    %scan3A_704 = arith.constant 1024 : i32
    %scan3A_705 = arith.addi %scan3A_703, %scan3A_704 : i32
    %scan3A_706 = arith.constant 1 : i32
    scf.for %scan3A_1406 = %scan3A_703 to %scan3A_705 step %scan3A_706  : i32 {
      %jit3A_1407 = arith.constant 8 : i32
      %div3A = arith.divsi %scan3A_1406, %jit3A_1407 : i32
      %sign3A = arith.constant 0 : i32
      %sign3A_1408 = arith.cmpi sgt, %scan3A_1406, %sign3A : i32
      %sign3A_1409 = arith.extui %sign3A_1408 : i1 to i32
      %sign3A_1410 = arith.constant 0 : i32
      %sign3A_1411 = arith.cmpi slt, %scan3A_1406, %sign3A_1410 : i32
      %sign3A_1412 = arith.extui %sign3A_1411 : i1 to i32
      %sign3A_1413 = arith.subi %sign3A_1409, %sign3A_1412 : i32
      %sign3A_1414 = arith.constant 0 : i32
      %sign3A_1415 = arith.cmpi sgt, %jit3A_1407, %sign3A_1414 : i32
      %sign3A_1416 = arith.extui %sign3A_1415 : i1 to i32
      %sign3A_1417 = arith.constant 0 : i32
      %sign3A_1418 = arith.cmpi slt, %jit3A_1407, %sign3A_1417 : i32
      %sign3A_1419 = arith.extui %sign3A_1418 : i1 to i32
      %sign3A_1420 = arith.subi %sign3A_1416, %sign3A_1419 : i32
      %ne3A = arith.cmpi ne, %sign3A_1413, %sign3A_1420 : i32
      %rem3A = arith.remsi %scan3A_1406, %jit3A_1407 : i32
      %ne3A_1421 = arith.constant 0 : i32
      %ne3A_1422 = arith.cmpi ne, %rem3A, %ne3A_1421 : i32
      %and3A = arith.andi %ne3A, %ne3A_1422 : i1
      %sub3A = arith.constant 1 : i32
      %sub3A_1423 = arith.subi %div3A, %sub3A : i32
      %select_n3A_1424 = arith.select %and3A, %sub3A_1423, %div3A : i32
      %jit3A_1425 = arith.constant 8 : i32
      %eq3A = arith.constant 0 : i32
      %eq3A_1426 = arith.cmpi eq, %jit3A_1425, %eq3A : i32
      %jit3A_1427 = arith.constant 1 : i32
      %select_n3A_1428 = arith.select %eq3A_1426, %jit3A_1427, %jit3A_1425 : i32
      %rem3A_1429 = arith.remsi %scan3A_1406, %select_n3A_1428 : i32
      %ne3A_1430 = arith.constant 0 : i32
      %ne3A_1431 = arith.cmpi ne, %rem3A_1429, %ne3A_1430 : i32
      %lt3A_1432 = arith.constant 0 : i32
      %lt3A_1433 = arith.cmpi slt, %rem3A_1429, %lt3A_1432 : i32
      %lt3A_1434 = arith.constant 0 : i32
      %lt3A_1435 = arith.cmpi slt, %select_n3A_1428, %lt3A_1434 : i32
      %ne3A_1436 = arith.xori %lt3A_1433, %lt3A_1435 : i1
      %and3A_1437 = arith.andi %ne3A_1436, %ne3A_1431 : i1
      %add3A_1438 = arith.addi %rem3A_1429, %select_n3A_1428 : i32
      %select_n3A_1439 = arith.select %and3A_1437, %add3A_1438, %rem3A_1429 : i32
      %mul3A_1440 = arith.constant 16 : i32
      %mul3A_1441 = arith.muli %select_n3A_1439, %mul3A_1440 : i32
      %swap3A_1442 = arith.index_cast %select_n3A_1424 : i32 to index
      %swap3A_1443 = arith.index_cast %mul3A_1441 : i32 to index
      %swap3A_1444 = tpu.vector_load %arg14[%swap3A_1442, %swap3A_1443] {strides = array<i32>} : memref<128x128xf32, #tpu.memory_space<vmem>>, vector<1x16xf32>,
      %swap3A_1445 = vector.shape_cast %swap3A_1444 : vector<1x16xf32> to vector<16xf32>
      %swap3A_1446 = vector.shape_cast %broadcast_in_dim3A_1 : vector<16xf32> to vector<1x16xf32>
      tpu.vector_store %arg14[%swap3A_1442, %swap3A_1443], %swap3A_1446 {strides = array<i32>} : memref<128x128xf32, #tpu.memory_space<vmem>>, vector<1x16xf32>,
    }
    %scan3A_707 = arith.constant 1024 : i32
    %add3A_708 = arith.constant 0 : i32
    %add3A_709 = arith.addi %mul3A_0, %add3A_708 : i32
    %add3A_710 = arith.constant 0 : i32
    %add3A_711 = arith.addi %add3A_709, %add3A_710 : i32
    %add3A_712 = vector.broadcast %add3A_711 : i32 to vector<16xi32>
    %add3A_713 = arith.addi %add3A_712, %iota3A : vector<16xi32>
    %swap3A_714 = arith.constant 0 : index
    %swap3A_715 = tpu.vector_load %arg12[%swap3A_714] {strides = array<i32>} : memref<128xi32, #tpu.memory_space<vmem>>, vector<16xi32>,
    %swap3A_716 = vector.shape_cast %swap3A_715 : vector<16xi32> to vector<16xi32>
    %swap3A_717 = vector.shape_cast %add3A_713 : vector<16xi32> to vector<16xi32>
    tpu.vector_store %arg12[%swap3A_714], %swap3A_717 {strides = array<i32>} : memref<128xi32, #tpu.memory_space<vmem>>, vector<16xi32>,
    %add3A_718 = arith.constant 16 : i32
    %add3A_719 = arith.addi %add3A_709, %add3A_718 : i32
    %add3A_720 = vector.broadcast %add3A_719 : i32 to vector<16xi32>
    %add3A_721 = arith.addi %add3A_720, %iota3A : vector<16xi32>
    %swap3A_722 = arith.constant 16 : index
    %swap3A_723 = tpu.vector_load %arg12[%swap3A_722] {strides = array<i32>} : memref<128xi32, #tpu.memory_space<vmem>>, vector<16xi32>,
    %swap3A_724 = vector.shape_cast %swap3A_723 : vector<16xi32> to vector<16xi32>
    %swap3A_725 = vector.shape_cast %add3A_721 : vector<16xi32> to vector<16xi32>
    tpu.vector_store %arg12[%swap3A_722], %swap3A_725 {strides = array<i32>} : memref<128xi32, #tpu.memory_space<vmem>>, vector<16xi32>,
    %add3A_726 = arith.constant 32 : i32
    %add3A_727 = arith.addi %add3A_709, %add3A_726 : i32
    %add3A_728 = vector.broadcast %add3A_727 : i32 to vector<16xi32>
    %add3A_729 = arith.addi %add3A_728, %iota3A : vector<16xi32>
    %swap3A_730 = arith.constant 32 : index
    %swap3A_731 = tpu.vector_load %arg12[%swap3A_730] {strides = array<i32>} : memref<128xi32, #tpu.memory_space<vmem>>, vector<16xi32>,
    %swap3A_732 = vector.shape_cast %swap3A_731 : vector<16xi32> to vector<16xi32>
    %swap3A_733 = vector.shape_cast %add3A_729 : vector<16xi32> to vector<16xi32>
    tpu.vector_store %arg12[%swap3A_730], %swap3A_733 {strides = array<i32>} : memref<128xi32, #tpu.memory_space<vmem>>, vector<16xi32>,
    %add3A_734 = arith.constant 48 : i32
    %add3A_735 = arith.addi %add3A_709, %add3A_734 : i32
    %add3A_736 = vector.broadcast %add3A_735 : i32 to vector<16xi32>
    %add3A_737 = arith.addi %add3A_736, %iota3A : vector<16xi32>
    %swap3A_738 = arith.constant 48 : index
    %swap3A_739 = tpu.vector_load %arg12[%swap3A_738] {strides = array<i32>} : memref<128xi32, #tpu.memory_space<vmem>>, vector<16xi32>,
    %swap3A_740 = vector.shape_cast %swap3A_739 : vector<16xi32> to vector<16xi32>
    %swap3A_741 = vector.shape_cast %add3A_737 : vector<16xi32> to vector<16xi32>
    tpu.vector_store %arg12[%swap3A_738], %swap3A_741 {strides = array<i32>} : memref<128xi32, #tpu.memory_space<vmem>>, vector<16xi32>,
    %add3A_742 = arith.constant 64 : i32
    %add3A_743 = arith.addi %add3A_709, %add3A_742 : i32
    %add3A_744 = vector.broadcast %add3A_743 : i32 to vector<16xi32>
    %add3A_745 = arith.addi %add3A_744, %iota3A : vector<16xi32>
    %swap3A_746 = arith.constant 64 : index
    %swap3A_747 = tpu.vector_load %arg12[%swap3A_746] {strides = array<i32>} : memref<128xi32, #tpu.memory_space<vmem>>, vector<16xi32>,
    %swap3A_748 = vector.shape_cast %swap3A_747 : vector<16xi32> to vector<16xi32>
    %swap3A_749 = vector.shape_cast %add3A_745 : vector<16xi32> to vector<16xi32>
    tpu.vector_store %arg12[%swap3A_746], %swap3A_749 {strides = array<i32>} : memref<128xi32, #tpu.memory_space<vmem>>, vector<16xi32>,
    %add3A_750 = arith.constant 80 : i32
    %add3A_751 = arith.addi %add3A_709, %add3A_750 : i32
    %add3A_752 = vector.broadcast %add3A_751 : i32 to vector<16xi32>
    %add3A_753 = arith.addi %add3A_752, %iota3A : vector<16xi32>
    %swap3A_754 = arith.constant 80 : index
    %swap3A_755 = tpu.vector_load %arg12[%swap3A_754] {strides = array<i32>} : memref<128xi32, #tpu.memory_space<vmem>>, vector<16xi32>,
    %swap3A_756 = vector.shape_cast %swap3A_755 : vector<16xi32> to vector<16xi32>
    %swap3A_757 = vector.shape_cast %add3A_753 : vector<16xi32> to vector<16xi32>
    tpu.vector_store %arg12[%swap3A_754], %swap3A_757 {strides = array<i32>} : memref<128xi32, #tpu.memory_space<vmem>>, vector<16xi32>,
    %add3A_758 = arith.constant 96 : i32
    %add3A_759 = arith.addi %add3A_709, %add3A_758 : i32
    %add3A_760 = vector.broadcast %add3A_759 : i32 to vector<16xi32>
    %add3A_761 = arith.addi %add3A_760, %iota3A : vector<16xi32>
    %swap3A_762 = arith.constant 96 : index
    %swap3A_763 = tpu.vector_load %arg12[%swap3A_762] {strides = array<i32>} : memref<128xi32, #tpu.memory_space<vmem>>, vector<16xi32>,
    %swap3A_764 = vector.shape_cast %swap3A_763 : vector<16xi32> to vector<16xi32>
    %swap3A_765 = vector.shape_cast %add3A_761 : vector<16xi32> to vector<16xi32>
    tpu.vector_store %arg12[%swap3A_762], %swap3A_765 {strides = array<i32>} : memref<128xi32, #tpu.memory_space<vmem>>, vector<16xi32>,
    %add3A_766 = arith.constant 112 : i32
    %add3A_767 = arith.addi %add3A_709, %add3A_766 : i32
    %add3A_768 = vector.broadcast %add3A_767 : i32 to vector<16xi32>
    %add3A_769 = arith.addi %add3A_768, %iota3A : vector<16xi32>
    %swap3A_770 = arith.constant 112 : index
    %swap3A_771 = tpu.vector_load %arg12[%swap3A_770] {strides = array<i32>} : memref<128xi32, #tpu.memory_space<vmem>>, vector<16xi32>,
    %swap3A_772 = vector.shape_cast %swap3A_771 : vector<16xi32> to vector<16xi32>
    %swap3A_773 = vector.shape_cast %add3A_769 : vector<16xi32> to vector<16xi32>
    tpu.vector_store %arg12[%swap3A_770], %swap3A_773 {strides = array<i32>} : memref<128xi32, #tpu.memory_space<vmem>>, vector<16xi32>,
    "tpu.region"() ({
      %run_scoped3A = tpu.sem_alloc : memref<!tpu.dma_semaphore, #tpu.memory_space<semaphore_mem>>
      %dma_start3A_1406 = arith.constant 0 : i32
      %dma_start3A_1407 = arith.constant 0 : i32
      %dma_start3A_1408 = tpu.memref_slice %arg16[%dma_start3A_1406, %dma_start3A_1407] : memref<10112x128xf32, #tpu.memory_space<vmem_shared>> -> memref<10112x128xf32, #tpu.memory_space<vmem_shared>>
      tpu.enqueue_indirect_dma source(%arg13 : memref<128x128xf32, #tpu.memory_space<vmem>>) target(%dma_start3A_1408 : memref<10112x128xf32, #tpu.memory_space<vmem_shared>>) offsets(%arg12 : memref<128xi32, #tpu.memory_space<vmem>>) semaphore(%run_scoped3A : memref<!tpu.dma_semaphore, #tpu.memory_space<semaphore_mem>>)
      %dma_wait3A = arith.constant 0 : i32
      %dma_wait3A_1409 = arith.constant 0 : i32
      %dma_wait3A_1410 = tpu.memref_slice %arg16[%dma_wait3A, %dma_wait3A_1409] : memref<10112x128xf32, #tpu.memory_space<vmem_shared>> -> memref<10112x128xf32, #tpu.memory_space<vmem_shared>>
      tpu.wait_indirect_dma semaphore(%run_scoped3A : memref<!tpu.dma_semaphore, #tpu.memory_space<semaphore_mem>>) src(%arg13 : memref<128x128xf32, #tpu.memory_space<vmem>>) dst(%dma_wait3A_1410 : memref<10112x128xf32, #tpu.memory_space<vmem_shared>>)
      tpu.yield
    }) : () -> ()
    %add3A_774 = arith.constant 128 : i32
    %add3A_775 = arith.addi %mul3A_0, %add3A_774 : i32
    %add3A_776 = arith.constant 0 : i32
    %add3A_777 = arith.addi %add3A_775, %add3A_776 : i32
    %add3A_778 = vector.broadcast %add3A_777 : i32 to vector<16xi32>
    %add3A_779 = arith.addi %add3A_778, %iota3A : vector<16xi32>
    %swap3A_780 = arith.constant 0 : index
    %swap3A_781 = tpu.vector_load %arg12[%swap3A_780] {strides = array<i32>} : memref<128xi32, #tpu.memory_space<vmem>>, vector<16xi32>,
    %swap3A_782 = vector.shape_cast %swap3A_781 : vector<16xi32> to vector<16xi32>
    %swap3A_783 = vector.shape_cast %add3A_779 : vector<16xi32> to vector<16xi32>
    tpu.vector_store %arg12[%swap3A_780], %swap3A_783 {strides = array<i32>} : memref<128xi32, #tpu.memory_space<vmem>>, vector<16xi32>,
    %add3A_784 = arith.constant 16 : i32
    %add3A_785 = arith.addi %add3A_775, %add3A_784 : i32
    %add3A_786 = vector.broadcast %add3A_785 : i32 to vector<16xi32>
    %add3A_787 = arith.addi %add3A_786, %iota3A : vector<16xi32>
    %swap3A_788 = arith.constant 16 : index
    %swap3A_789 = tpu.vector_load %arg12[%swap3A_788] {strides = array<i32>} : memref<128xi32, #tpu.memory_space<vmem>>, vector<16xi32>,
    %swap3A_790 = vector.shape_cast %swap3A_789 : vector<16xi32> to vector<16xi32>
    %swap3A_791 = vector.shape_cast %add3A_787 : vector<16xi32> to vector<16xi32>
    tpu.vector_store %arg12[%swap3A_788], %swap3A_791 {strides = array<i32>} : memref<128xi32, #tpu.memory_space<vmem>>, vector<16xi32>,
    %add3A_792 = arith.constant 32 : i32
    %add3A_793 = arith.addi %add3A_775, %add3A_792 : i32
    %add3A_794 = vector.broadcast %add3A_793 : i32 to vector<16xi32>
    %add3A_795 = arith.addi %add3A_794, %iota3A : vector<16xi32>
    %swap3A_796 = arith.constant 32 : index
    %swap3A_797 = tpu.vector_load %arg12[%swap3A_796] {strides = array<i32>} : memref<128xi32, #tpu.memory_space<vmem>>, vector<16xi32>,
    %swap3A_798 = vector.shape_cast %swap3A_797 : vector<16xi32> to vector<16xi32>
    %swap3A_799 = vector.shape_cast %add3A_795 : vector<16xi32> to vector<16xi32>
    tpu.vector_store %arg12[%swap3A_796], %swap3A_799 {strides = array<i32>} : memref<128xi32, #tpu.memory_space<vmem>>, vector<16xi32>,
    %add3A_800 = arith.constant 48 : i32
    %add3A_801 = arith.addi %add3A_775, %add3A_800 : i32
    %add3A_802 = vector.broadcast %add3A_801 : i32 to vector<16xi32>
    %add3A_803 = arith.addi %add3A_802, %iota3A : vector<16xi32>
    %swap3A_804 = arith.constant 48 : index
    %swap3A_805 = tpu.vector_load %arg12[%swap3A_804] {strides = array<i32>} : memref<128xi32, #tpu.memory_space<vmem>>, vector<16xi32>,
    %swap3A_806 = vector.shape_cast %swap3A_805 : vector<16xi32> to vector<16xi32>
    %swap3A_807 = vector.shape_cast %add3A_803 : vector<16xi32> to vector<16xi32>
    tpu.vector_store %arg12[%swap3A_804], %swap3A_807 {strides = array<i32>} : memref<128xi32, #tpu.memory_space<vmem>>, vector<16xi32>,
    %add3A_808 = arith.constant 64 : i32
    %add3A_809 = arith.addi %add3A_775, %add3A_808 : i32
    %add3A_810 = vector.broadcast %add3A_809 : i32 to vector<16xi32>
    %add3A_811 = arith.addi %add3A_810, %iota3A : vector<16xi32>
    %swap3A_812 = arith.constant 64 : index
    %swap3A_813 = tpu.vector_load %arg12[%swap3A_812] {strides = array<i32>} : memref<128xi32, #tpu.memory_space<vmem>>, vector<16xi32>,
    %swap3A_814 = vector.shape_cast %swap3A_813 : vector<16xi32> to vector<16xi32>
    %swap3A_815 = vector.shape_cast %add3A_811 : vector<16xi32> to vector<16xi32>
    tpu.vector_store %arg12[%swap3A_812], %swap3A_815 {strides = array<i32>} : memref<128xi32, #tpu.memory_space<vmem>>, vector<16xi32>,
    %add3A_816 = arith.constant 80 : i32
    %add3A_817 = arith.addi %add3A_775, %add3A_816 : i32
    %add3A_818 = vector.broadcast %add3A_817 : i32 to vector<16xi32>
    %add3A_819 = arith.addi %add3A_818, %iota3A : vector<16xi32>
    %swap3A_820 = arith.constant 80 : index
    %swap3A_821 = tpu.vector_load %arg12[%swap3A_820] {strides = array<i32>} : memref<128xi32, #tpu.memory_space<vmem>>, vector<16xi32>,
    %swap3A_822 = vector.shape_cast %swap3A_821 : vector<16xi32> to vector<16xi32>
    %swap3A_823 = vector.shape_cast %add3A_819 : vector<16xi32> to vector<16xi32>
    tpu.vector_store %arg12[%swap3A_820], %swap3A_823 {strides = array<i32>} : memref<128xi32, #tpu.memory_space<vmem>>, vector<16xi32>,
    %add3A_824 = arith.constant 96 : i32
    %add3A_825 = arith.addi %add3A_775, %add3A_824 : i32
    %add3A_826 = vector.broadcast %add3A_825 : i32 to vector<16xi32>
    %add3A_827 = arith.addi %add3A_826, %iota3A : vector<16xi32>
    %swap3A_828 = arith.constant 96 : index
    %swap3A_829 = tpu.vector_load %arg12[%swap3A_828] {strides = array<i32>} : memref<128xi32, #tpu.memory_space<vmem>>, vector<16xi32>,
    %swap3A_830 = vector.shape_cast %swap3A_829 : vector<16xi32> to vector<16xi32>
    %swap3A_831 = vector.shape_cast %add3A_827 : vector<16xi32> to vector<16xi32>
    tpu.vector_store %arg12[%swap3A_828], %swap3A_831 {strides = array<i32>} : memref<128xi32, #tpu.memory_space<vmem>>, vector<16xi32>,
    %add3A_832 = arith.constant 112 : i32
    %add3A_833 = arith.addi %add3A_775, %add3A_832 : i32
    %add3A_834 = vector.broadcast %add3A_833 : i32 to vector<16xi32>
    %add3A_835 = arith.addi %add3A_834, %iota3A : vector<16xi32>
    %swap3A_836 = arith.constant 112 : index
    %swap3A_837 = tpu.vector_load %arg12[%swap3A_836] {strides = array<i32>} : memref<128xi32, #tpu.memory_space<vmem>>, vector<16xi32>,
    %swap3A_838 = vector.shape_cast %swap3A_837 : vector<16xi32> to vector<16xi32>
    %swap3A_839 = vector.shape_cast %add3A_835 : vector<16xi32> to vector<16xi32>
    tpu.vector_store %arg12[%swap3A_836], %swap3A_839 {strides = array<i32>} : memref<128xi32, #tpu.memory_space<vmem>>, vector<16xi32>,
    "tpu.region"() ({
      %run_scoped3A = tpu.sem_alloc : memref<!tpu.dma_semaphore, #tpu.memory_space<semaphore_mem>>
      %dma_start3A_1406 = arith.constant 0 : i32
      %dma_start3A_1407 = arith.constant 0 : i32
      %dma_start3A_1408 = tpu.memref_slice %arg16[%dma_start3A_1406, %dma_start3A_1407] : memref<10112x128xf32, #tpu.memory_space<vmem_shared>> -> memref<10112x128xf32, #tpu.memory_space<vmem_shared>>
      tpu.enqueue_indirect_dma source(%arg13 : memref<128x128xf32, #tpu.memory_space<vmem>>) target(%dma_start3A_1408 : memref<10112x128xf32, #tpu.memory_space<vmem_shared>>) offsets(%arg12 : memref<128xi32, #tpu.memory_space<vmem>>) semaphore(%run_scoped3A : memref<!tpu.dma_semaphore, #tpu.memory_space<semaphore_mem>>)
      %dma_wait3A = arith.constant 0 : i32
      %dma_wait3A_1409 = arith.constant 0 : i32
      %dma_wait3A_1410 = tpu.memref_slice %arg16[%dma_wait3A, %dma_wait3A_1409] : memref<10112x128xf32, #tpu.memory_space<vmem_shared>> -> memref<10112x128xf32, #tpu.memory_space<vmem_shared>>
      tpu.wait_indirect_dma semaphore(%run_scoped3A : memref<!tpu.dma_semaphore, #tpu.memory_space<semaphore_mem>>) src(%arg13 : memref<128x128xf32, #tpu.memory_space<vmem>>) dst(%dma_wait3A_1410 : memref<10112x128xf32, #tpu.memory_space<vmem_shared>>)
      tpu.yield
    }) : () -> ()
    %add3A_840 = arith.constant 256 : i32
    %add3A_841 = arith.addi %mul3A_0, %add3A_840 : i32
    %add3A_842 = arith.constant 0 : i32
    %add3A_843 = arith.addi %add3A_841, %add3A_842 : i32
    %add3A_844 = vector.broadcast %add3A_843 : i32 to vector<16xi32>
    %add3A_845 = arith.addi %add3A_844, %iota3A : vector<16xi32>
    %swap3A_846 = arith.constant 0 : index
    %swap3A_847 = tpu.vector_load %arg12[%swap3A_846] {strides = array<i32>} : memref<128xi32, #tpu.memory_space<vmem>>, vector<16xi32>,
    %swap3A_848 = vector.shape_cast %swap3A_847 : vector<16xi32> to vector<16xi32>
    %swap3A_849 = vector.shape_cast %add3A_845 : vector<16xi32> to vector<16xi32>
    tpu.vector_store %arg12[%swap3A_846], %swap3A_849 {strides = array<i32>} : memref<128xi32, #tpu.memory_space<vmem>>, vector<16xi32>,
    %add3A_850 = arith.constant 16 : i32
    %add3A_851 = arith.addi %add3A_841, %add3A_850 : i32
    %add3A_852 = vector.broadcast %add3A_851 : i32 to vector<16xi32>
    %add3A_853 = arith.addi %add3A_852, %iota3A : vector<16xi32>
    %swap3A_854 = arith.constant 16 : index
    %swap3A_855 = tpu.vector_load %arg12[%swap3A_854] {strides = array<i32>} : memref<128xi32, #tpu.memory_space<vmem>>, vector<16xi32>,
    %swap3A_856 = vector.shape_cast %swap3A_855 : vector<16xi32> to vector<16xi32>
    %swap3A_857 = vector.shape_cast %add3A_853 : vector<16xi32> to vector<16xi32>
    tpu.vector_store %arg12[%swap3A_854], %swap3A_857 {strides = array<i32>} : memref<128xi32, #tpu.memory_space<vmem>>, vector<16xi32>,
    %add3A_858 = arith.constant 32 : i32
    %add3A_859 = arith.addi %add3A_841, %add3A_858 : i32
    %add3A_860 = vector.broadcast %add3A_859 : i32 to vector<16xi32>
    %add3A_861 = arith.addi %add3A_860, %iota3A : vector<16xi32>
    %swap3A_862 = arith.constant 32 : index
    %swap3A_863 = tpu.vector_load %arg12[%swap3A_862] {strides = array<i32>} : memref<128xi32, #tpu.memory_space<vmem>>, vector<16xi32>,
    %swap3A_864 = vector.shape_cast %swap3A_863 : vector<16xi32> to vector<16xi32>
    %swap3A_865 = vector.shape_cast %add3A_861 : vector<16xi32> to vector<16xi32>
    tpu.vector_store %arg12[%swap3A_862], %swap3A_865 {strides = array<i32>} : memref<128xi32, #tpu.memory_space<vmem>>, vector<16xi32>,
    %add3A_866 = arith.constant 48 : i32
    %add3A_867 = arith.addi %add3A_841, %add3A_866 : i32
    %add3A_868 = vector.broadcast %add3A_867 : i32 to vector<16xi32>
    %add3A_869 = arith.addi %add3A_868, %iota3A : vector<16xi32>
    %swap3A_870 = arith.constant 48 : index
    %swap3A_871 = tpu.vector_load %arg12[%swap3A_870] {strides = array<i32>} : memref<128xi32, #tpu.memory_space<vmem>>, vector<16xi32>,
    %swap3A_872 = vector.shape_cast %swap3A_871 : vector<16xi32> to vector<16xi32>
    %swap3A_873 = vector.shape_cast %add3A_869 : vector<16xi32> to vector<16xi32>
    tpu.vector_store %arg12[%swap3A_870], %swap3A_873 {strides = array<i32>} : memref<128xi32, #tpu.memory_space<vmem>>, vector<16xi32>,
    %add3A_874 = arith.constant 64 : i32
    %add3A_875 = arith.addi %add3A_841, %add3A_874 : i32
    %add3A_876 = vector.broadcast %add3A_875 : i32 to vector<16xi32>
    %add3A_877 = arith.addi %add3A_876, %iota3A : vector<16xi32>
    %swap3A_878 = arith.constant 64 : index
    %swap3A_879 = tpu.vector_load %arg12[%swap3A_878] {strides = array<i32>} : memref<128xi32, #tpu.memory_space<vmem>>, vector<16xi32>,
    %swap3A_880 = vector.shape_cast %swap3A_879 : vector<16xi32> to vector<16xi32>
    %swap3A_881 = vector.shape_cast %add3A_877 : vector<16xi32> to vector<16xi32>
    tpu.vector_store %arg12[%swap3A_878], %swap3A_881 {strides = array<i32>} : memref<128xi32, #tpu.memory_space<vmem>>, vector<16xi32>,
    %add3A_882 = arith.constant 80 : i32
    %add3A_883 = arith.addi %add3A_841, %add3A_882 : i32
    %add3A_884 = vector.broadcast %add3A_883 : i32 to vector<16xi32>
    %add3A_885 = arith.addi %add3A_884, %iota3A : vector<16xi32>
    %swap3A_886 = arith.constant 80 : index
    %swap3A_887 = tpu.vector_load %arg12[%swap3A_886] {strides = array<i32>} : memref<128xi32, #tpu.memory_space<vmem>>, vector<16xi32>,
    %swap3A_888 = vector.shape_cast %swap3A_887 : vector<16xi32> to vector<16xi32>
    %swap3A_889 = vector.shape_cast %add3A_885 : vector<16xi32> to vector<16xi32>
    tpu.vector_store %arg12[%swap3A_886], %swap3A_889 {strides = array<i32>} : memref<128xi32, #tpu.memory_space<vmem>>, vector<16xi32>,
    %add3A_890 = arith.constant 96 : i32
    %add3A_891 = arith.addi %add3A_841, %add3A_890 : i32
    %add3A_892 = vector.broadcast %add3A_891 : i32 to vector<16xi32>
    %add3A_893 = arith.addi %add3A_892, %iota3A : vector<16xi32>
    %swap3A_894 = arith.constant 96 : index
    %swap3A_895 = tpu.vector_load %arg12[%swap3A_894] {strides = array<i32>} : memref<128xi32, #tpu.memory_space<vmem>>, vector<16xi32>,
    %swap3A_896 = vector.shape_cast %swap3A_895 : vector<16xi32> to vector<16xi32>
    %swap3A_897 = vector.shape_cast %add3A_893 : vector<16xi32> to vector<16xi32>
    tpu.vector_store %arg12[%swap3A_894], %swap3A_897 {strides = array<i32>} : memref<128xi32, #tpu.memory_space<vmem>>, vector<16xi32>,
    %add3A_898 = arith.constant 112 : i32
    %add3A_899 = arith.addi %add3A_841, %add3A_898 : i32
    %add3A_900 = vector.broadcast %add3A_899 : i32 to vector<16xi32>
    %add3A_901 = arith.addi %add3A_900, %iota3A : vector<16xi32>
    %swap3A_902 = arith.constant 112 : index
    %swap3A_903 = tpu.vector_load %arg12[%swap3A_902] {strides = array<i32>} : memref<128xi32, #tpu.memory_space<vmem>>, vector<16xi32>,
    %swap3A_904 = vector.shape_cast %swap3A_903 : vector<16xi32> to vector<16xi32>
    %swap3A_905 = vector.shape_cast %add3A_901 : vector<16xi32> to vector<16xi32>
    tpu.vector_store %arg12[%swap3A_902], %swap3A_905 {strides = array<i32>} : memref<128xi32, #tpu.memory_space<vmem>>, vector<16xi32>,
    "tpu.region"() ({
      %run_scoped3A = tpu.sem_alloc : memref<!tpu.dma_semaphore, #tpu.memory_space<semaphore_mem>>
      %dma_start3A_1406 = arith.constant 0 : i32
      %dma_start3A_1407 = arith.constant 0 : i32
      %dma_start3A_1408 = tpu.memref_slice %arg16[%dma_start3A_1406, %dma_start3A_1407] : memref<10112x128xf32, #tpu.memory_space<vmem_shared>> -> memref<10112x128xf32, #tpu.memory_space<vmem_shared>>
      tpu.enqueue_indirect_dma source(%arg13 : memref<128x128xf32, #tpu.memory_space<vmem>>) target(%dma_start3A_1408 : memref<10112x128xf32, #tpu.memory_space<vmem_shared>>) offsets(%arg12 : memref<128xi32, #tpu.memory_space<vmem>>) semaphore(%run_scoped3A : memref<!tpu.dma_semaphore, #tpu.memory_space<semaphore_mem>>)
      %dma_wait3A = arith.constant 0 : i32
      %dma_wait3A_1409 = arith.constant 0 : i32
      %dma_wait3A_1410 = tpu.memref_slice %arg16[%dma_wait3A, %dma_wait3A_1409] : memref<10112x128xf32, #tpu.memory_space<vmem_shared>> -> memref<10112x128xf32, #tpu.memory_space<vmem_shared>>
      tpu.wait_indirect_dma semaphore(%run_scoped3A : memref<!tpu.dma_semaphore, #tpu.memory_space<semaphore_mem>>) src(%arg13 : memref<128x128xf32, #tpu.memory_space<vmem>>) dst(%dma_wait3A_1410 : memref<10112x128xf32, #tpu.memory_space<vmem_shared>>)
      tpu.yield
    }) : () -> ()
    %add3A_906 = arith.constant 384 : i32
    %add3A_907 = arith.addi %mul3A_0, %add3A_906 : i32
    %add3A_908 = arith.constant 0 : i32
    %add3A_909 = arith.addi %add3A_907, %add3A_908 : i32
    %add3A_910 = vector.broadcast %add3A_909 : i32 to vector<16xi32>
    %add3A_911 = arith.addi %add3A_910, %iota3A : vector<16xi32>
    %swap3A_912 = arith.constant 0 : index
    %swap3A_913 = tpu.vector_load %arg12[%swap3A_912] {strides = array<i32>} : memref<128xi32, #tpu.memory_space<vmem>>, vector<16xi32>,
    %swap3A_914 = vector.shape_cast %swap3A_913 : vector<16xi32> to vector<16xi32>
    %swap3A_915 = vector.shape_cast %add3A_911 : vector<16xi32> to vector<16xi32>
    tpu.vector_store %arg12[%swap3A_912], %swap3A_915 {strides = array<i32>} : memref<128xi32, #tpu.memory_space<vmem>>, vector<16xi32>,
    %add3A_916 = arith.constant 16 : i32
    %add3A_917 = arith.addi %add3A_907, %add3A_916 : i32
    %add3A_918 = vector.broadcast %add3A_917 : i32 to vector<16xi32>
    %add3A_919 = arith.addi %add3A_918, %iota3A : vector<16xi32>
    %swap3A_920 = arith.constant 16 : index
    %swap3A_921 = tpu.vector_load %arg12[%swap3A_920] {strides = array<i32>} : memref<128xi32, #tpu.memory_space<vmem>>, vector<16xi32>,
    %swap3A_922 = vector.shape_cast %swap3A_921 : vector<16xi32> to vector<16xi32>
    %swap3A_923 = vector.shape_cast %add3A_919 : vector<16xi32> to vector<16xi32>
    tpu.vector_store %arg12[%swap3A_920], %swap3A_923 {strides = array<i32>} : memref<128xi32, #tpu.memory_space<vmem>>, vector<16xi32>,
    %add3A_924 = arith.constant 32 : i32
    %add3A_925 = arith.addi %add3A_907, %add3A_924 : i32
    %add3A_926 = vector.broadcast %add3A_925 : i32 to vector<16xi32>
    %add3A_927 = arith.addi %add3A_926, %iota3A : vector<16xi32>
    %swap3A_928 = arith.constant 32 : index
    %swap3A_929 = tpu.vector_load %arg12[%swap3A_928] {strides = array<i32>} : memref<128xi32, #tpu.memory_space<vmem>>, vector<16xi32>,
    %swap3A_930 = vector.shape_cast %swap3A_929 : vector<16xi32> to vector<16xi32>
    %swap3A_931 = vector.shape_cast %add3A_927 : vector<16xi32> to vector<16xi32>
    tpu.vector_store %arg12[%swap3A_928], %swap3A_931 {strides = array<i32>} : memref<128xi32, #tpu.memory_space<vmem>>, vector<16xi32>,
    %add3A_932 = arith.constant 48 : i32
    %add3A_933 = arith.addi %add3A_907, %add3A_932 : i32
    %add3A_934 = vector.broadcast %add3A_933 : i32 to vector<16xi32>
    %add3A_935 = arith.addi %add3A_934, %iota3A : vector<16xi32>
    %swap3A_936 = arith.constant 48 : index
    %swap3A_937 = tpu.vector_load %arg12[%swap3A_936] {strides = array<i32>} : memref<128xi32, #tpu.memory_space<vmem>>, vector<16xi32>,
    %swap3A_938 = vector.shape_cast %swap3A_937 : vector<16xi32> to vector<16xi32>
    %swap3A_939 = vector.shape_cast %add3A_935 : vector<16xi32> to vector<16xi32>
    tpu.vector_store %arg12[%swap3A_936], %swap3A_939 {strides = array<i32>} : memref<128xi32, #tpu.memory_space<vmem>>, vector<16xi32>,
    %add3A_940 = arith.constant 64 : i32
    %add3A_941 = arith.addi %add3A_907, %add3A_940 : i32
    %add3A_942 = vector.broadcast %add3A_941 : i32 to vector<16xi32>
    %add3A_943 = arith.addi %add3A_942, %iota3A : vector<16xi32>
    %swap3A_944 = arith.constant 64 : index
    %swap3A_945 = tpu.vector_load %arg12[%swap3A_944] {strides = array<i32>} : memref<128xi32, #tpu.memory_space<vmem>>, vector<16xi32>,
    %swap3A_946 = vector.shape_cast %swap3A_945 : vector<16xi32> to vector<16xi32>
    %swap3A_947 = vector.shape_cast %add3A_943 : vector<16xi32> to vector<16xi32>
    tpu.vector_store %arg12[%swap3A_944], %swap3A_947 {strides = array<i32>} : memref<128xi32, #tpu.memory_space<vmem>>, vector<16xi32>,
    %add3A_948 = arith.constant 80 : i32
    %add3A_949 = arith.addi %add3A_907, %add3A_948 : i32
    %add3A_950 = vector.broadcast %add3A_949 : i32 to vector<16xi32>
    %add3A_951 = arith.addi %add3A_950, %iota3A : vector<16xi32>
    %swap3A_952 = arith.constant 80 : index
    %swap3A_953 = tpu.vector_load %arg12[%swap3A_952] {strides = array<i32>} : memref<128xi32, #tpu.memory_space<vmem>>, vector<16xi32>,
    %swap3A_954 = vector.shape_cast %swap3A_953 : vector<16xi32> to vector<16xi32>
    %swap3A_955 = vector.shape_cast %add3A_951 : vector<16xi32> to vector<16xi32>
    tpu.vector_store %arg12[%swap3A_952], %swap3A_955 {strides = array<i32>} : memref<128xi32, #tpu.memory_space<vmem>>, vector<16xi32>,
    %add3A_956 = arith.constant 96 : i32
    %add3A_957 = arith.addi %add3A_907, %add3A_956 : i32
    %add3A_958 = vector.broadcast %add3A_957 : i32 to vector<16xi32>
    %add3A_959 = arith.addi %add3A_958, %iota3A : vector<16xi32>
    %swap3A_960 = arith.constant 96 : index
    %swap3A_961 = tpu.vector_load %arg12[%swap3A_960] {strides = array<i32>} : memref<128xi32, #tpu.memory_space<vmem>>, vector<16xi32>,
    %swap3A_962 = vector.shape_cast %swap3A_961 : vector<16xi32> to vector<16xi32>
    %swap3A_963 = vector.shape_cast %add3A_959 : vector<16xi32> to vector<16xi32>
    tpu.vector_store %arg12[%swap3A_960], %swap3A_963 {strides = array<i32>} : memref<128xi32, #tpu.memory_space<vmem>>, vector<16xi32>,
    %add3A_964 = arith.constant 112 : i32
    %add3A_965 = arith.addi %add3A_907, %add3A_964 : i32
    %add3A_966 = vector.broadcast %add3A_965 : i32 to vector<16xi32>
    %add3A_967 = arith.addi %add3A_966, %iota3A : vector<16xi32>
    %swap3A_968 = arith.constant 112 : index
    %swap3A_969 = tpu.vector_load %arg12[%swap3A_968] {strides = array<i32>} : memref<128xi32, #tpu.memory_space<vmem>>, vector<16xi32>,
    %swap3A_970 = vector.shape_cast %swap3A_969 : vector<16xi32> to vector<16xi32>
    %swap3A_971 = vector.shape_cast %add3A_967 : vector<16xi32> to vector<16xi32>
    tpu.vector_store %arg12[%swap3A_968], %swap3A_971 {strides = array<i32>} : memref<128xi32, #tpu.memory_space<vmem>>, vector<16xi32>,
    "tpu.region"() ({
      %run_scoped3A = tpu.sem_alloc : memref<!tpu.dma_semaphore, #tpu.memory_space<semaphore_mem>>
      %dma_start3A_1406 = arith.constant 0 : i32
      %dma_start3A_1407 = arith.constant 0 : i32
      %dma_start3A_1408 = tpu.memref_slice %arg16[%dma_start3A_1406, %dma_start3A_1407] : memref<10112x128xf32, #tpu.memory_space<vmem_shared>> -> memref<10112x128xf32, #tpu.memory_space<vmem_shared>>
      tpu.enqueue_indirect_dma source(%arg13 : memref<128x128xf32, #tpu.memory_space<vmem>>) target(%dma_start3A_1408 : memref<10112x128xf32, #tpu.memory_space<vmem_shared>>) offsets(%arg12 : memref<128xi32, #tpu.memory_space<vmem>>) semaphore(%run_scoped3A : memref<!tpu.dma_semaphore, #tpu.memory_space<semaphore_mem>>)
      %dma_wait3A = arith.constant 0 : i32
      %dma_wait3A_1409 = arith.constant 0 : i32
      %dma_wait3A_1410 = tpu.memref_slice %arg16[%dma_wait3A, %dma_wait3A_1409] : memref<10112x128xf32, #tpu.memory_space<vmem_shared>> -> memref<10112x128xf32, #tpu.memory_space<vmem_shared>>
      tpu.wait_indirect_dma semaphore(%run_scoped3A : memref<!tpu.dma_semaphore, #tpu.memory_space<semaphore_mem>>) src(%arg13 : memref<128x128xf32, #tpu.memory_space<vmem>>) dst(%dma_wait3A_1410 : memref<10112x128xf32, #tpu.memory_space<vmem_shared>>)
      tpu.yield
    }) : () -> ()
    %add3A_972 = arith.constant 512 : i32
    %add3A_973 = arith.addi %mul3A_0, %add3A_972 : i32
    %add3A_974 = arith.constant 0 : i32
    %add3A_975 = arith.addi %add3A_973, %add3A_974 : i32
    %add3A_976 = vector.broadcast %add3A_975 : i32 to vector<16xi32>
    %add3A_977 = arith.addi %add3A_976, %iota3A : vector<16xi32>
    %swap3A_978 = arith.constant 0 : index
    %swap3A_979 = tpu.vector_load %arg12[%swap3A_978] {strides = array<i32>} : memref<128xi32, #tpu.memory_space<vmem>>, vector<16xi32>,
    %swap3A_980 = vector.shape_cast %swap3A_979 : vector<16xi32> to vector<16xi32>
    %swap3A_981 = vector.shape_cast %add3A_977 : vector<16xi32> to vector<16xi32>
    tpu.vector_store %arg12[%swap3A_978], %swap3A_981 {strides = array<i32>} : memref<128xi32, #tpu.memory_space<vmem>>, vector<16xi32>,
    %add3A_982 = arith.constant 16 : i32
    %add3A_983 = arith.addi %add3A_973, %add3A_982 : i32
    %add3A_984 = vector.broadcast %add3A_983 : i32 to vector<16xi32>
    %add3A_985 = arith.addi %add3A_984, %iota3A : vector<16xi32>
    %swap3A_986 = arith.constant 16 : index
    %swap3A_987 = tpu.vector_load %arg12[%swap3A_986] {strides = array<i32>} : memref<128xi32, #tpu.memory_space<vmem>>, vector<16xi32>,
    %swap3A_988 = vector.shape_cast %swap3A_987 : vector<16xi32> to vector<16xi32>
    %swap3A_989 = vector.shape_cast %add3A_985 : vector<16xi32> to vector<16xi32>
    tpu.vector_store %arg12[%swap3A_986], %swap3A_989 {strides = array<i32>} : memref<128xi32, #tpu.memory_space<vmem>>, vector<16xi32>,
    %add3A_990 = arith.constant 32 : i32
    %add3A_991 = arith.addi %add3A_973, %add3A_990 : i32
    %add3A_992 = vector.broadcast %add3A_991 : i32 to vector<16xi32>
    %add3A_993 = arith.addi %add3A_992, %iota3A : vector<16xi32>
    %swap3A_994 = arith.constant 32 : index
    %swap3A_995 = tpu.vector_load %arg12[%swap3A_994] {strides = array<i32>} : memref<128xi32, #tpu.memory_space<vmem>>, vector<16xi32>,
    %swap3A_996 = vector.shape_cast %swap3A_995 : vector<16xi32> to vector<16xi32>
    %swap3A_997 = vector.shape_cast %add3A_993 : vector<16xi32> to vector<16xi32>
    tpu.vector_store %arg12[%swap3A_994], %swap3A_997 {strides = array<i32>} : memref<128xi32, #tpu.memory_space<vmem>>, vector<16xi32>,
    %add3A_998 = arith.constant 48 : i32
    %add3A_999 = arith.addi %add3A_973, %add3A_998 : i32
    %add3A_1000 = vector.broadcast %add3A_999 : i32 to vector<16xi32>
    %add3A_1001 = arith.addi %add3A_1000, %iota3A : vector<16xi32>
    %swap3A_1002 = arith.constant 48 : index
    %swap3A_1003 = tpu.vector_load %arg12[%swap3A_1002] {strides = array<i32>} : memref<128xi32, #tpu.memory_space<vmem>>, vector<16xi32>,
    %swap3A_1004 = vector.shape_cast %swap3A_1003 : vector<16xi32> to vector<16xi32>
    %swap3A_1005 = vector.shape_cast %add3A_1001 : vector<16xi32> to vector<16xi32>
    tpu.vector_store %arg12[%swap3A_1002], %swap3A_1005 {strides = array<i32>} : memref<128xi32, #tpu.memory_space<vmem>>, vector<16xi32>,
    %add3A_1006 = arith.constant 64 : i32
    %add3A_1007 = arith.addi %add3A_973, %add3A_1006 : i32
    %add3A_1008 = vector.broadcast %add3A_1007 : i32 to vector<16xi32>
    %add3A_1009 = arith.addi %add3A_1008, %iota3A : vector<16xi32>
    %swap3A_1010 = arith.constant 64 : index
    %swap3A_1011 = tpu.vector_load %arg12[%swap3A_1010] {strides = array<i32>} : memref<128xi32, #tpu.memory_space<vmem>>, vector<16xi32>,
    %swap3A_1012 = vector.shape_cast %swap3A_1011 : vector<16xi32> to vector<16xi32>
    %swap3A_1013 = vector.shape_cast %add3A_1009 : vector<16xi32> to vector<16xi32>
    tpu.vector_store %arg12[%swap3A_1010], %swap3A_1013 {strides = array<i32>} : memref<128xi32, #tpu.memory_space<vmem>>, vector<16xi32>,
    %add3A_1014 = arith.constant 80 : i32
    %add3A_1015 = arith.addi %add3A_973, %add3A_1014 : i32
    %add3A_1016 = vector.broadcast %add3A_1015 : i32 to vector<16xi32>
    %add3A_1017 = arith.addi %add3A_1016, %iota3A : vector<16xi32>
    %swap3A_1018 = arith.constant 80 : index
    %swap3A_1019 = tpu.vector_load %arg12[%swap3A_1018] {strides = array<i32>} : memref<128xi32, #tpu.memory_space<vmem>>, vector<16xi32>,
    %swap3A_1020 = vector.shape_cast %swap3A_1019 : vector<16xi32> to vector<16xi32>
    %swap3A_1021 = vector.shape_cast %add3A_1017 : vector<16xi32> to vector<16xi32>
    tpu.vector_store %arg12[%swap3A_1018], %swap3A_1021 {strides = array<i32>} : memref<128xi32, #tpu.memory_space<vmem>>, vector<16xi32>,
    %add3A_1022 = arith.constant 96 : i32
    %add3A_1023 = arith.addi %add3A_973, %add3A_1022 : i32
    %add3A_1024 = vector.broadcast %add3A_1023 : i32 to vector<16xi32>
    %add3A_1025 = arith.addi %add3A_1024, %iota3A : vector<16xi32>
    %swap3A_1026 = arith.constant 96 : index
    %swap3A_1027 = tpu.vector_load %arg12[%swap3A_1026] {strides = array<i32>} : memref<128xi32, #tpu.memory_space<vmem>>, vector<16xi32>,
    %swap3A_1028 = vector.shape_cast %swap3A_1027 : vector<16xi32> to vector<16xi32>
    %swap3A_1029 = vector.shape_cast %add3A_1025 : vector<16xi32> to vector<16xi32>
    tpu.vector_store %arg12[%swap3A_1026], %swap3A_1029 {strides = array<i32>} : memref<128xi32, #tpu.memory_space<vmem>>, vector<16xi32>,
    %add3A_1030 = arith.constant 112 : i32
    %add3A_1031 = arith.addi %add3A_973, %add3A_1030 : i32
    %add3A_1032 = vector.broadcast %add3A_1031 : i32 to vector<16xi32>
    %add3A_1033 = arith.addi %add3A_1032, %iota3A : vector<16xi32>
    %add3A_1034 = arith.constant 112 : i32
    %add3A_1035 = vector.broadcast %add3A_1034 : i32 to vector<16xi32>
    %add3A_1036 = arith.addi %add3A_1035, %iota3A : vector<16xi32>
    %ge3A_1037 = arith.constant 120 : i32
    %ge3A_1038 = vector.broadcast %ge3A_1037 : i32 to vector<16xi32>
    %ge3A_1039 = arith.cmpi sge, %add3A_1036, %ge3A_1038 : vector<16xi32>
    %broadcast_in_dim3A_1040 = vector.broadcast %add3A_973 : i32 to vector<16xi32>
    %select_n3A_1041 = arith.select %ge3A_1039, %broadcast_in_dim3A_1040, %add3A_1033 : vector<16xi1>, vector<16xi32>
    %swap3A_1042 = arith.constant 112 : index
    %swap3A_1043 = tpu.vector_load %arg12[%swap3A_1042] {strides = array<i32>} : memref<128xi32, #tpu.memory_space<vmem>>, vector<16xi32>,
    %swap3A_1044 = vector.shape_cast %swap3A_1043 : vector<16xi32> to vector<16xi32>
    %swap3A_1045 = vector.shape_cast %select_n3A_1041 : vector<16xi32> to vector<16xi32>
    tpu.vector_store %arg12[%swap3A_1042], %swap3A_1045 {strides = array<i32>} : memref<128xi32, #tpu.memory_space<vmem>>, vector<16xi32>,
    "tpu.region"() ({
      %run_scoped3A = tpu.sem_alloc : memref<!tpu.dma_semaphore, #tpu.memory_space<semaphore_mem>>
      %dma_start3A_1406 = arith.constant 0 : i32
      %dma_start3A_1407 = arith.constant 0 : i32
      %dma_start3A_1408 = tpu.memref_slice %arg16[%dma_start3A_1406, %dma_start3A_1407] : memref<10112x128xf32, #tpu.memory_space<vmem_shared>> -> memref<10112x128xf32, #tpu.memory_space<vmem_shared>>
      tpu.enqueue_indirect_dma source(%arg13 : memref<128x128xf32, #tpu.memory_space<vmem>>) target(%dma_start3A_1408 : memref<10112x128xf32, #tpu.memory_space<vmem_shared>>) offsets(%arg12 : memref<128xi32, #tpu.memory_space<vmem>>) semaphore(%run_scoped3A : memref<!tpu.dma_semaphore, #tpu.memory_space<semaphore_mem>>)
      %dma_wait3A = arith.constant 0 : i32
      %dma_wait3A_1409 = arith.constant 0 : i32
      %dma_wait3A_1410 = tpu.memref_slice %arg16[%dma_wait3A, %dma_wait3A_1409] : memref<10112x128xf32, #tpu.memory_space<vmem_shared>> -> memref<10112x128xf32, #tpu.memory_space<vmem_shared>>
      tpu.wait_indirect_dma semaphore(%run_scoped3A : memref<!tpu.dma_semaphore, #tpu.memory_space<semaphore_mem>>) src(%arg13 : memref<128x128xf32, #tpu.memory_space<vmem>>) dst(%dma_wait3A_1410 : memref<10112x128xf32, #tpu.memory_space<vmem_shared>>)
      tpu.yield
    }) : () -> ()
    %barrier3A_1046 = arith.constant 0 : index
    tpu.barrier barrier_id(%barrier3A_1046)
    %mul3A_1047 = arith.constant 160000 : i32
    %mul3A_1048 = arith.muli %arg0, %mul3A_1047 : i32
    %add3A_1049 = arith.constant 0 : i32
    %add3A_1050 = arith.addi %arg1, %add3A_1049 : i32
    %mul3A_1051 = arith.constant 128 : i32
    %mul3A_1052 = arith.muli %add3A_1050, %mul3A_1051 : i32
    %add3A_1053 = arith.addi %mul3A_1048, %mul3A_1052 : i32
    "tpu.region"() ({
      %run_scoped3A = tpu.sem_alloc : memref<!tpu.dma_semaphore, #tpu.memory_space<semaphore_mem>>
      %dma_start3A_1406 = tpu.memref_slice %arg3[%add3A_1053] : memref<320000xi32, #tpu.memory_space<hbm>> -> memref<128xi32, #tpu.memory_space<hbm>>
      %dma_start3A_1407 = tpu.memref_slice %arg3[%add3A_1053] : memref<320000xi32, #tpu.memory_space<hbm>> -> memref<128xi32, #tpu.memory_space<hbm>>
      tpu.enqueue_dma source(%dma_start3A_1407 : memref<128xi32, #tpu.memory_space<hbm>>) target(%arg10 : memref<128xi32, #tpu.memory_space<vmem>>) target_semaphore(%run_scoped3A : memref<!tpu.dma_semaphore, #tpu.memory_space<semaphore_mem>>)
      %dma_wait3A = tpu.memref_slice %arg3[%add3A_1053] : memref<320000xi32, #tpu.memory_space<hbm>> -> memref<128xi32, #tpu.memory_space<hbm>>
      %dma_wait3A_1408 = tpu.memref_slice %arg3[%add3A_1053] : memref<320000xi32, #tpu.memory_space<hbm>> -> memref<128xi32, #tpu.memory_space<hbm>>
      tpu.wait_dma2 semaphore(%run_scoped3A : memref<!tpu.dma_semaphore, #tpu.memory_space<semaphore_mem>>) src(%dma_wait3A_1408 : memref<128xi32, #tpu.memory_space<hbm>>) dst(%arg10 : memref<128xi32, #tpu.memory_space<vmem>>)
      tpu.yield
    }) : () -> ()
    "tpu.region"() ({
      %run_scoped3A = tpu.sem_alloc : memref<!tpu.dma_semaphore, #tpu.memory_space<semaphore_mem>>
      %dma_start3A_1406 = arith.constant 0 : i32
      %dma_start3A_1407 = tpu.memref_slice %arg4[%add3A_1053, %dma_start3A_1406] : memref<320000x16xf32, #tpu.memory_space<hbm>> -> memref<128x16xf32, #tpu.memory_space<hbm>>
      %dma_start3A_1408 = arith.constant 0 : i32
      %dma_start3A_1409 = tpu.memref_slice %arg4[%add3A_1053, %dma_start3A_1408] : memref<320000x16xf32, #tpu.memory_space<hbm>> -> memref<128x16xf32, #tpu.memory_space<hbm>>
      tpu.enqueue_dma source(%dma_start3A_1409 : memref<128x16xf32, #tpu.memory_space<hbm>>) target(%arg15 : memref<128x16xf32, #tpu.memory_space<vmem>>) target_semaphore(%run_scoped3A : memref<!tpu.dma_semaphore, #tpu.memory_space<semaphore_mem>>)
      %dma_wait3A = arith.constant 0 : i32
      %dma_wait3A_1410 = tpu.memref_slice %arg4[%add3A_1053, %dma_wait3A] : memref<320000x16xf32, #tpu.memory_space<hbm>> -> memref<128x16xf32, #tpu.memory_space<hbm>>
      %dma_wait3A_1411 = arith.constant 0 : i32
      %dma_wait3A_1412 = tpu.memref_slice %arg4[%add3A_1053, %dma_wait3A_1411] : memref<320000x16xf32, #tpu.memory_space<hbm>> -> memref<128x16xf32, #tpu.memory_space<hbm>>
      tpu.wait_dma2 semaphore(%run_scoped3A : memref<!tpu.dma_semaphore, #tpu.memory_space<semaphore_mem>>) src(%dma_wait3A_1412 : memref<128x16xf32, #tpu.memory_space<hbm>>) dst(%arg15 : memref<128x16xf32, #tpu.memory_space<vmem>>)
      tpu.yield
    }) : () -> ()
    %scan3A_1054 = arith.constant 0 : i32
    %scan3A_1055 = arith.constant 128 : i32
    %scan3A_1056 = arith.addi %scan3A_1054, %scan3A_1055 : i32
    %scan3A_1057 = arith.constant 1 : i32
    scf.for %scan3A_1406 = %scan3A_1054 to %scan3A_1056 step %scan3A_1057  : i32 {
      %get3A = arith.index_cast %scan3A_1406 : i32 to index
      %get3A_1407 = arith.constant 0 : index
      %get3A_1408 = tpu.vector_load %arg15[%get3A, %get3A_1407] {strides = array<i32>} : memref<128x16xf32, #tpu.memory_space<vmem>>, vector<1x16xf32>,
      %get3A_1409 = vector.shape_cast %get3A_1408 : vector<1x16xf32> to vector<16xf32>
      %swap3A_1410 = arith.index_cast %scan3A_1406 : i32 to index
      %swap3A_1411 = arith.constant 0 : index
      %swap3A_1412 = tpu.vector_load %arg13[%swap3A_1410, %swap3A_1411] {strides = array<i32>} : memref<128x128xf32, #tpu.memory_space<vmem>>, vector<1x16xf32>,
      %swap3A_1413 = vector.shape_cast %swap3A_1412 : vector<1x16xf32> to vector<16xf32>
      %swap3A_1414 = vector.shape_cast %get3A_1409 : vector<16xf32> to vector<1x16xf32>
      tpu.vector_store %arg13[%swap3A_1410, %swap3A_1411], %swap3A_1414 {strides = array<i32>} : memref<128x128xf32, #tpu.memory_space<vmem>>, vector<1x16xf32>,
    }
    %scan3A_1058 = arith.constant 128 : i32
    %dma_start3A_1059 = arith.constant 0 : i32
    %dma_start3A_1060 = arith.constant 0 : i32
    %dma_start3A_1061 = tpu.memref_slice %arg16[%dma_start3A_1059, %dma_start3A_1060] : memref<10112x128xf32, #tpu.memory_space<vmem_shared>> -> memref<10112x128xf32, #tpu.memory_space<vmem_shared>>
    tpu.enqueue_indirect_dma source(%arg13 : memref<128x128xf32, #tpu.memory_space<vmem>>) target(%dma_start3A_1061 : memref<10112x128xf32, #tpu.memory_space<vmem_shared>>) offsets(%arg10 : memref<128xi32, #tpu.memory_space<vmem>>) semaphore(%arg17 : memref<!tpu.dma_semaphore, #tpu.memory_space<semaphore_mem>>) {add = true}
    %scan3A_1062 = arith.constant 0 : i32
    %scan3A_1063 = arith.constant 40 : i32
    %scan3A_1064 = arith.addi %scan3A_1062, %scan3A_1063 : i32
    %scan3A_1065 = arith.constant 1 : i32
    scf.for %scan3A_1406 = %scan3A_1062 to %scan3A_1064 step %scan3A_1065  : i32 {
      %mul3A_1407 = arith.constant 2 : i32
      %mul3A_1408 = arith.muli %mul3A_1407, %scan3A_1406 : i32
      %mul3A_1409 = arith.constant 2 : i32
      %mul3A_1410 = arith.muli %mul3A_1409, %scan3A_1406 : i32
      %add3A_1411 = arith.constant 1 : i32
      %add3A_1412 = arith.addi %mul3A_1410, %add3A_1411 : i32
      %lt3A_1413 = arith.cmpi slt, %add3A_1412, %add3A_4 : i32
      %convert_element_type3A = arith.extui %lt3A_1413 : i1 to i32
      %cond3A = arith.constant 0 : i32
      %cond3A_1414 = arith.cmpi ne, %convert_element_type3A, %cond3A : i32
      scf.if %cond3A_1414 {
        %mul3A_1429 = arith.constant 160000 : i32
        %mul3A_1430 = arith.muli %arg0, %mul3A_1429 : i32
        %mul3A_1431 = arith.constant 16 : i32
        %mul3A_1432 = arith.muli %add3A_1412, %mul3A_1431 : i32
        %add3A_1433 = arith.addi %arg1, %mul3A_1432 : i32
        %mul3A_1434 = arith.constant 128 : i32
        %mul3A_1435 = arith.muli %add3A_1433, %mul3A_1434 : i32
        %add3A_1436 = arith.addi %mul3A_1430, %mul3A_1435 : i32
        "tpu.region"() ({
          %run_scoped3A = tpu.sem_alloc : memref<!tpu.dma_semaphore, #tpu.memory_space<semaphore_mem>>
          %dma_start3A_1445 = tpu.memref_slice %arg3[%add3A_1436] : memref<320000xi32, #tpu.memory_space<hbm>> -> memref<128xi32, #tpu.memory_space<hbm>>
          %dma_start3A_1446 = tpu.memref_slice %arg3[%add3A_1436] : memref<320000xi32, #tpu.memory_space<hbm>> -> memref<128xi32, #tpu.memory_space<hbm>>
          tpu.enqueue_dma source(%dma_start3A_1446 : memref<128xi32, #tpu.memory_space<hbm>>) target(%arg11 : memref<128xi32, #tpu.memory_space<vmem>>) target_semaphore(%run_scoped3A : memref<!tpu.dma_semaphore, #tpu.memory_space<semaphore_mem>>)
          %dma_wait3A = tpu.memref_slice %arg3[%add3A_1436] : memref<320000xi32, #tpu.memory_space<hbm>> -> memref<128xi32, #tpu.memory_space<hbm>>
          %dma_wait3A_1447 = tpu.memref_slice %arg3[%add3A_1436] : memref<320000xi32, #tpu.memory_space<hbm>> -> memref<128xi32, #tpu.memory_space<hbm>>
          tpu.wait_dma2 semaphore(%run_scoped3A : memref<!tpu.dma_semaphore, #tpu.memory_space<semaphore_mem>>) src(%dma_wait3A_1447 : memref<128xi32, #tpu.memory_space<hbm>>) dst(%arg11 : memref<128xi32, #tpu.memory_space<vmem>>)
          tpu.yield
        }) : () -> ()
        "tpu.region"() ({
          %run_scoped3A = tpu.sem_alloc : memref<!tpu.dma_semaphore, #tpu.memory_space<semaphore_mem>>
          %dma_start3A_1445 = arith.constant 0 : i32
          %dma_start3A_1446 = tpu.memref_slice %arg4[%add3A_1436, %dma_start3A_1445] : memref<320000x16xf32, #tpu.memory_space<hbm>> -> memref<128x16xf32, #tpu.memory_space<hbm>>
          %dma_start3A_1447 = arith.constant 0 : i32
          %dma_start3A_1448 = tpu.memref_slice %arg4[%add3A_1436, %dma_start3A_1447] : memref<320000x16xf32, #tpu.memory_space<hbm>> -> memref<128x16xf32, #tpu.memory_space<hbm>>
          tpu.enqueue_dma source(%dma_start3A_1448 : memref<128x16xf32, #tpu.memory_space<hbm>>) target(%arg15 : memref<128x16xf32, #tpu.memory_space<vmem>>) target_semaphore(%run_scoped3A : memref<!tpu.dma_semaphore, #tpu.memory_space<semaphore_mem>>)
          %dma_wait3A = arith.constant 0 : i32
          %dma_wait3A_1449 = tpu.memref_slice %arg4[%add3A_1436, %dma_wait3A] : memref<320000x16xf32, #tpu.memory_space<hbm>> -> memref<128x16xf32, #tpu.memory_space<hbm>>
          %dma_wait3A_1450 = arith.constant 0 : i32
          %dma_wait3A_1451 = tpu.memref_slice %arg4[%add3A_1436, %dma_wait3A_1450] : memref<320000x16xf32, #tpu.memory_space<hbm>> -> memref<128x16xf32, #tpu.memory_space<hbm>>
          tpu.wait_dma2 semaphore(%run_scoped3A : memref<!tpu.dma_semaphore, #tpu.memory_space<semaphore_mem>>) src(%dma_wait3A_1451 : memref<128x16xf32, #tpu.memory_space<hbm>>) dst(%arg15 : memref<128x16xf32, #tpu.memory_space<vmem>>)
          tpu.yield
        }) : () -> ()
        %scan3A_1437 = arith.constant 0 : i32
        %scan3A_1438 = arith.constant 128 : i32
        %scan3A_1439 = arith.addi %scan3A_1437, %scan3A_1438 : i32
        %scan3A_1440 = arith.constant 1 : i32
        scf.for %scan3A_1445 = %scan3A_1437 to %scan3A_1439 step %scan3A_1440  : i32 {
          %get3A = arith.index_cast %scan3A_1445 : i32 to index
          %get3A_1446 = arith.constant 0 : index
          %get3A_1447 = tpu.vector_load %arg15[%get3A, %get3A_1446] {strides = array<i32>} : memref<128x16xf32, #tpu.memory_space<vmem>>, vector<1x16xf32>,
          %get3A_1448 = vector.shape_cast %get3A_1447 : vector<1x16xf32> to vector<16xf32>
          %swap3A_1449 = arith.index_cast %scan3A_1445 : i32 to index
          %swap3A_1450 = arith.constant 0 : index
          %swap3A_1451 = tpu.vector_load %arg14[%swap3A_1449, %swap3A_1450] {strides = array<i32>} : memref<128x128xf32, #tpu.memory_space<vmem>>, vector<1x16xf32>,
          %swap3A_1452 = vector.shape_cast %swap3A_1451 : vector<1x16xf32> to vector<16xf32>
          %swap3A_1453 = vector.shape_cast %get3A_1448 : vector<16xf32> to vector<1x16xf32>
          tpu.vector_store %arg14[%swap3A_1449, %swap3A_1450], %swap3A_1453 {strides = array<i32>} : memref<128x128xf32, #tpu.memory_space<vmem>>, vector<1x16xf32>,
        }
        %scan3A_1441 = arith.constant 128 : i32
        %dma_start3A_1442 = arith.constant 0 : i32
        %dma_start3A_1443 = arith.constant 0 : i32
        %dma_start3A_1444 = tpu.memref_slice %arg16[%dma_start3A_1442, %dma_start3A_1443] : memref<10112x128xf32, #tpu.memory_space<vmem_shared>> -> memref<10112x128xf32, #tpu.memory_space<vmem_shared>>
        tpu.enqueue_indirect_dma source(%arg14 : memref<128x128xf32, #tpu.memory_space<vmem>>) target(%dma_start3A_1444 : memref<10112x128xf32, #tpu.memory_space<vmem_shared>>) offsets(%arg11 : memref<128xi32, #tpu.memory_space<vmem>>) semaphore(%arg18 : memref<!tpu.dma_semaphore, #tpu.memory_space<semaphore_mem>>) {add = true}
      } else {
      }
      %lt3A_1415 = arith.cmpi slt, %mul3A_1408, %add3A_4 : i32
      %convert_element_type3A_1416 = arith.extui %lt3A_1415 : i1 to i32
      %cond3A_1417 = arith.constant 0 : i32
      %cond3A_1418 = arith.cmpi ne, %convert_element_type3A_1416, %cond3A_1417 : i32
      scf.if %cond3A_1418 {
        %dma_wait3A = arith.constant 0 : i32
        %dma_wait3A_1429 = arith.constant 0 : i32
        %dma_wait3A_1430 = tpu.memref_slice %arg16[%dma_wait3A, %dma_wait3A_1429] : memref<10112x128xf32, #tpu.memory_space<vmem_shared>> -> memref<10112x128xf32, #tpu.memory_space<vmem_shared>>
        tpu.wait_indirect_dma semaphore(%arg17 : memref<!tpu.dma_semaphore, #tpu.memory_space<semaphore_mem>>) src(%arg13 : memref<128x128xf32, #tpu.memory_space<vmem>>) dst(%dma_wait3A_1430 : memref<10112x128xf32, #tpu.memory_space<vmem_shared>>)
      } else {
      }
      %add3A_1419 = arith.constant 2 : i32
      %add3A_1420 = arith.addi %mul3A_1408, %add3A_1419 : i32
      %lt3A_1421 = arith.cmpi slt, %add3A_1420, %add3A_4 : i32
      %convert_element_type3A_1422 = arith.extui %lt3A_1421 : i1 to i32
      %cond3A_1423 = arith.constant 0 : i32
      %cond3A_1424 = arith.cmpi ne, %convert_element_type3A_1422, %cond3A_1423 : i32
      scf.if %cond3A_1424 {
        %add3A_1429 = arith.constant 2 : i32
        %add3A_1430 = arith.addi %mul3A_1408, %add3A_1429 : i32
        %mul3A_1431 = arith.constant 160000 : i32
        %mul3A_1432 = arith.muli %arg0, %mul3A_1431 : i32
        %mul3A_1433 = arith.constant 16 : i32
        %mul3A_1434 = arith.muli %add3A_1430, %mul3A_1433 : i32
        %add3A_1435 = arith.addi %arg1, %mul3A_1434 : i32
        %mul3A_1436 = arith.constant 128 : i32
        %mul3A_1437 = arith.muli %add3A_1435, %mul3A_1436 : i32
        %add3A_1438 = arith.addi %mul3A_1432, %mul3A_1437 : i32
        "tpu.region"() ({
          %run_scoped3A = tpu.sem_alloc : memref<!tpu.dma_semaphore, #tpu.memory_space<semaphore_mem>>
          %dma_start3A_1447 = tpu.memref_slice %arg3[%add3A_1438] : memref<320000xi32, #tpu.memory_space<hbm>> -> memref<128xi32, #tpu.memory_space<hbm>>
          %dma_start3A_1448 = tpu.memref_slice %arg3[%add3A_1438] : memref<320000xi32, #tpu.memory_space<hbm>> -> memref<128xi32, #tpu.memory_space<hbm>>
          tpu.enqueue_dma source(%dma_start3A_1448 : memref<128xi32, #tpu.memory_space<hbm>>) target(%arg10 : memref<128xi32, #tpu.memory_space<vmem>>) target_semaphore(%run_scoped3A : memref<!tpu.dma_semaphore, #tpu.memory_space<semaphore_mem>>)
          %dma_wait3A = tpu.memref_slice %arg3[%add3A_1438] : memref<320000xi32, #tpu.memory_space<hbm>> -> memref<128xi32, #tpu.memory_space<hbm>>
          %dma_wait3A_1449 = tpu.memref_slice %arg3[%add3A_1438] : memref<320000xi32, #tpu.memory_space<hbm>> -> memref<128xi32, #tpu.memory_space<hbm>>
          tpu.wait_dma2 semaphore(%run_scoped3A : memref<!tpu.dma_semaphore, #tpu.memory_space<semaphore_mem>>) src(%dma_wait3A_1449 : memref<128xi32, #tpu.memory_space<hbm>>) dst(%arg10 : memref<128xi32, #tpu.memory_space<vmem>>)
          tpu.yield
        }) : () -> ()
        "tpu.region"() ({
          %run_scoped3A = tpu.sem_alloc : memref<!tpu.dma_semaphore, #tpu.memory_space<semaphore_mem>>
          %dma_start3A_1447 = arith.constant 0 : i32
          %dma_start3A_1448 = tpu.memref_slice %arg4[%add3A_1438, %dma_start3A_1447] : memref<320000x16xf32, #tpu.memory_space<hbm>> -> memref<128x16xf32, #tpu.memory_space<hbm>>
          %dma_start3A_1449 = arith.constant 0 : i32
          %dma_start3A_1450 = tpu.memref_slice %arg4[%add3A_1438, %dma_start3A_1449] : memref<320000x16xf32, #tpu.memory_space<hbm>> -> memref<128x16xf32, #tpu.memory_space<hbm>>
          tpu.enqueue_dma source(%dma_start3A_1450 : memref<128x16xf32, #tpu.memory_space<hbm>>) target(%arg15 : memref<128x16xf32, #tpu.memory_space<vmem>>) target_semaphore(%run_scoped3A : memref<!tpu.dma_semaphore, #tpu.memory_space<semaphore_mem>>)
          %dma_wait3A = arith.constant 0 : i32
          %dma_wait3A_1451 = tpu.memref_slice %arg4[%add3A_1438, %dma_wait3A] : memref<320000x16xf32, #tpu.memory_space<hbm>> -> memref<128x16xf32, #tpu.memory_space<hbm>>
          %dma_wait3A_1452 = arith.constant 0 : i32
          %dma_wait3A_1453 = tpu.memref_slice %arg4[%add3A_1438, %dma_wait3A_1452] : memref<320000x16xf32, #tpu.memory_space<hbm>> -> memref<128x16xf32, #tpu.memory_space<hbm>>
          tpu.wait_dma2 semaphore(%run_scoped3A : memref<!tpu.dma_semaphore, #tpu.memory_space<semaphore_mem>>) src(%dma_wait3A_1453 : memref<128x16xf32, #tpu.memory_space<hbm>>) dst(%arg15 : memref<128x16xf32, #tpu.memory_space<vmem>>)
          tpu.yield
        }) : () -> ()
        %scan3A_1439 = arith.constant 0 : i32
        %scan3A_1440 = arith.constant 128 : i32
        %scan3A_1441 = arith.addi %scan3A_1439, %scan3A_1440 : i32
        %scan3A_1442 = arith.constant 1 : i32
        scf.for %scan3A_1447 = %scan3A_1439 to %scan3A_1441 step %scan3A_1442  : i32 {
          %get3A = arith.index_cast %scan3A_1447 : i32 to index
          %get3A_1448 = arith.constant 0 : index
          %get3A_1449 = tpu.vector_load %arg15[%get3A, %get3A_1448] {strides = array<i32>} : memref<128x16xf32, #tpu.memory_space<vmem>>, vector<1x16xf32>,
          %get3A_1450 = vector.shape_cast %get3A_1449 : vector<1x16xf32> to vector<16xf32>
          %swap3A_1451 = arith.index_cast %scan3A_1447 : i32 to index
          %swap3A_1452 = arith.constant 0 : index
          %swap3A_1453 = tpu.vector_load %arg13[%swap3A_1451, %swap3A_1452] {strides = array<i32>} : memref<128x128xf32, #tpu.memory_space<vmem>>, vector<1x16xf32>,
          %swap3A_1454 = vector.shape_cast %swap3A_1453 : vector<1x16xf32> to vector<16xf32>
          %swap3A_1455 = vector.shape_cast %get3A_1450 : vector<16xf32> to vector<1x16xf32>
          tpu.vector_store %arg13[%swap3A_1451, %swap3A_1452], %swap3A_1455 {strides = array<i32>} : memref<128x128xf32, #tpu.memory_space<vmem>>, vector<1x16xf32>,
        }
        %scan3A_1443 = arith.constant 128 : i32
        %dma_start3A_1444 = arith.constant 0 : i32
        %dma_start3A_1445 = arith.constant 0 : i32
        %dma_start3A_1446 = tpu.memref_slice %arg16[%dma_start3A_1444, %dma_start3A_1445] : memref<10112x128xf32, #tpu.memory_space<vmem_shared>> -> memref<10112x128xf32, #tpu.memory_space<vmem_shared>>
        tpu.enqueue_indirect_dma source(%arg13 : memref<128x128xf32, #tpu.memory_space<vmem>>) target(%dma_start3A_1446 : memref<10112x128xf32, #tpu.memory_space<vmem_shared>>) offsets(%arg10 : memref<128xi32, #tpu.memory_space<vmem>>) semaphore(%arg17 : memref<!tpu.dma_semaphore, #tpu.memory_space<semaphore_mem>>) {add = true}
      } else {
      }
      %lt3A_1425 = arith.cmpi slt, %add3A_1412, %add3A_4 : i32
      %convert_element_type3A_1426 = arith.extui %lt3A_1425 : i1 to i32
      %cond3A_1427 = arith.constant 0 : i32
      %cond3A_1428 = arith.cmpi ne, %convert_element_type3A_1426, %cond3A_1427 : i32
      scf.if %cond3A_1428 {
        %dma_wait3A = arith.constant 0 : i32
        %dma_wait3A_1429 = arith.constant 0 : i32
        %dma_wait3A_1430 = tpu.memref_slice %arg16[%dma_wait3A, %dma_wait3A_1429] : memref<10112x128xf32, #tpu.memory_space<vmem_shared>> -> memref<10112x128xf32, #tpu.memory_space<vmem_shared>>
        tpu.wait_indirect_dma semaphore(%arg18 : memref<!tpu.dma_semaphore, #tpu.memory_space<semaphore_mem>>) src(%arg14 : memref<128x128xf32, #tpu.memory_space<vmem>>) dst(%dma_wait3A_1430 : memref<10112x128xf32, #tpu.memory_space<vmem_shared>>)
      } else {
      }
    }
    %scan3A_1066 = arith.constant 40 : i32
    %barrier3A_1067 = arith.constant 0 : index
    tpu.barrier barrier_id(%barrier3A_1067)
    %add3A_1068 = arith.constant 0 : i32
    %add3A_1069 = arith.addi %mul3A_0, %add3A_1068 : i32
    %add3A_1070 = arith.constant 0 : i32
    %add3A_1071 = arith.addi %add3A_1069, %add3A_1070 : i32
    %add3A_1072 = vector.broadcast %add3A_1071 : i32 to vector<16xi32>
    %add3A_1073 = arith.addi %add3A_1072, %iota3A : vector<16xi32>
    %swap3A_1074 = arith.constant 0 : index
    %swap3A_1075 = tpu.vector_load %arg12[%swap3A_1074] {strides = array<i32>} : memref<128xi32, #tpu.memory_space<vmem>>, vector<16xi32>,
    %swap3A_1076 = vector.shape_cast %swap3A_1075 : vector<16xi32> to vector<16xi32>
    %swap3A_1077 = vector.shape_cast %add3A_1073 : vector<16xi32> to vector<16xi32>
    tpu.vector_store %arg12[%swap3A_1074], %swap3A_1077 {strides = array<i32>} : memref<128xi32, #tpu.memory_space<vmem>>, vector<16xi32>,
    %add3A_1078 = arith.constant 16 : i32
    %add3A_1079 = arith.addi %add3A_1069, %add3A_1078 : i32
    %add3A_1080 = vector.broadcast %add3A_1079 : i32 to vector<16xi32>
    %add3A_1081 = arith.addi %add3A_1080, %iota3A : vector<16xi32>
    %swap3A_1082 = arith.constant 16 : index
    %swap3A_1083 = tpu.vector_load %arg12[%swap3A_1082] {strides = array<i32>} : memref<128xi32, #tpu.memory_space<vmem>>, vector<16xi32>,
    %swap3A_1084 = vector.shape_cast %swap3A_1083 : vector<16xi32> to vector<16xi32>
    %swap3A_1085 = vector.shape_cast %add3A_1081 : vector<16xi32> to vector<16xi32>
    tpu.vector_store %arg12[%swap3A_1082], %swap3A_1085 {strides = array<i32>} : memref<128xi32, #tpu.memory_space<vmem>>, vector<16xi32>,
    %add3A_1086 = arith.constant 32 : i32
    %add3A_1087 = arith.addi %add3A_1069, %add3A_1086 : i32
    %add3A_1088 = vector.broadcast %add3A_1087 : i32 to vector<16xi32>
    %add3A_1089 = arith.addi %add3A_1088, %iota3A : vector<16xi32>
    %swap3A_1090 = arith.constant 32 : index
    %swap3A_1091 = tpu.vector_load %arg12[%swap3A_1090] {strides = array<i32>} : memref<128xi32, #tpu.memory_space<vmem>>, vector<16xi32>,
    %swap3A_1092 = vector.shape_cast %swap3A_1091 : vector<16xi32> to vector<16xi32>
    %swap3A_1093 = vector.shape_cast %add3A_1089 : vector<16xi32> to vector<16xi32>
    tpu.vector_store %arg12[%swap3A_1090], %swap3A_1093 {strides = array<i32>} : memref<128xi32, #tpu.memory_space<vmem>>, vector<16xi32>,
    %add3A_1094 = arith.constant 48 : i32
    %add3A_1095 = arith.addi %add3A_1069, %add3A_1094 : i32
    %add3A_1096 = vector.broadcast %add3A_1095 : i32 to vector<16xi32>
    %add3A_1097 = arith.addi %add3A_1096, %iota3A : vector<16xi32>
    %swap3A_1098 = arith.constant 48 : index
    %swap3A_1099 = tpu.vector_load %arg12[%swap3A_1098] {strides = array<i32>} : memref<128xi32, #tpu.memory_space<vmem>>, vector<16xi32>,
    %swap3A_1100 = vector.shape_cast %swap3A_1099 : vector<16xi32> to vector<16xi32>
    %swap3A_1101 = vector.shape_cast %add3A_1097 : vector<16xi32> to vector<16xi32>
    tpu.vector_store %arg12[%swap3A_1098], %swap3A_1101 {strides = array<i32>} : memref<128xi32, #tpu.memory_space<vmem>>, vector<16xi32>,
    %add3A_1102 = arith.constant 64 : i32
    %add3A_1103 = arith.addi %add3A_1069, %add3A_1102 : i32
    %add3A_1104 = vector.broadcast %add3A_1103 : i32 to vector<16xi32>
    %add3A_1105 = arith.addi %add3A_1104, %iota3A : vector<16xi32>
    %swap3A_1106 = arith.constant 64 : index
    %swap3A_1107 = tpu.vector_load %arg12[%swap3A_1106] {strides = array<i32>} : memref<128xi32, #tpu.memory_space<vmem>>, vector<16xi32>,
    %swap3A_1108 = vector.shape_cast %swap3A_1107 : vector<16xi32> to vector<16xi32>
    %swap3A_1109 = vector.shape_cast %add3A_1105 : vector<16xi32> to vector<16xi32>
    tpu.vector_store %arg12[%swap3A_1106], %swap3A_1109 {strides = array<i32>} : memref<128xi32, #tpu.memory_space<vmem>>, vector<16xi32>,
    %add3A_1110 = arith.constant 80 : i32
    %add3A_1111 = arith.addi %add3A_1069, %add3A_1110 : i32
    %add3A_1112 = vector.broadcast %add3A_1111 : i32 to vector<16xi32>
    %add3A_1113 = arith.addi %add3A_1112, %iota3A : vector<16xi32>
    %swap3A_1114 = arith.constant 80 : index
    %swap3A_1115 = tpu.vector_load %arg12[%swap3A_1114] {strides = array<i32>} : memref<128xi32, #tpu.memory_space<vmem>>, vector<16xi32>,
    %swap3A_1116 = vector.shape_cast %swap3A_1115 : vector<16xi32> to vector<16xi32>
    %swap3A_1117 = vector.shape_cast %add3A_1113 : vector<16xi32> to vector<16xi32>
    tpu.vector_store %arg12[%swap3A_1114], %swap3A_1117 {strides = array<i32>} : memref<128xi32, #tpu.memory_space<vmem>>, vector<16xi32>,
    %add3A_1118 = arith.constant 96 : i32
    %add3A_1119 = arith.addi %add3A_1069, %add3A_1118 : i32
    %add3A_1120 = vector.broadcast %add3A_1119 : i32 to vector<16xi32>
    %add3A_1121 = arith.addi %add3A_1120, %iota3A : vector<16xi32>
    %swap3A_1122 = arith.constant 96 : index
    %swap3A_1123 = tpu.vector_load %arg12[%swap3A_1122] {strides = array<i32>} : memref<128xi32, #tpu.memory_space<vmem>>, vector<16xi32>,
    %swap3A_1124 = vector.shape_cast %swap3A_1123 : vector<16xi32> to vector<16xi32>
    %swap3A_1125 = vector.shape_cast %add3A_1121 : vector<16xi32> to vector<16xi32>
    tpu.vector_store %arg12[%swap3A_1122], %swap3A_1125 {strides = array<i32>} : memref<128xi32, #tpu.memory_space<vmem>>, vector<16xi32>,
    %add3A_1126 = arith.constant 112 : i32
    %add3A_1127 = arith.addi %add3A_1069, %add3A_1126 : i32
    %add3A_1128 = vector.broadcast %add3A_1127 : i32 to vector<16xi32>
    %add3A_1129 = arith.addi %add3A_1128, %iota3A : vector<16xi32>
    %swap3A_1130 = arith.constant 112 : index
    %swap3A_1131 = tpu.vector_load %arg12[%swap3A_1130] {strides = array<i32>} : memref<128xi32, #tpu.memory_space<vmem>>, vector<16xi32>,
    %swap3A_1132 = vector.shape_cast %swap3A_1131 : vector<16xi32> to vector<16xi32>
    %swap3A_1133 = vector.shape_cast %add3A_1129 : vector<16xi32> to vector<16xi32>
    tpu.vector_store %arg12[%swap3A_1130], %swap3A_1133 {strides = array<i32>} : memref<128xi32, #tpu.memory_space<vmem>>, vector<16xi32>,
    "tpu.region"() ({
      %run_scoped3A = tpu.sem_alloc : memref<!tpu.dma_semaphore, #tpu.memory_space<semaphore_mem>>
      %dma_start3A_1406 = arith.constant 0 : i32
      %dma_start3A_1407 = arith.constant 0 : i32
      %dma_start3A_1408 = tpu.memref_slice %arg16[%dma_start3A_1406, %dma_start3A_1407] : memref<10112x128xf32, #tpu.memory_space<vmem_shared>> -> memref<10112x128xf32, #tpu.memory_space<vmem_shared>>
      tpu.enqueue_indirect_dma source(%dma_start3A_1408 : memref<10112x128xf32, #tpu.memory_space<vmem_shared>>) target(%arg13 : memref<128x128xf32, #tpu.memory_space<vmem>>) offsets(%arg12 : memref<128xi32, #tpu.memory_space<vmem>>) semaphore(%run_scoped3A : memref<!tpu.dma_semaphore, #tpu.memory_space<semaphore_mem>>)
      %dma_wait3A = arith.constant 0 : i32
      %dma_wait3A_1409 = arith.constant 0 : i32
      %dma_wait3A_1410 = tpu.memref_slice %arg16[%dma_wait3A, %dma_wait3A_1409] : memref<10112x128xf32, #tpu.memory_space<vmem_shared>> -> memref<10112x128xf32, #tpu.memory_space<vmem_shared>>
      tpu.wait_indirect_dma semaphore(%run_scoped3A : memref<!tpu.dma_semaphore, #tpu.memory_space<semaphore_mem>>) src(%dma_wait3A_1410 : memref<10112x128xf32, #tpu.memory_space<vmem_shared>>) dst(%arg13 : memref<128x128xf32, #tpu.memory_space<vmem>>)
      tpu.yield
    }) : () -> ()
    "tpu.region"() ({
      %run_scoped3A = tpu.sem_alloc : memref<!tpu.dma_semaphore, #tpu.memory_space<semaphore_mem>>
      %dma_start3A_1406 = arith.constant 0 : i32
      %dma_start3A_1407 = tpu.memref_slice %arg7[%arg0, %add3A_1069, %dma_start3A_1406] : memref<2x10112x128xf32, #tpu.memory_space<hbm>> -> memref<1x128x128xf32, #tpu.memory_space<hbm>>
      %dma_start3A_1408 = tpu.memref_squeeze %dma_start3A_1407 : memref<1x128x128xf32, #tpu.memory_space<hbm>> -> memref<128x128xf32, #tpu.memory_space<hbm>>
      %dma_start3A_1409 = arith.constant 0 : i32
      %dma_start3A_1410 = tpu.memref_slice %arg7[%arg0, %add3A_1069, %dma_start3A_1409] : memref<2x10112x128xf32, #tpu.memory_space<hbm>> -> memref<1x128x128xf32, #tpu.memory_space<hbm>>
      %dma_start3A_1411 = tpu.memref_squeeze %dma_start3A_1410 : memref<1x128x128xf32, #tpu.memory_space<hbm>> -> memref<128x128xf32, #tpu.memory_space<hbm>>
      tpu.enqueue_dma source(%arg13 : memref<128x128xf32, #tpu.memory_space<vmem>>) target(%dma_start3A_1411 : memref<128x128xf32, #tpu.memory_space<hbm>>) target_semaphore(%run_scoped3A : memref<!tpu.dma_semaphore, #tpu.memory_space<semaphore_mem>>)
      %dma_wait3A = arith.constant 0 : i32
      %dma_wait3A_1412 = tpu.memref_slice %arg7[%arg0, %add3A_1069, %dma_wait3A] : memref<2x10112x128xf32, #tpu.memory_space<hbm>> -> memref<1x128x128xf32, #tpu.memory_space<hbm>>
      %dma_wait3A_1413 = tpu.memref_squeeze %dma_wait3A_1412 : memref<1x128x128xf32, #tpu.memory_space<hbm>> -> memref<128x128xf32, #tpu.memory_space<hbm>>
      %dma_wait3A_1414 = arith.constant 0 : i32
      %dma_wait3A_1415 = tpu.memref_slice %arg7[%arg0, %add3A_1069, %dma_wait3A_1414] : memref<2x10112x128xf32, #tpu.memory_space<hbm>> -> memref<1x128x128xf32, #tpu.memory_space<hbm>>
      %dma_wait3A_1416 = tpu.memref_squeeze %dma_wait3A_1415 : memref<1x128x128xf32, #tpu.memory_space<hbm>> -> memref<128x128xf32, #tpu.memory_space<hbm>>
      tpu.wait_dma2 semaphore(%run_scoped3A : memref<!tpu.dma_semaphore, #tpu.memory_space<semaphore_mem>>) src(%arg13 : memref<128x128xf32, #tpu.memory_space<vmem>>) dst(%dma_wait3A_1416 : memref<128x128xf32, #tpu.memory_space<hbm>>)
      tpu.yield
    }) : () -> ()
    %add3A_1134 = arith.constant 128 : i32
    %add3A_1135 = arith.addi %mul3A_0, %add3A_1134 : i32
    %add3A_1136 = arith.constant 0 : i32
    %add3A_1137 = arith.addi %add3A_1135, %add3A_1136 : i32
    %add3A_1138 = vector.broadcast %add3A_1137 : i32 to vector<16xi32>
    %add3A_1139 = arith.addi %add3A_1138, %iota3A : vector<16xi32>
    %swap3A_1140 = arith.constant 0 : index
    %swap3A_1141 = tpu.vector_load %arg12[%swap3A_1140] {strides = array<i32>} : memref<128xi32, #tpu.memory_space<vmem>>, vector<16xi32>,
    %swap3A_1142 = vector.shape_cast %swap3A_1141 : vector<16xi32> to vector<16xi32>
    %swap3A_1143 = vector.shape_cast %add3A_1139 : vector<16xi32> to vector<16xi32>
    tpu.vector_store %arg12[%swap3A_1140], %swap3A_1143 {strides = array<i32>} : memref<128xi32, #tpu.memory_space<vmem>>, vector<16xi32>,
    %add3A_1144 = arith.constant 16 : i32
    %add3A_1145 = arith.addi %add3A_1135, %add3A_1144 : i32
    %add3A_1146 = vector.broadcast %add3A_1145 : i32 to vector<16xi32>
    %add3A_1147 = arith.addi %add3A_1146, %iota3A : vector<16xi32>
    %swap3A_1148 = arith.constant 16 : index
    %swap3A_1149 = tpu.vector_load %arg12[%swap3A_1148] {strides = array<i32>} : memref<128xi32, #tpu.memory_space<vmem>>, vector<16xi32>,
    %swap3A_1150 = vector.shape_cast %swap3A_1149 : vector<16xi32> to vector<16xi32>
    %swap3A_1151 = vector.shape_cast %add3A_1147 : vector<16xi32> to vector<16xi32>
    tpu.vector_store %arg12[%swap3A_1148], %swap3A_1151 {strides = array<i32>} : memref<128xi32, #tpu.memory_space<vmem>>, vector<16xi32>,
    %add3A_1152 = arith.constant 32 : i32
    %add3A_1153 = arith.addi %add3A_1135, %add3A_1152 : i32
    %add3A_1154 = vector.broadcast %add3A_1153 : i32 to vector<16xi32>
    %add3A_1155 = arith.addi %add3A_1154, %iota3A : vector<16xi32>
    %swap3A_1156 = arith.constant 32 : index
    %swap3A_1157 = tpu.vector_load %arg12[%swap3A_1156] {strides = array<i32>} : memref<128xi32, #tpu.memory_space<vmem>>, vector<16xi32>,
    %swap3A_1158 = vector.shape_cast %swap3A_1157 : vector<16xi32> to vector<16xi32>
    %swap3A_1159 = vector.shape_cast %add3A_1155 : vector<16xi32> to vector<16xi32>
    tpu.vector_store %arg12[%swap3A_1156], %swap3A_1159 {strides = array<i32>} : memref<128xi32, #tpu.memory_space<vmem>>, vector<16xi32>,
    %add3A_1160 = arith.constant 48 : i32
    %add3A_1161 = arith.addi %add3A_1135, %add3A_1160 : i32
    %add3A_1162 = vector.broadcast %add3A_1161 : i32 to vector<16xi32>
    %add3A_1163 = arith.addi %add3A_1162, %iota3A : vector<16xi32>
    %swap3A_1164 = arith.constant 48 : index
    %swap3A_1165 = tpu.vector_load %arg12[%swap3A_1164] {strides = array<i32>} : memref<128xi32, #tpu.memory_space<vmem>>, vector<16xi32>,
    %swap3A_1166 = vector.shape_cast %swap3A_1165 : vector<16xi32> to vector<16xi32>
    %swap3A_1167 = vector.shape_cast %add3A_1163 : vector<16xi32> to vector<16xi32>
    tpu.vector_store %arg12[%swap3A_1164], %swap3A_1167 {strides = array<i32>} : memref<128xi32, #tpu.memory_space<vmem>>, vector<16xi32>,
    %add3A_1168 = arith.constant 64 : i32
    %add3A_1169 = arith.addi %add3A_1135, %add3A_1168 : i32
    %add3A_1170 = vector.broadcast %add3A_1169 : i32 to vector<16xi32>
    %add3A_1171 = arith.addi %add3A_1170, %iota3A : vector<16xi32>
    %swap3A_1172 = arith.constant 64 : index
    %swap3A_1173 = tpu.vector_load %arg12[%swap3A_1172] {strides = array<i32>} : memref<128xi32, #tpu.memory_space<vmem>>, vector<16xi32>,
    %swap3A_1174 = vector.shape_cast %swap3A_1173 : vector<16xi32> to vector<16xi32>
    %swap3A_1175 = vector.shape_cast %add3A_1171 : vector<16xi32> to vector<16xi32>
    tpu.vector_store %arg12[%swap3A_1172], %swap3A_1175 {strides = array<i32>} : memref<128xi32, #tpu.memory_space<vmem>>, vector<16xi32>,
    %add3A_1176 = arith.constant 80 : i32
    %add3A_1177 = arith.addi %add3A_1135, %add3A_1176 : i32
    %add3A_1178 = vector.broadcast %add3A_1177 : i32 to vector<16xi32>
    %add3A_1179 = arith.addi %add3A_1178, %iota3A : vector<16xi32>
    %swap3A_1180 = arith.constant 80 : index
    %swap3A_1181 = tpu.vector_load %arg12[%swap3A_1180] {strides = array<i32>} : memref<128xi32, #tpu.memory_space<vmem>>, vector<16xi32>,
    %swap3A_1182 = vector.shape_cast %swap3A_1181 : vector<16xi32> to vector<16xi32>
    %swap3A_1183 = vector.shape_cast %add3A_1179 : vector<16xi32> to vector<16xi32>
    tpu.vector_store %arg12[%swap3A_1180], %swap3A_1183 {strides = array<i32>} : memref<128xi32, #tpu.memory_space<vmem>>, vector<16xi32>,
    %add3A_1184 = arith.constant 96 : i32
    %add3A_1185 = arith.addi %add3A_1135, %add3A_1184 : i32
    %add3A_1186 = vector.broadcast %add3A_1185 : i32 to vector<16xi32>
    %add3A_1187 = arith.addi %add3A_1186, %iota3A : vector<16xi32>
    %swap3A_1188 = arith.constant 96 : index
    %swap3A_1189 = tpu.vector_load %arg12[%swap3A_1188] {strides = array<i32>} : memref<128xi32, #tpu.memory_space<vmem>>, vector<16xi32>,
    %swap3A_1190 = vector.shape_cast %swap3A_1189 : vector<16xi32> to vector<16xi32>
    %swap3A_1191 = vector.shape_cast %add3A_1187 : vector<16xi32> to vector<16xi32>
    tpu.vector_store %arg12[%swap3A_1188], %swap3A_1191 {strides = array<i32>} : memref<128xi32, #tpu.memory_space<vmem>>, vector<16xi32>,
    %add3A_1192 = arith.constant 112 : i32
    %add3A_1193 = arith.addi %add3A_1135, %add3A_1192 : i32
    %add3A_1194 = vector.broadcast %add3A_1193 : i32 to vector<16xi32>
    %add3A_1195 = arith.addi %add3A_1194, %iota3A : vector<16xi32>
    %swap3A_1196 = arith.constant 112 : index
    %swap3A_1197 = tpu.vector_load %arg12[%swap3A_1196] {strides = array<i32>} : memref<128xi32, #tpu.memory_space<vmem>>, vector<16xi32>,
    %swap3A_1198 = vector.shape_cast %swap3A_1197 : vector<16xi32> to vector<16xi32>
    %swap3A_1199 = vector.shape_cast %add3A_1195 : vector<16xi32> to vector<16xi32>
    tpu.vector_store %arg12[%swap3A_1196], %swap3A_1199 {strides = array<i32>} : memref<128xi32, #tpu.memory_space<vmem>>, vector<16xi32>,
    "tpu.region"() ({
      %run_scoped3A = tpu.sem_alloc : memref<!tpu.dma_semaphore, #tpu.memory_space<semaphore_mem>>
      %dma_start3A_1406 = arith.constant 0 : i32
      %dma_start3A_1407 = arith.constant 0 : i32
      %dma_start3A_1408 = tpu.memref_slice %arg16[%dma_start3A_1406, %dma_start3A_1407] : memref<10112x128xf32, #tpu.memory_space<vmem_shared>> -> memref<10112x128xf32, #tpu.memory_space<vmem_shared>>
      tpu.enqueue_indirect_dma source(%dma_start3A_1408 : memref<10112x128xf32, #tpu.memory_space<vmem_shared>>) target(%arg13 : memref<128x128xf32, #tpu.memory_space<vmem>>) offsets(%arg12 : memref<128xi32, #tpu.memory_space<vmem>>) semaphore(%run_scoped3A : memref<!tpu.dma_semaphore, #tpu.memory_space<semaphore_mem>>)
      %dma_wait3A = arith.constant 0 : i32
      %dma_wait3A_1409 = arith.constant 0 : i32
      %dma_wait3A_1410 = tpu.memref_slice %arg16[%dma_wait3A, %dma_wait3A_1409] : memref<10112x128xf32, #tpu.memory_space<vmem_shared>> -> memref<10112x128xf32, #tpu.memory_space<vmem_shared>>
      tpu.wait_indirect_dma semaphore(%run_scoped3A : memref<!tpu.dma_semaphore, #tpu.memory_space<semaphore_mem>>) src(%dma_wait3A_1410 : memref<10112x128xf32, #tpu.memory_space<vmem_shared>>) dst(%arg13 : memref<128x128xf32, #tpu.memory_space<vmem>>)
      tpu.yield
    }) : () -> ()
    "tpu.region"() ({
      %run_scoped3A = tpu.sem_alloc : memref<!tpu.dma_semaphore, #tpu.memory_space<semaphore_mem>>
      %dma_start3A_1406 = arith.constant 0 : i32
      %dma_start3A_1407 = tpu.memref_slice %arg7[%arg0, %add3A_1135, %dma_start3A_1406] : memref<2x10112x128xf32, #tpu.memory_space<hbm>> -> memref<1x128x128xf32, #tpu.memory_space<hbm>>
      %dma_start3A_1408 = tpu.memref_squeeze %dma_start3A_1407 : memref<1x128x128xf32, #tpu.memory_space<hbm>> -> memref<128x128xf32, #tpu.memory_space<hbm>>
      %dma_start3A_1409 = arith.constant 0 : i32
      %dma_start3A_1410 = tpu.memref_slice %arg7[%arg0, %add3A_1135, %dma_start3A_1409] : memref<2x10112x128xf32, #tpu.memory_space<hbm>> -> memref<1x128x128xf32, #tpu.memory_space<hbm>>
      %dma_start3A_1411 = tpu.memref_squeeze %dma_start3A_1410 : memref<1x128x128xf32, #tpu.memory_space<hbm>> -> memref<128x128xf32, #tpu.memory_space<hbm>>
      tpu.enqueue_dma source(%arg13 : memref<128x128xf32, #tpu.memory_space<vmem>>) target(%dma_start3A_1411 : memref<128x128xf32, #tpu.memory_space<hbm>>) target_semaphore(%run_scoped3A : memref<!tpu.dma_semaphore, #tpu.memory_space<semaphore_mem>>)
      %dma_wait3A = arith.constant 0 : i32
      %dma_wait3A_1412 = tpu.memref_slice %arg7[%arg0, %add3A_1135, %dma_wait3A] : memref<2x10112x128xf32, #tpu.memory_space<hbm>> -> memref<1x128x128xf32, #tpu.memory_space<hbm>>
      %dma_wait3A_1413 = tpu.memref_squeeze %dma_wait3A_1412 : memref<1x128x128xf32, #tpu.memory_space<hbm>> -> memref<128x128xf32, #tpu.memory_space<hbm>>
      %dma_wait3A_1414 = arith.constant 0 : i32
      %dma_wait3A_1415 = tpu.memref_slice %arg7[%arg0, %add3A_1135, %dma_wait3A_1414] : memref<2x10112x128xf32, #tpu.memory_space<hbm>> -> memref<1x128x128xf32, #tpu.memory_space<hbm>>
      %dma_wait3A_1416 = tpu.memref_squeeze %dma_wait3A_1415 : memref<1x128x128xf32, #tpu.memory_space<hbm>> -> memref<128x128xf32, #tpu.memory_space<hbm>>
      tpu.wait_dma2 semaphore(%run_scoped3A : memref<!tpu.dma_semaphore, #tpu.memory_space<semaphore_mem>>) src(%arg13 : memref<128x128xf32, #tpu.memory_space<vmem>>) dst(%dma_wait3A_1416 : memref<128x128xf32, #tpu.memory_space<hbm>>)
      tpu.yield
    }) : () -> ()
    %add3A_1200 = arith.constant 256 : i32
    %add3A_1201 = arith.addi %mul3A_0, %add3A_1200 : i32
    %add3A_1202 = arith.constant 0 : i32
    %add3A_1203 = arith.addi %add3A_1201, %add3A_1202 : i32
    %add3A_1204 = vector.broadcast %add3A_1203 : i32 to vector<16xi32>
    %add3A_1205 = arith.addi %add3A_1204, %iota3A : vector<16xi32>
    %swap3A_1206 = arith.constant 0 : index
    %swap3A_1207 = tpu.vector_load %arg12[%swap3A_1206] {strides = array<i32>} : memref<128xi32, #tpu.memory_space<vmem>>, vector<16xi32>,
    %swap3A_1208 = vector.shape_cast %swap3A_1207 : vector<16xi32> to vector<16xi32>
    %swap3A_1209 = vector.shape_cast %add3A_1205 : vector<16xi32> to vector<16xi32>
    tpu.vector_store %arg12[%swap3A_1206], %swap3A_1209 {strides = array<i32>} : memref<128xi32, #tpu.memory_space<vmem>>, vector<16xi32>,
    %add3A_1210 = arith.constant 16 : i32
    %add3A_1211 = arith.addi %add3A_1201, %add3A_1210 : i32
    %add3A_1212 = vector.broadcast %add3A_1211 : i32 to vector<16xi32>
    %add3A_1213 = arith.addi %add3A_1212, %iota3A : vector<16xi32>
    %swap3A_1214 = arith.constant 16 : index
    %swap3A_1215 = tpu.vector_load %arg12[%swap3A_1214] {strides = array<i32>} : memref<128xi32, #tpu.memory_space<vmem>>, vector<16xi32>,
    %swap3A_1216 = vector.shape_cast %swap3A_1215 : vector<16xi32> to vector<16xi32>
    %swap3A_1217 = vector.shape_cast %add3A_1213 : vector<16xi32> to vector<16xi32>
    tpu.vector_store %arg12[%swap3A_1214], %swap3A_1217 {strides = array<i32>} : memref<128xi32, #tpu.memory_space<vmem>>, vector<16xi32>,
    %add3A_1218 = arith.constant 32 : i32
    %add3A_1219 = arith.addi %add3A_1201, %add3A_1218 : i32
    %add3A_1220 = vector.broadcast %add3A_1219 : i32 to vector<16xi32>
    %add3A_1221 = arith.addi %add3A_1220, %iota3A : vector<16xi32>
    %swap3A_1222 = arith.constant 32 : index
    %swap3A_1223 = tpu.vector_load %arg12[%swap3A_1222] {strides = array<i32>} : memref<128xi32, #tpu.memory_space<vmem>>, vector<16xi32>,
    %swap3A_1224 = vector.shape_cast %swap3A_1223 : vector<16xi32> to vector<16xi32>
    %swap3A_1225 = vector.shape_cast %add3A_1221 : vector<16xi32> to vector<16xi32>
    tpu.vector_store %arg12[%swap3A_1222], %swap3A_1225 {strides = array<i32>} : memref<128xi32, #tpu.memory_space<vmem>>, vector<16xi32>,
    %add3A_1226 = arith.constant 48 : i32
    %add3A_1227 = arith.addi %add3A_1201, %add3A_1226 : i32
    %add3A_1228 = vector.broadcast %add3A_1227 : i32 to vector<16xi32>
    %add3A_1229 = arith.addi %add3A_1228, %iota3A : vector<16xi32>
    %swap3A_1230 = arith.constant 48 : index
    %swap3A_1231 = tpu.vector_load %arg12[%swap3A_1230] {strides = array<i32>} : memref<128xi32, #tpu.memory_space<vmem>>, vector<16xi32>,
    %swap3A_1232 = vector.shape_cast %swap3A_1231 : vector<16xi32> to vector<16xi32>
    %swap3A_1233 = vector.shape_cast %add3A_1229 : vector<16xi32> to vector<16xi32>
    tpu.vector_store %arg12[%swap3A_1230], %swap3A_1233 {strides = array<i32>} : memref<128xi32, #tpu.memory_space<vmem>>, vector<16xi32>,
    %add3A_1234 = arith.constant 64 : i32
    %add3A_1235 = arith.addi %add3A_1201, %add3A_1234 : i32
    %add3A_1236 = vector.broadcast %add3A_1235 : i32 to vector<16xi32>
    %add3A_1237 = arith.addi %add3A_1236, %iota3A : vector<16xi32>
    %swap3A_1238 = arith.constant 64 : index
    %swap3A_1239 = tpu.vector_load %arg12[%swap3A_1238] {strides = array<i32>} : memref<128xi32, #tpu.memory_space<vmem>>, vector<16xi32>,
    %swap3A_1240 = vector.shape_cast %swap3A_1239 : vector<16xi32> to vector<16xi32>
    %swap3A_1241 = vector.shape_cast %add3A_1237 : vector<16xi32> to vector<16xi32>
    tpu.vector_store %arg12[%swap3A_1238], %swap3A_1241 {strides = array<i32>} : memref<128xi32, #tpu.memory_space<vmem>>, vector<16xi32>,
    %add3A_1242 = arith.constant 80 : i32
    %add3A_1243 = arith.addi %add3A_1201, %add3A_1242 : i32
    %add3A_1244 = vector.broadcast %add3A_1243 : i32 to vector<16xi32>
    %add3A_1245 = arith.addi %add3A_1244, %iota3A : vector<16xi32>
    %swap3A_1246 = arith.constant 80 : index
    %swap3A_1247 = tpu.vector_load %arg12[%swap3A_1246] {strides = array<i32>} : memref<128xi32, #tpu.memory_space<vmem>>, vector<16xi32>,
    %swap3A_1248 = vector.shape_cast %swap3A_1247 : vector<16xi32> to vector<16xi32>
    %swap3A_1249 = vector.shape_cast %add3A_1245 : vector<16xi32> to vector<16xi32>
    tpu.vector_store %arg12[%swap3A_1246], %swap3A_1249 {strides = array<i32>} : memref<128xi32, #tpu.memory_space<vmem>>, vector<16xi32>,
    %add3A_1250 = arith.constant 96 : i32
    %add3A_1251 = arith.addi %add3A_1201, %add3A_1250 : i32
    %add3A_1252 = vector.broadcast %add3A_1251 : i32 to vector<16xi32>
    %add3A_1253 = arith.addi %add3A_1252, %iota3A : vector<16xi32>
    %swap3A_1254 = arith.constant 96 : index
    %swap3A_1255 = tpu.vector_load %arg12[%swap3A_1254] {strides = array<i32>} : memref<128xi32, #tpu.memory_space<vmem>>, vector<16xi32>,
    %swap3A_1256 = vector.shape_cast %swap3A_1255 : vector<16xi32> to vector<16xi32>
    %swap3A_1257 = vector.shape_cast %add3A_1253 : vector<16xi32> to vector<16xi32>
    tpu.vector_store %arg12[%swap3A_1254], %swap3A_1257 {strides = array<i32>} : memref<128xi32, #tpu.memory_space<vmem>>, vector<16xi32>,
    %add3A_1258 = arith.constant 112 : i32
    %add3A_1259 = arith.addi %add3A_1201, %add3A_1258 : i32
    %add3A_1260 = vector.broadcast %add3A_1259 : i32 to vector<16xi32>
    %add3A_1261 = arith.addi %add3A_1260, %iota3A : vector<16xi32>
    %swap3A_1262 = arith.constant 112 : index
    %swap3A_1263 = tpu.vector_load %arg12[%swap3A_1262] {strides = array<i32>} : memref<128xi32, #tpu.memory_space<vmem>>, vector<16xi32>,
    %swap3A_1264 = vector.shape_cast %swap3A_1263 : vector<16xi32> to vector<16xi32>
    %swap3A_1265 = vector.shape_cast %add3A_1261 : vector<16xi32> to vector<16xi32>
    tpu.vector_store %arg12[%swap3A_1262], %swap3A_1265 {strides = array<i32>} : memref<128xi32, #tpu.memory_space<vmem>>, vector<16xi32>,
    "tpu.region"() ({
      %run_scoped3A = tpu.sem_alloc : memref<!tpu.dma_semaphore, #tpu.memory_space<semaphore_mem>>
      %dma_start3A_1406 = arith.constant 0 : i32
      %dma_start3A_1407 = arith.constant 0 : i32
      %dma_start3A_1408 = tpu.memref_slice %arg16[%dma_start3A_1406, %dma_start3A_1407] : memref<10112x128xf32, #tpu.memory_space<vmem_shared>> -> memref<10112x128xf32, #tpu.memory_space<vmem_shared>>
      tpu.enqueue_indirect_dma source(%dma_start3A_1408 : memref<10112x128xf32, #tpu.memory_space<vmem_shared>>) target(%arg13 : memref<128x128xf32, #tpu.memory_space<vmem>>) offsets(%arg12 : memref<128xi32, #tpu.memory_space<vmem>>) semaphore(%run_scoped3A : memref<!tpu.dma_semaphore, #tpu.memory_space<semaphore_mem>>)
      %dma_wait3A = arith.constant 0 : i32
      %dma_wait3A_1409 = arith.constant 0 : i32
      %dma_wait3A_1410 = tpu.memref_slice %arg16[%dma_wait3A, %dma_wait3A_1409] : memref<10112x128xf32, #tpu.memory_space<vmem_shared>> -> memref<10112x128xf32, #tpu.memory_space<vmem_shared>>
      tpu.wait_indirect_dma semaphore(%run_scoped3A : memref<!tpu.dma_semaphore, #tpu.memory_space<semaphore_mem>>) src(%dma_wait3A_1410 : memref<10112x128xf32, #tpu.memory_space<vmem_shared>>) dst(%arg13 : memref<128x128xf32, #tpu.memory_space<vmem>>)
      tpu.yield
    }) : () -> ()
    "tpu.region"() ({
      %run_scoped3A = tpu.sem_alloc : memref<!tpu.dma_semaphore, #tpu.memory_space<semaphore_mem>>
      %dma_start3A_1406 = arith.constant 0 : i32
      %dma_start3A_1407 = tpu.memref_slice %arg7[%arg0, %add3A_1201, %dma_start3A_1406] : memref<2x10112x128xf32, #tpu.memory_space<hbm>> -> memref<1x128x128xf32, #tpu.memory_space<hbm>>
      %dma_start3A_1408 = tpu.memref_squeeze %dma_start3A_1407 : memref<1x128x128xf32, #tpu.memory_space<hbm>> -> memref<128x128xf32, #tpu.memory_space<hbm>>
      %dma_start3A_1409 = arith.constant 0 : i32
      %dma_start3A_1410 = tpu.memref_slice %arg7[%arg0, %add3A_1201, %dma_start3A_1409] : memref<2x10112x128xf32, #tpu.memory_space<hbm>> -> memref<1x128x128xf32, #tpu.memory_space<hbm>>
      %dma_start3A_1411 = tpu.memref_squeeze %dma_start3A_1410 : memref<1x128x128xf32, #tpu.memory_space<hbm>> -> memref<128x128xf32, #tpu.memory_space<hbm>>
      tpu.enqueue_dma source(%arg13 : memref<128x128xf32, #tpu.memory_space<vmem>>) target(%dma_start3A_1411 : memref<128x128xf32, #tpu.memory_space<hbm>>) target_semaphore(%run_scoped3A : memref<!tpu.dma_semaphore, #tpu.memory_space<semaphore_mem>>)
      %dma_wait3A = arith.constant 0 : i32
      %dma_wait3A_1412 = tpu.memref_slice %arg7[%arg0, %add3A_1201, %dma_wait3A] : memref<2x10112x128xf32, #tpu.memory_space<hbm>> -> memref<1x128x128xf32, #tpu.memory_space<hbm>>
      %dma_wait3A_1413 = tpu.memref_squeeze %dma_wait3A_1412 : memref<1x128x128xf32, #tpu.memory_space<hbm>> -> memref<128x128xf32, #tpu.memory_space<hbm>>
      %dma_wait3A_1414 = arith.constant 0 : i32
      %dma_wait3A_1415 = tpu.memref_slice %arg7[%arg0, %add3A_1201, %dma_wait3A_1414] : memref<2x10112x128xf32, #tpu.memory_space<hbm>> -> memref<1x128x128xf32, #tpu.memory_space<hbm>>
      %dma_wait3A_1416 = tpu.memref_squeeze %dma_wait3A_1415 : memref<1x128x128xf32, #tpu.memory_space<hbm>> -> memref<128x128xf32, #tpu.memory_space<hbm>>
      tpu.wait_dma2 semaphore(%run_scoped3A : memref<!tpu.dma_semaphore, #tpu.memory_space<semaphore_mem>>) src(%arg13 : memref<128x128xf32, #tpu.memory_space<vmem>>) dst(%dma_wait3A_1416 : memref<128x128xf32, #tpu.memory_space<hbm>>)
      tpu.yield
    }) : () -> ()
    %add3A_1266 = arith.constant 384 : i32
    %add3A_1267 = arith.addi %mul3A_0, %add3A_1266 : i32
    %add3A_1268 = arith.constant 0 : i32
    %add3A_1269 = arith.addi %add3A_1267, %add3A_1268 : i32
    %add3A_1270 = vector.broadcast %add3A_1269 : i32 to vector<16xi32>
    %add3A_1271 = arith.addi %add3A_1270, %iota3A : vector<16xi32>
    %swap3A_1272 = arith.constant 0 : index
    %swap3A_1273 = tpu.vector_load %arg12[%swap3A_1272] {strides = array<i32>} : memref<128xi32, #tpu.memory_space<vmem>>, vector<16xi32>,
    %swap3A_1274 = vector.shape_cast %swap3A_1273 : vector<16xi32> to vector<16xi32>
    %swap3A_1275 = vector.shape_cast %add3A_1271 : vector<16xi32> to vector<16xi32>
    tpu.vector_store %arg12[%swap3A_1272], %swap3A_1275 {strides = array<i32>} : memref<128xi32, #tpu.memory_space<vmem>>, vector<16xi32>,
    %add3A_1276 = arith.constant 16 : i32
    %add3A_1277 = arith.addi %add3A_1267, %add3A_1276 : i32
    %add3A_1278 = vector.broadcast %add3A_1277 : i32 to vector<16xi32>
    %add3A_1279 = arith.addi %add3A_1278, %iota3A : vector<16xi32>
    %swap3A_1280 = arith.constant 16 : index
    %swap3A_1281 = tpu.vector_load %arg12[%swap3A_1280] {strides = array<i32>} : memref<128xi32, #tpu.memory_space<vmem>>, vector<16xi32>,
    %swap3A_1282 = vector.shape_cast %swap3A_1281 : vector<16xi32> to vector<16xi32>
    %swap3A_1283 = vector.shape_cast %add3A_1279 : vector<16xi32> to vector<16xi32>
    tpu.vector_store %arg12[%swap3A_1280], %swap3A_1283 {strides = array<i32>} : memref<128xi32, #tpu.memory_space<vmem>>, vector<16xi32>,
    %add3A_1284 = arith.constant 32 : i32
    %add3A_1285 = arith.addi %add3A_1267, %add3A_1284 : i32
    %add3A_1286 = vector.broadcast %add3A_1285 : i32 to vector<16xi32>
    %add3A_1287 = arith.addi %add3A_1286, %iota3A : vector<16xi32>
    %swap3A_1288 = arith.constant 32 : index
    %swap3A_1289 = tpu.vector_load %arg12[%swap3A_1288] {strides = array<i32>} : memref<128xi32, #tpu.memory_space<vmem>>, vector<16xi32>,
    %swap3A_1290 = vector.shape_cast %swap3A_1289 : vector<16xi32> to vector<16xi32>
    %swap3A_1291 = vector.shape_cast %add3A_1287 : vector<16xi32> to vector<16xi32>
    tpu.vector_store %arg12[%swap3A_1288], %swap3A_1291 {strides = array<i32>} : memref<128xi32, #tpu.memory_space<vmem>>, vector<16xi32>,
    %add3A_1292 = arith.constant 48 : i32
    %add3A_1293 = arith.addi %add3A_1267, %add3A_1292 : i32
    %add3A_1294 = vector.broadcast %add3A_1293 : i32 to vector<16xi32>
    %add3A_1295 = arith.addi %add3A_1294, %iota3A : vector<16xi32>
    %swap3A_1296 = arith.constant 48 : index
    %swap3A_1297 = tpu.vector_load %arg12[%swap3A_1296] {strides = array<i32>} : memref<128xi32, #tpu.memory_space<vmem>>, vector<16xi32>,
    %swap3A_1298 = vector.shape_cast %swap3A_1297 : vector<16xi32> to vector<16xi32>
    %swap3A_1299 = vector.shape_cast %add3A_1295 : vector<16xi32> to vector<16xi32>
    tpu.vector_store %arg12[%swap3A_1296], %swap3A_1299 {strides = array<i32>} : memref<128xi32, #tpu.memory_space<vmem>>, vector<16xi32>,
    %add3A_1300 = arith.constant 64 : i32
    %add3A_1301 = arith.addi %add3A_1267, %add3A_1300 : i32
    %add3A_1302 = vector.broadcast %add3A_1301 : i32 to vector<16xi32>
    %add3A_1303 = arith.addi %add3A_1302, %iota3A : vector<16xi32>
    %swap3A_1304 = arith.constant 64 : index
    %swap3A_1305 = tpu.vector_load %arg12[%swap3A_1304] {strides = array<i32>} : memref<128xi32, #tpu.memory_space<vmem>>, vector<16xi32>,
    %swap3A_1306 = vector.shape_cast %swap3A_1305 : vector<16xi32> to vector<16xi32>
    %swap3A_1307 = vector.shape_cast %add3A_1303 : vector<16xi32> to vector<16xi32>
    tpu.vector_store %arg12[%swap3A_1304], %swap3A_1307 {strides = array<i32>} : memref<128xi32, #tpu.memory_space<vmem>>, vector<16xi32>,
    %add3A_1308 = arith.constant 80 : i32
    %add3A_1309 = arith.addi %add3A_1267, %add3A_1308 : i32
    %add3A_1310 = vector.broadcast %add3A_1309 : i32 to vector<16xi32>
    %add3A_1311 = arith.addi %add3A_1310, %iota3A : vector<16xi32>
    %swap3A_1312 = arith.constant 80 : index
    %swap3A_1313 = tpu.vector_load %arg12[%swap3A_1312] {strides = array<i32>} : memref<128xi32, #tpu.memory_space<vmem>>, vector<16xi32>,
    %swap3A_1314 = vector.shape_cast %swap3A_1313 : vector<16xi32> to vector<16xi32>
    %swap3A_1315 = vector.shape_cast %add3A_1311 : vector<16xi32> to vector<16xi32>
    tpu.vector_store %arg12[%swap3A_1312], %swap3A_1315 {strides = array<i32>} : memref<128xi32, #tpu.memory_space<vmem>>, vector<16xi32>,
    %add3A_1316 = arith.constant 96 : i32
    %add3A_1317 = arith.addi %add3A_1267, %add3A_1316 : i32
    %add3A_1318 = vector.broadcast %add3A_1317 : i32 to vector<16xi32>
    %add3A_1319 = arith.addi %add3A_1318, %iota3A : vector<16xi32>
    %swap3A_1320 = arith.constant 96 : index
    %swap3A_1321 = tpu.vector_load %arg12[%swap3A_1320] {strides = array<i32>} : memref<128xi32, #tpu.memory_space<vmem>>, vector<16xi32>,
    %swap3A_1322 = vector.shape_cast %swap3A_1321 : vector<16xi32> to vector<16xi32>
    %swap3A_1323 = vector.shape_cast %add3A_1319 : vector<16xi32> to vector<16xi32>
    tpu.vector_store %arg12[%swap3A_1320], %swap3A_1323 {strides = array<i32>} : memref<128xi32, #tpu.memory_space<vmem>>, vector<16xi32>,
    %add3A_1324 = arith.constant 112 : i32
    %add3A_1325 = arith.addi %add3A_1267, %add3A_1324 : i32
    %add3A_1326 = vector.broadcast %add3A_1325 : i32 to vector<16xi32>
    %add3A_1327 = arith.addi %add3A_1326, %iota3A : vector<16xi32>
    %swap3A_1328 = arith.constant 112 : index
    %swap3A_1329 = tpu.vector_load %arg12[%swap3A_1328] {strides = array<i32>} : memref<128xi32, #tpu.memory_space<vmem>>, vector<16xi32>,
    %swap3A_1330 = vector.shape_cast %swap3A_1329 : vector<16xi32> to vector<16xi32>
    %swap3A_1331 = vector.shape_cast %add3A_1327 : vector<16xi32> to vector<16xi32>
    tpu.vector_store %arg12[%swap3A_1328], %swap3A_1331 {strides = array<i32>} : memref<128xi32, #tpu.memory_space<vmem>>, vector<16xi32>,
    "tpu.region"() ({
      %run_scoped3A = tpu.sem_alloc : memref<!tpu.dma_semaphore, #tpu.memory_space<semaphore_mem>>
      %dma_start3A_1406 = arith.constant 0 : i32
      %dma_start3A_1407 = arith.constant 0 : i32
      %dma_start3A_1408 = tpu.memref_slice %arg16[%dma_start3A_1406, %dma_start3A_1407] : memref<10112x128xf32, #tpu.memory_space<vmem_shared>> -> memref<10112x128xf32, #tpu.memory_space<vmem_shared>>
      tpu.enqueue_indirect_dma source(%dma_start3A_1408 : memref<10112x128xf32, #tpu.memory_space<vmem_shared>>) target(%arg13 : memref<128x128xf32, #tpu.memory_space<vmem>>) offsets(%arg12 : memref<128xi32, #tpu.memory_space<vmem>>) semaphore(%run_scoped3A : memref<!tpu.dma_semaphore, #tpu.memory_space<semaphore_mem>>)
      %dma_wait3A = arith.constant 0 : i32
      %dma_wait3A_1409 = arith.constant 0 : i32
      %dma_wait3A_1410 = tpu.memref_slice %arg16[%dma_wait3A, %dma_wait3A_1409] : memref<10112x128xf32, #tpu.memory_space<vmem_shared>> -> memref<10112x128xf32, #tpu.memory_space<vmem_shared>>
      tpu.wait_indirect_dma semaphore(%run_scoped3A : memref<!tpu.dma_semaphore, #tpu.memory_space<semaphore_mem>>) src(%dma_wait3A_1410 : memref<10112x128xf32, #tpu.memory_space<vmem_shared>>) dst(%arg13 : memref<128x128xf32, #tpu.memory_space<vmem>>)
      tpu.yield
    }) : () -> ()
    "tpu.region"() ({
      %run_scoped3A = tpu.sem_alloc : memref<!tpu.dma_semaphore, #tpu.memory_space<semaphore_mem>>
      %dma_start3A_1406 = arith.constant 0 : i32
      %dma_start3A_1407 = tpu.memref_slice %arg7[%arg0, %add3A_1267, %dma_start3A_1406] : memref<2x10112x128xf32, #tpu.memory_space<hbm>> -> memref<1x128x128xf32, #tpu.memory_space<hbm>>
      %dma_start3A_1408 = tpu.memref_squeeze %dma_start3A_1407 : memref<1x128x128xf32, #tpu.memory_space<hbm>> -> memref<128x128xf32, #tpu.memory_space<hbm>>
      %dma_start3A_1409 = arith.constant 0 : i32
      %dma_start3A_1410 = tpu.memref_slice %arg7[%arg0, %add3A_1267, %dma_start3A_1409] : memref<2x10112x128xf32, #tpu.memory_space<hbm>> -> memref<1x128x128xf32, #tpu.memory_space<hbm>>
      %dma_start3A_1411 = tpu.memref_squeeze %dma_start3A_1410 : memref<1x128x128xf32, #tpu.memory_space<hbm>> -> memref<128x128xf32, #tpu.memory_space<hbm>>
      tpu.enqueue_dma source(%arg13 : memref<128x128xf32, #tpu.memory_space<vmem>>) target(%dma_start3A_1411 : memref<128x128xf32, #tpu.memory_space<hbm>>) target_semaphore(%run_scoped3A : memref<!tpu.dma_semaphore, #tpu.memory_space<semaphore_mem>>)
      %dma_wait3A = arith.constant 0 : i32
      %dma_wait3A_1412 = tpu.memref_slice %arg7[%arg0, %add3A_1267, %dma_wait3A] : memref<2x10112x128xf32, #tpu.memory_space<hbm>> -> memref<1x128x128xf32, #tpu.memory_space<hbm>>
      %dma_wait3A_1413 = tpu.memref_squeeze %dma_wait3A_1412 : memref<1x128x128xf32, #tpu.memory_space<hbm>> -> memref<128x128xf32, #tpu.memory_space<hbm>>
      %dma_wait3A_1414 = arith.constant 0 : i32
      %dma_wait3A_1415 = tpu.memref_slice %arg7[%arg0, %add3A_1267, %dma_wait3A_1414] : memref<2x10112x128xf32, #tpu.memory_space<hbm>> -> memref<1x128x128xf32, #tpu.memory_space<hbm>>
      %dma_wait3A_1416 = tpu.memref_squeeze %dma_wait3A_1415 : memref<1x128x128xf32, #tpu.memory_space<hbm>> -> memref<128x128xf32, #tpu.memory_space<hbm>>
      tpu.wait_dma2 semaphore(%run_scoped3A : memref<!tpu.dma_semaphore, #tpu.memory_space<semaphore_mem>>) src(%arg13 : memref<128x128xf32, #tpu.memory_space<vmem>>) dst(%dma_wait3A_1416 : memref<128x128xf32, #tpu.memory_space<hbm>>)
      tpu.yield
    }) : () -> ()
    %add3A_1332 = arith.constant 512 : i32
    %add3A_1333 = arith.addi %mul3A_0, %add3A_1332 : i32
    %add3A_1334 = arith.constant 0 : i32
    %add3A_1335 = arith.addi %add3A_1333, %add3A_1334 : i32
    %add3A_1336 = vector.broadcast %add3A_1335 : i32 to vector<16xi32>
    %add3A_1337 = arith.addi %add3A_1336, %iota3A : vector<16xi32>
    %swap3A_1338 = arith.constant 0 : index
    %swap3A_1339 = tpu.vector_load %arg12[%swap3A_1338] {strides = array<i32>} : memref<128xi32, #tpu.memory_space<vmem>>, vector<16xi32>,
    %swap3A_1340 = vector.shape_cast %swap3A_1339 : vector<16xi32> to vector<16xi32>
    %swap3A_1341 = vector.shape_cast %add3A_1337 : vector<16xi32> to vector<16xi32>
    tpu.vector_store %arg12[%swap3A_1338], %swap3A_1341 {strides = array<i32>} : memref<128xi32, #tpu.memory_space<vmem>>, vector<16xi32>,
    %add3A_1342 = arith.constant 16 : i32
    %add3A_1343 = arith.addi %add3A_1333, %add3A_1342 : i32
    %add3A_1344 = vector.broadcast %add3A_1343 : i32 to vector<16xi32>
    %add3A_1345 = arith.addi %add3A_1344, %iota3A : vector<16xi32>
    %swap3A_1346 = arith.constant 16 : index
    %swap3A_1347 = tpu.vector_load %arg12[%swap3A_1346] {strides = array<i32>} : memref<128xi32, #tpu.memory_space<vmem>>, vector<16xi32>,
    %swap3A_1348 = vector.shape_cast %swap3A_1347 : vector<16xi32> to vector<16xi32>
    %swap3A_1349 = vector.shape_cast %add3A_1345 : vector<16xi32> to vector<16xi32>
    tpu.vector_store %arg12[%swap3A_1346], %swap3A_1349 {strides = array<i32>} : memref<128xi32, #tpu.memory_space<vmem>>, vector<16xi32>,
    %add3A_1350 = arith.constant 32 : i32
    %add3A_1351 = arith.addi %add3A_1333, %add3A_1350 : i32
    %add3A_1352 = vector.broadcast %add3A_1351 : i32 to vector<16xi32>
    %add3A_1353 = arith.addi %add3A_1352, %iota3A : vector<16xi32>
    %swap3A_1354 = arith.constant 32 : index
    %swap3A_1355 = tpu.vector_load %arg12[%swap3A_1354] {strides = array<i32>} : memref<128xi32, #tpu.memory_space<vmem>>, vector<16xi32>,
    %swap3A_1356 = vector.shape_cast %swap3A_1355 : vector<16xi32> to vector<16xi32>
    %swap3A_1357 = vector.shape_cast %add3A_1353 : vector<16xi32> to vector<16xi32>
    tpu.vector_store %arg12[%swap3A_1354], %swap3A_1357 {strides = array<i32>} : memref<128xi32, #tpu.memory_space<vmem>>, vector<16xi32>,
    %add3A_1358 = arith.constant 48 : i32
    %add3A_1359 = arith.addi %add3A_1333, %add3A_1358 : i32
    %add3A_1360 = vector.broadcast %add3A_1359 : i32 to vector<16xi32>
    %add3A_1361 = arith.addi %add3A_1360, %iota3A : vector<16xi32>
    %swap3A_1362 = arith.constant 48 : index
    %swap3A_1363 = tpu.vector_load %arg12[%swap3A_1362] {strides = array<i32>} : memref<128xi32, #tpu.memory_space<vmem>>, vector<16xi32>,
    %swap3A_1364 = vector.shape_cast %swap3A_1363 : vector<16xi32> to vector<16xi32>
    %swap3A_1365 = vector.shape_cast %add3A_1361 : vector<16xi32> to vector<16xi32>
    tpu.vector_store %arg12[%swap3A_1362], %swap3A_1365 {strides = array<i32>} : memref<128xi32, #tpu.memory_space<vmem>>, vector<16xi32>,
    %add3A_1366 = arith.constant 64 : i32
    %add3A_1367 = arith.addi %add3A_1333, %add3A_1366 : i32
    %add3A_1368 = vector.broadcast %add3A_1367 : i32 to vector<16xi32>
    %add3A_1369 = arith.addi %add3A_1368, %iota3A : vector<16xi32>
    %swap3A_1370 = arith.constant 64 : index
    %swap3A_1371 = tpu.vector_load %arg12[%swap3A_1370] {strides = array<i32>} : memref<128xi32, #tpu.memory_space<vmem>>, vector<16xi32>,
    %swap3A_1372 = vector.shape_cast %swap3A_1371 : vector<16xi32> to vector<16xi32>
    %swap3A_1373 = vector.shape_cast %add3A_1369 : vector<16xi32> to vector<16xi32>
    tpu.vector_store %arg12[%swap3A_1370], %swap3A_1373 {strides = array<i32>} : memref<128xi32, #tpu.memory_space<vmem>>, vector<16xi32>,
    %add3A_1374 = arith.constant 80 : i32
    %add3A_1375 = arith.addi %add3A_1333, %add3A_1374 : i32
    %add3A_1376 = vector.broadcast %add3A_1375 : i32 to vector<16xi32>
    %add3A_1377 = arith.addi %add3A_1376, %iota3A : vector<16xi32>
    %swap3A_1378 = arith.constant 80 : index
    %swap3A_1379 = tpu.vector_load %arg12[%swap3A_1378] {strides = array<i32>} : memref<128xi32, #tpu.memory_space<vmem>>, vector<16xi32>,
    %swap3A_1380 = vector.shape_cast %swap3A_1379 : vector<16xi32> to vector<16xi32>
    %swap3A_1381 = vector.shape_cast %add3A_1377 : vector<16xi32> to vector<16xi32>
    tpu.vector_store %arg12[%swap3A_1378], %swap3A_1381 {strides = array<i32>} : memref<128xi32, #tpu.memory_space<vmem>>, vector<16xi32>,
    %add3A_1382 = arith.constant 96 : i32
    %add3A_1383 = arith.addi %add3A_1333, %add3A_1382 : i32
    %add3A_1384 = vector.broadcast %add3A_1383 : i32 to vector<16xi32>
    %add3A_1385 = arith.addi %add3A_1384, %iota3A : vector<16xi32>
    %swap3A_1386 = arith.constant 96 : index
    %swap3A_1387 = tpu.vector_load %arg12[%swap3A_1386] {strides = array<i32>} : memref<128xi32, #tpu.memory_space<vmem>>, vector<16xi32>,
    %swap3A_1388 = vector.shape_cast %swap3A_1387 : vector<16xi32> to vector<16xi32>
    %swap3A_1389 = vector.shape_cast %add3A_1385 : vector<16xi32> to vector<16xi32>
    tpu.vector_store %arg12[%swap3A_1386], %swap3A_1389 {strides = array<i32>} : memref<128xi32, #tpu.memory_space<vmem>>, vector<16xi32>,
    %add3A_1390 = arith.constant 112 : i32
    %add3A_1391 = arith.addi %add3A_1333, %add3A_1390 : i32
    %add3A_1392 = vector.broadcast %add3A_1391 : i32 to vector<16xi32>
    %add3A_1393 = arith.addi %add3A_1392, %iota3A : vector<16xi32>
    %add3A_1394 = arith.constant 112 : i32
    %add3A_1395 = vector.broadcast %add3A_1394 : i32 to vector<16xi32>
    %add3A_1396 = arith.addi %add3A_1395, %iota3A : vector<16xi32>
    %ge3A_1397 = arith.constant 120 : i32
    %ge3A_1398 = vector.broadcast %ge3A_1397 : i32 to vector<16xi32>
    %ge3A_1399 = arith.cmpi sge, %add3A_1396, %ge3A_1398 : vector<16xi32>
    %broadcast_in_dim3A_1400 = vector.broadcast %add3A_1333 : i32 to vector<16xi32>
    %select_n3A_1401 = arith.select %ge3A_1399, %broadcast_in_dim3A_1400, %add3A_1393 : vector<16xi1>, vector<16xi32>
    %swap3A_1402 = arith.constant 112 : index
    %swap3A_1403 = tpu.vector_load %arg12[%swap3A_1402] {strides = array<i32>} : memref<128xi32, #tpu.memory_space<vmem>>, vector<16xi32>,
    %swap3A_1404 = vector.shape_cast %swap3A_1403 : vector<16xi32> to vector<16xi32>
    %swap3A_1405 = vector.shape_cast %select_n3A_1401 : vector<16xi32> to vector<16xi32>
    tpu.vector_store %arg12[%swap3A_1402], %swap3A_1405 {strides = array<i32>} : memref<128xi32, #tpu.memory_space<vmem>>, vector<16xi32>,
    "tpu.region"() ({
      %run_scoped3A = tpu.sem_alloc : memref<!tpu.dma_semaphore, #tpu.memory_space<semaphore_mem>>
      %dma_start3A_1406 = arith.constant 0 : i32
      %dma_start3A_1407 = arith.constant 0 : i32
      %dma_start3A_1408 = tpu.memref_slice %arg16[%dma_start3A_1406, %dma_start3A_1407] : memref<10112x128xf32, #tpu.memory_space<vmem_shared>> -> memref<10112x128xf32, #tpu.memory_space<vmem_shared>>
      tpu.enqueue_indirect_dma source(%dma_start3A_1408 : memref<10112x128xf32, #tpu.memory_space<vmem_shared>>) target(%arg13 : memref<128x128xf32, #tpu.memory_space<vmem>>) offsets(%arg12 : memref<128xi32, #tpu.memory_space<vmem>>) semaphore(%run_scoped3A : memref<!tpu.dma_semaphore, #tpu.memory_space<semaphore_mem>>)
      %dma_wait3A = arith.constant 0 : i32
      %dma_wait3A_1409 = arith.constant 0 : i32
      %dma_wait3A_1410 = tpu.memref_slice %arg16[%dma_wait3A, %dma_wait3A_1409] : memref<10112x128xf32, #tpu.memory_space<vmem_shared>> -> memref<10112x128xf32, #tpu.memory_space<vmem_shared>>
      tpu.wait_indirect_dma semaphore(%run_scoped3A : memref<!tpu.dma_semaphore, #tpu.memory_space<semaphore_mem>>) src(%dma_wait3A_1410 : memref<10112x128xf32, #tpu.memory_space<vmem_shared>>) dst(%arg13 : memref<128x128xf32, #tpu.memory_space<vmem>>)
      tpu.yield
    }) : () -> ()
    "tpu.region"() ({
      %run_scoped3A = tpu.sem_alloc : memref<!tpu.dma_semaphore, #tpu.memory_space<semaphore_mem>>
      %dma_start3A_1406 = arith.constant 0 : i32
      %dma_start3A_1407 = arith.constant 0 : i32
      %dma_start3A_1408 = tpu.memref_slice %arg13[%dma_start3A_1406, %dma_start3A_1407] : memref<128x128xf32, #tpu.memory_space<vmem>> -> memref<120x128xf32, #tpu.memory_space<vmem>>
      %dma_start3A_1409 = arith.constant 0 : i32
      %dma_start3A_1410 = tpu.memref_slice %arg7[%arg0, %add3A_1333, %dma_start3A_1409] : memref<2x10112x128xf32, #tpu.memory_space<hbm>> -> memref<1x120x128xf32, #tpu.memory_space<hbm>>
      %dma_start3A_1411 = tpu.memref_squeeze %dma_start3A_1410 : memref<1x120x128xf32, #tpu.memory_space<hbm>> -> memref<120x128xf32, #tpu.memory_space<hbm>>
      %dma_start3A_1412 = arith.constant 0 : i32
      %dma_start3A_1413 = tpu.memref_slice %arg7[%arg0, %add3A_1333, %dma_start3A_1412] : memref<2x10112x128xf32, #tpu.memory_space<hbm>> -> memref<1x120x128xf32, #tpu.memory_space<hbm>>
      %dma_start3A_1414 = tpu.memref_squeeze %dma_start3A_1413 : memref<1x120x128xf32, #tpu.memory_space<hbm>> -> memref<120x128xf32, #tpu.memory_space<hbm>>
      %dma_start3A_1415 = arith.constant 0 : i32
      %dma_start3A_1416 = arith.constant 0 : i32
      %dma_start3A_1417 = tpu.memref_slice %arg13[%dma_start3A_1415, %dma_start3A_1416] : memref<128x128xf32, #tpu.memory_space<vmem>> -> memref<120x128xf32, #tpu.memory_space<vmem>>
      tpu.enqueue_dma source(%dma_start3A_1417 : memref<120x128xf32, #tpu.memory_space<vmem>>) target(%dma_start3A_1414 : memref<120x128xf32, #tpu.memory_space<hbm>>) target_semaphore(%run_scoped3A : memref<!tpu.dma_semaphore, #tpu.memory_space<semaphore_mem>>)
      %dma_wait3A = arith.constant 0 : i32
      %dma_wait3A_1418 = arith.constant 0 : i32
      %dma_wait3A_1419 = tpu.memref_slice %arg13[%dma_wait3A, %dma_wait3A_1418] : memref<128x128xf32, #tpu.memory_space<vmem>> -> memref<120x128xf32, #tpu.memory_space<vmem>>
      %dma_wait3A_1420 = arith.constant 0 : i32
      %dma_wait3A_1421 = tpu.memref_slice %arg7[%arg0, %add3A_1333, %dma_wait3A_1420] : memref<2x10112x128xf32, #tpu.memory_space<hbm>> -> memref<1x120x128xf32, #tpu.memory_space<hbm>>
      %dma_wait3A_1422 = tpu.memref_squeeze %dma_wait3A_1421 : memref<1x120x128xf32, #tpu.memory_space<hbm>> -> memref<120x128xf32, #tpu.memory_space<hbm>>
      %dma_wait3A_1423 = arith.constant 0 : i32
      %dma_wait3A_1424 = tpu.memref_slice %arg7[%arg0, %add3A_1333, %dma_wait3A_1423] : memref<2x10112x128xf32, #tpu.memory_space<hbm>> -> memref<1x120x128xf32, #tpu.memory_space<hbm>>
      %dma_wait3A_1425 = tpu.memref_squeeze %dma_wait3A_1424 : memref<1x120x128xf32, #tpu.memory_space<hbm>> -> memref<120x128xf32, #tpu.memory_space<hbm>>
      %dma_wait3A_1426 = arith.constant 0 : i32
      %dma_wait3A_1427 = arith.constant 0 : i32
      %dma_wait3A_1428 = tpu.memref_slice %arg13[%dma_wait3A_1426, %dma_wait3A_1427] : memref<128x128xf32, #tpu.memory_space<vmem>> -> memref<120x128xf32, #tpu.memory_space<vmem>>
      tpu.wait_dma2 semaphore(%run_scoped3A : memref<!tpu.dma_semaphore, #tpu.memory_space<semaphore_mem>>) src(%dma_wait3A_1428 : memref<120x128xf32, #tpu.memory_space<vmem>>) dst(%dma_wait3A_1425 : memref<120x128xf32, #tpu.memory_space<hbm>>)
      tpu.yield
    }) : () -> ()
    return
  }
}

module attributes {stable_mosaic.version = 14 : i64} {
  func.func @_combine_body(%arg0: i32, %arg1: memref<2x1000x128xf32, #tpu.memory_space<vmem>>, %arg2: memref<2x1000x128xf32, #tpu.memory_space<vmem>>, %arg3: memref<128x128xf32, #tpu.memory_space<vmem>>, %arg4: memref<1000x128xf32, #tpu.memory_space<vmem>>) attributes {dimension_semantics = [#tpu.dimension_semantics<arbitrary>], iteration_bounds = array<i64: 10>, scalar_prefetch = 0 : i64, scratch_operands = 0 : i64, tpu.core_type = #tpu.core_type<tc>, window_params = [{transform_indices = @transform_0, window_bounds = array<i64: 2, 1000, 128>}, {transform_indices = @transform_1, window_bounds = array<i64: 2, 1000, 128>}, {pipeline_mode = #tpu.pipeline_mode<synchronous>, transform_indices = @transform_2, window_bounds = array<i64: 128, 128>}, {transform_indices = @transform_3, window_bounds = array<i64: 1000, 128>}]} {
    %get3A = arith.constant 0 : index
    %get3A_0 = arith.constant 0 : index
    %get3A_1 = arith.constant 0 : index
    %get3A_2 = vector.load %arg1[%get3A, %get3A_0, %get3A_1] : memref<2x1000x128xf32, #tpu.memory_space<vmem>>, vector<1x1000x128xf32>
    %get3A_3 = vector.shape_cast %get3A_2 : vector<1x1000x128xf32> to vector<1000x128xf32>
    %get3A_4 = arith.constant 1 : index
    %get3A_5 = arith.constant 0 : index
    %get3A_6 = arith.constant 0 : index
    %get3A_7 = vector.load %arg1[%get3A_4, %get3A_5, %get3A_6] : memref<2x1000x128xf32, #tpu.memory_space<vmem>>, vector<1x1000x128xf32>
    %get3A_8 = vector.shape_cast %get3A_7 : vector<1x1000x128xf32> to vector<1000x128xf32>
    %add3A = arith.addf %get3A_3, %get3A_8 : vector<1000x128xf32>
    %get3A_9 = arith.constant 0 : index
    %get3A_10 = arith.constant 0 : index
    %get3A_11 = arith.constant 0 : index
    %get3A_12 = vector.load %arg2[%get3A_9, %get3A_10, %get3A_11] : memref<2x1000x128xf32, #tpu.memory_space<vmem>>, vector<1x1000x128xf32>
    %get3A_13 = vector.shape_cast %get3A_12 : vector<1x1000x128xf32> to vector<1000x128xf32>
    %get3A_14 = arith.constant 1 : index
    %get3A_15 = arith.constant 0 : index
    %get3A_16 = arith.constant 0 : index
    %get3A_17 = vector.load %arg2[%get3A_14, %get3A_15, %get3A_16] : memref<2x1000x128xf32, #tpu.memory_space<vmem>>, vector<1x1000x128xf32>
    %get3A_18 = vector.shape_cast %get3A_17 : vector<1x1000x128xf32> to vector<1000x128xf32>
    %add3A_19 = arith.addf %get3A_13, %get3A_18 : vector<1000x128xf32>
    %get3A_20 = arith.constant 0 : index
    %get3A_21 = arith.constant 0 : index
    %get3A_22 = vector.load %arg3[%get3A_20, %get3A_21] : memref<128x128xf32, #tpu.memory_space<vmem>>, vector<128x128xf32>
    %dot_general3A = arith.constant dense<0.000000e+00> : vector<1000x128xf32>
    %dot_general3A_23 = tpu.matmul %add3A_19, %get3A_22, %dot_general3A {dimension_numbers = #tpu.dot_dimension_numbers<[1], [0], [0], [1], [0, 0, 1, 1], [], []>, transpose_lhs_hint = false} : vector<1000x128xf32>, vector<128x128xf32>, vector<1000x128xf32> -> vector<1000x128xf32>
    %add3A_24 = arith.addf %add3A, %dot_general3A_23 : vector<1000x128xf32>
    %swap3A = arith.constant 0 : index
    %swap3A_25 = arith.constant 0 : index
    %swap3A_26 = vector.load %arg4[%swap3A, %swap3A_25] : memref<1000x128xf32, #tpu.memory_space<vmem>>, vector<1000x128xf32>
    tpu.vector_store %arg4[%swap3A, %swap3A_25], %add3A_24 {strides = array<i32>} : memref<1000x128xf32, #tpu.memory_space<vmem>>, vector<1000x128xf32>,
    return
  }
  func.func @transform_0(%arg0: i32) -> (i32, i32, i32) {
    %c0_i32 = arith.constant 0 : i32
    %c0_i32_0 = arith.constant 0 : i32
    %c0_i32_1 = arith.constant 0 : i32
    return %c0_i32, %arg0, %c0_i32_0 : i32, i32, i32
  }
  func.func @transform_1(%arg0: i32) -> (i32, i32, i32) {
    %c0_i32 = arith.constant 0 : i32
    %c0_i32_0 = arith.constant 0 : i32
    %c0_i32_1 = arith.constant 0 : i32
    return %c0_i32, %arg0, %c0_i32_0 : i32, i32, i32
  }
  func.func @transform_2(%arg0: i32) -> (i32, i32) {
    %c0_i32 = arith.constant 0 : i32
    %c0_i32_0 = arith.constant 0 : i32
    %c0_i32_1 = arith.constant 0 : i32
    return %c0_i32, %c0_i32_0 : i32, i32
  }
  func.func @transform_3(%arg0: i32) -> (i32, i32) {
    %c0_i32 = arith.constant 0 : i32
    %c0_i32_0 = arith.constant 0 : i32
    return %arg0, %c0_i32 : i32, i32
  }
}

</mosaic_0001>

<sc_bundles>
// kernel: kernel.4.cloned.1.call-start
scs
__scs_entry_jumppad:
0x0: {  	(pc) =	sbr.rel $0x88, $3  }
0x1: {  	(tag) =	ssettag $0x0;
	lr =	simm.s32 $0x1  }
0x2: {  	[smem:$0x3F9C] =	sst lr;
	_ =	strace $0xD0000000  }
0x3: {  	_ = 	snop  }
0x4: {  	_ = 	snop  }
0x5: {  	_ = 	snop  }
0x6: {  	_ = 	snop  }
0x7: {  	_ = 	snop  }
__scs_overlays_trampoline_lowered:
0x8: {  	[smem:$0x3FAB] =	sst s0  }
0x9: {  	[smem:$0x3FAC] =	sst s1  }
0xa: {  	[smem:$0x3FAD] =	sst s2  }
0xb: {  	[smem:$0x3FAE] =	sst s3  }
0xc: {  	[smem:$0x3FAF] =	sst s4  }
0xd: {  	[smem:$0x3FB0] =	sst s5  }
0xe: {  	[smem:$0x3FB1] =	sst s6  }
0xf: {  	[smem:$0x3FB2] =	sst s7  }
0x10: {  	[smem:$0x3FB3] =	sst s8  }
0x11: {  	[smem:$0x3FB4] =	sst s9;
	s0 =	simm.s32 @!p0 $0x0  }
0x12: {  	s1 =	sld [smem:$0x3F9A];
	s0 =	simm.s32 @p0 $0x1  }
0x13: {  	[smem:$0x3FB5] =	sst s0;
	s0 =	simm.s32 @!p1 $0x0  }
0x14: {  	s2 =	sld [smem:$0x3F99];
	s0 =	simm.s32 @p1 $0x1  }
0x15: {  	[smem:$0x3FB6] =	sst s0;
	s0 =	simm.s32 @!p2 $0x0  }
0x16: {  	s3 =	sld [smem:$0x3FDB];
	s0 =	simm.s32 @p2 $0x1  }
0x17: {  	s4 =	simm.s32 $0x1BF5;
	[smem:$0x3FB8] =	sst s0  }
0x18: {  	s0 =	sld [smem:$0x3F9B];
	_ =	swait.ge [sflag:s4], $0x0  }
0x19: {  	s7 =	sld [smem:$0x3F9C]  }
0x1a: {  	s8 =	sadd.s32 $0xFFFFE003, lr  }
0x1b: {  	s9 =	sadd.s32 $0xFFFFFEF7, lr;
	s5 =	simm.s32 $0xFFFFFFFF;
	p2 =	slt.u32 s8, $0xFFFFF086  }
0x1c: {  	p1 =	slt.u32 s9, $0xF7A;
	s5 =	simm.s32 @!p2 $0x0  }
0x1d: {  	s5 =	simm.s32 @p1 $0x1;
	p0 =	seq.s32 s7, s2  }
0x1e: {  	s7 =	smul.u32 @!p0 $0xF7A, s2;
	p2 =	seq.s32 @!p0 s5, $0x0  }
0x1f: {  	s9 =	smul.u32 $0xF7A, s1;
	s8 =	simm.s32 @!p0 $0x1BF5;
	p2 =	por !p2, p0  }
0x20: {  	[sflag:s8] =	ssyncset.s32 @!p0 $0xFFFFF086;
	s6 =	sadd.s32 @!p0 s3, s7;
	s7 =	simm.s32 @!p0 $0x108  }
0x21: {  	s3 =	sadd.s32 s3, s9;
	s6 =	sadd.s32 @!p0 $0x88, s6;
	s7 =	simm.s32 @p2 $0x1082  }
0x22: {  	[simem:s7], [sflag:s8] =	dma.local @!p0 [hbm:s6], $0xF7A  }
0x23: {  	s9 =	sor.u32 $0xD0000000, s2;
	s6 =	simm.s32 $0x108;
	_ =	swait.ge @!p0 [sflag:s8], $0x0  }
0x24: {  	s3 =	sadd.s32 $0x88, s3;
	s6 =	simm.s32 @!p1 $0x1082;
	[sflag:s4] =	ssyncset.s32 $0xFFFFF086  }
0x25: {  	[simem:s6], [sflag:s4] =	dma.local [hbm:s3], $0xF7A  }
0x26: {  	[smem:$0x3F9C] =	sst s1;
	(tag) =	ssettag s2;
	_ =	strace s9  }
0x27: {  	s1 =	sld [smem:$0x3FAC]  }
0x28: {  	s2 =	sld [smem:$0x3FAD]  }
0x29: {  	s4 =	sld [smem:$0x3FAF]  }
0x2a: {  	p0 =	seq.s32 s5, $0x0;
	s5 =	sld [smem:$0x3FB0]  }
0x2b: {  	s6 =	sld [smem:$0x3FB1]  }
0x2c: {  	s7 =	sld [smem:$0x3FB2]  }
0x2d: {  	s3 =	simm.s32 $0x108;
	s8 =	sld [smem:$0x3FB3]  }
0x2e: {  	s3 =	simm.s32 @!p0 $0x1082;
	s9 =	sld [smem:$0x3FB4]  }
0x2f: {  	lr =	sadd.s32 s0, s3;
	s0 =	sld [smem:$0x3FAB]  }
0x30: {  	s3 =	sld [smem:$0x3FAE]  }
0x31: {  	[smem:$0x3FB7] =	sst s10  }
0x32: {  	s10 =	sld [smem:$0x3FB5];
	_ =	sdelay $0x3  }
0x33: {  	p0 =	seq.s32 s10, $0x1;
	s10 =	sld [smem:$0x3FB7];
	_ =	sdelay $0x3  }
0x34: {  	[smem:$0x3FB7] =	sst s10  }
0x35: {  	s10 =	sld [smem:$0x3FB6];
	_ =	sdelay $0x3  }
0x36: {  	p1 =	seq.s32 s10, $0x1;
	s10 =	sld [smem:$0x3FB7];
	_ =	sdelay $0x3  }
0x37: {  	[smem:$0x3FB7] =	sst s10  }
0x38: {  	s10 =	sld [smem:$0x3FB8]  }
0x39: {  	_ = 	snop;
	(pc) =	sbr.ind lr, $3  }
0x3a: {  	_ = 	snop  }
0x3b: {  	_ = 	snop  }
0x3c: {  	p2 =	seq.s32 s10, $0x1;
	s10 =	sld [smem:$0x3FB7]  }
0x3d: {  	_ =	shalt  }
0x3e: {  	_ =	shalt  }
0x3f: {  	_ =	shalt  }
0x40: {  	_ =	shalt  }
0x41: {  	_ =	shalt  }
0x42: {  	_ =	shalt  }
0x43: {  	_ =	shalt  }
0x44: {  	_ =	shalt  }
0x45: {  	_ =	shalt  }
0x46: {  	_ =	shalt  }
0x47: {  	_ =	shalt  }
0x48: {  	_ =	shalt  }
0x49: {  	_ =	shalt  }
0x4a: {  	_ =	shalt  }
0x4b: {  	_ =	shalt  }
0x4c: {  	_ =	shalt  }
0x4d: {  	_ =	shalt  }
0x4e: {  	_ =	shalt  }
0x4f: {  	_ =	shalt  }
0x50: {  	_ =	shalt  }
0x51: {  	_ =	shalt  }
0x52: {  	_ =	shalt  }
0x53: {  	_ =	shalt  }
0x54: {  	_ =	shalt  }
0x55: {  	_ =	shalt  }
0x56: {  	_ =	shalt  }
0x57: {  	_ =	shalt  }
0x58: {  	_ =	shalt  }
0x59: {  	_ =	shalt  }
0x5a: {  	_ =	shalt  }
0x5b: {  	_ =	shalt  }
0x5c: {  	_ =	shalt  }
0x5d: {  	_ =	shalt  }
0x5e: {  	_ =	shalt  }
0x5f: {  	_ =	shalt  }
0x60: {  	_ =	shalt  }
0x61: {  	_ =	shalt  }
0x62: {  	_ =	shalt  }
0x63: {  	_ =	shalt  }
0x64: {  	_ =	shalt  }
0x65: {  	_ =	shalt  }
0x66: {  	_ =	shalt  }
0x67: {  	_ =	shalt  }
0x68: {  	_ =	shalt  }
0x69: {  	_ =	shalt  }
0x6a: {  	_ =	shalt  }
0x6b: {  	_ =	shalt  }
0x6c: {  	_ =	shalt  }
0x6d: {  	_ =	shalt  }
0x6e: {  	_ =	shalt  }
0x6f: {  	_ =	shalt  }
0x70: {  	_ =	shalt  }
0x71: {  	_ =	shalt  }
0x72: {  	_ =	shalt  }
0x73: {  	_ =	shalt  }
0x74: {  	_ =	shalt  }
0x75: {  	_ =	shalt  }
0x76: {  	_ =	shalt  }
0x77: {  	_ =	shalt  }
0x78: {  	_ =	shalt  }
0x79: {  	_ =	shalt  }
0x7a: {  	_ =	shalt  }
0x7b: {  	_ =	shalt  }
0x7c: {  	_ =	shalt  }
0x7d: {  	_ =	shalt  }
0x7e: {  	_ =	shalt  }
0x7f: {  	_ =	shalt  }
0x80: {  	_ =	shalt  }
0x81: {  	_ =	shalt  }
0x82: {  	_ =	shalt  }
0x83: {  	_ =	shalt  }
0x84: {  	_ =	shalt  }
0x85: {  	_ =	shalt  }
0x86: {  	_ =	shalt  }
0x87: {  	_ =	shalt  }
.Lfunc_end0:
.L_simem_size_0:
called_computation_lowered:
.L_overlay_start_0:
0x88: {  	s2 =	sld [smem:$0x3FD9]  }
0x89: {  	s3 =	sld [smem:$0x3FFE];
	_ =	sdelay $0x1  }
0x8a: {  	s1 =	srdreg.scid  }
0x8b: {  	s0 =	sand.u32 $0x1, s1  }
0x8c: {  	s17 =	sshll.u32 s0, $0xA;
	s2 =	sadd.s32 s3, s2  }
0x8d: {  	s2 =	sadd.s32 s2, s17  }
0x8e: {  	[smem:$0x3FC3] =	sst s2  }
0x8f: {  	_ = 	snop  }
0x90: {  	s2 =	sld [smem:$0x3FD0];
	(tm) =	ssettm $0x1  }
0x91: {  	s18 =	sld [smem:$0x3FFB];
	_ =	sdelay $0x3  }
0x92: {  	_ =	strace s18  }
0x93: {  	s3 =	sld [smem:$0x3FFC];
	_ =	sdelay $0x3  }
0x94: {  	_ =	strace s3  }
0x95: {  	s3 =	sld [smem:$0x3FFD];
	_ =	sdelay $0x3  }
0x96: {  	_ =	strace s3  }
0x97: {  	_ =	strace $0x8FFFFFFF  }
0x98: {  	s19 =	sld [smem:$0x3FDB];
	_ =	sdelay $0x1  }
0x99: {  	s4 =	simm.s32 $_scs_section_size  }
0x9a: {  	s5 =	simm.s32 $_size__tile_overlayer_lowered;
	s6 =	simm.s32 $_tile_overlayer_lowered  }
0x9b: {  	s22 =	simm.s32 $0x1BFF;
	s21 =	sshll.u32 s6, $0x1;
	s3 =	sadd.s32 s4, s19  }
0x9c: {  	s7 =	simm.s32 $0x0;
	s20 =	sshll.u32 s5, $0x1;
	s5 =	sadd.s32 s21, s3  }
0x9d: {  	[timem:s7], [sflag:s22] =	dma.local [hbm:s5], s20  }
0x9e: {  	_ =	swait.ge [sflag:s22], s20  }
0x9f: {  	s4 =	ssub.s32 $0x0, s20;
	[sflag:s22] =	ssyncset.done $0x0  }
0xa0: {  	[sflag:s22] =	ssyncadd.s32 s4;
	_ =	sdelay $0x1  }
0xa1: {  	s23 =	simm.s32 $0x1B8B  }
0xa2: {  	_ =	swait.ge [sflag:s23], $0x1  }
0xa3: {  	[sflag:s23] =	ssyncset.done $0x0  }
0xa4: {  	s25 =	simm.s32 $0x1B8E;
	s24 =	sld [smem:$0x3FFE];
	[sflag:s23] =	ssyncadd.s32 $0xFFFFFFFF  }
0xa5: {  	s26 =	simm.s32 $execute0_lowered;
	[smem:$0x3FD2] =	sst s25  }
0xa6: {  	s5 =	sshll.u32 s26, $0x1;
	_ =	strace $0x80000046;
	[dreg:$0x1] =	wrdreg $0xFFFFFFFF  }
0xa7: {  	s28 =	simm.s32 $_size_execute0_lowered;
	s3 =	sadd.s32 s3, s5;
	[dreg:$0x0] =	wrdreg $0x0  }
0xa8: {  	s5 =	sshll.u32 s28, $0x1;
	[dreg:$0x2] =	wrdreg s3  }
0xa9: {  	[dreg:$0x3] =	wrdreg s5  }
0xaa: {  	[dreg:$0x4] =	wrdreg $0xC0  }
0xab: {  	_ =	task [dreg:s7], $0x5FFFF  }
0xac: {  	[dreg:$0x1] =	wrdreg $0xFFFFFFFF  }
0xad: {  	[dreg:$0x0] =	wrdreg $0x60  }
0xae: {  	[dreg:$0x2] =	wrdreg s24  }
0xaf: {  	[dreg:$0x3] =	wrdreg s2  }
0xb0: {  	[dreg:$0x4] =	wrdreg $0xC2800  }
0xb1: {  	[dreg:$0x5] =	wrdreg $0x9  }
0xb2: {  	_ =	task.clear_ibuf [dreg:s7], $0x6FFFF;
	_ =	strace $0x90000046  }
0xb3: {  	s29 =	simm.s32 $0x9;
	_ =	strace $0x80000048  }
0xb4: {  	_ =	swait.ge [sflag:s29], $0x1  }
0xb5: {  	[sflag:s29] =	ssyncadd.s32 $0xFFFFFFFF  }
0xb6: {  	_ =	strace $0x90000048  }
0xb7: {  	_ =	sfence  }
0xb8: {  	s30 =	sld [smem:$0x0];
	_ =	sdelay $0x2  }
0xb9: {  	s31 =	sshll.u32 s1, $0xD;
	s1 =	sshrl.u32 s1, $0x2  }
0xba: {  	s3 =	sand.u32 $0x4000, s31;
	s1 =	sadd.s32 s1, s30  }
0xbb: {  	s0 =	sor.u32 s3, s0;
	s1 =	sshll.u32 s1, $0x11  }
0xbc: {  	s0 =	sor.u32 s1, s0  }
0xbd: {  	s0 =	sadd.s32 $0x8F2B, s0  }
0xbe: {  	[sflag:s0] =	ssyncadd.remote.s32 $0x1  }
0xbf: {  	_ =	sfence.sel $0xFFFF  }
0xc0: {  	[dreg:$0x0] =	wrdreg $0xFFFFFFFF;
	(pc) =	sbr.abs _section_cstart, $3  }
0xc1: {  	[dreg:$0x1] =	wrdreg $0xFFFFFFFF  }
0xc2: {  	_ =	task.clear_ibuf [dreg:s7], $0x2FFFF;
	_ =	strace $0x9FFFFFFF  }
0xc3: {  	(tm) =	ssettm $0x7FFFFFFF  }
tec
execute0_lowered:
.L_overlay_start_1:
0x0: {  	(tag) =	ssettag $0x1  }
0x1: {  	s0 =	rddreg [dreg:$0x0]  }
0x2: {  	s1 =	rddreg [dreg:$0x1]  }
0x3: {  	s2 =	rddreg [dreg:$0x2]  }
0x4: {  	s3 =	simm.s32 $0x0;
	s5 =	srdreg.scid;
	s12 =	stileid.u32  }
0x5: {  	[smem:$0x7FF] =	sst s3;
	s4 =	sadd.s32 $0xAE00, s0;
	s6 =	sadd.s32 $0x1000, s0  }
0x6: {  	s8 =	sand.u32 $0x1, s5;
	s13 =	sadd.s32 $0x4F6C00, s0;
	s5 =	smul.u32 $0x278, s12  }
0x7: {  	s7 =	sadd.s32 $0x14C00, s0;
	s14 =	sadd.s32 $0x545C00, s0;
	s16 =	smul.u32 $0x13C00, s12  }
0x8: {  	p0 =	slt.u32 s12, $0x2;
	s18 =	sshll.u32 s12, $0x7;
	s15 =	smul.u32 $0x13C000, s8  }
0x9: {  	_ =	strace $0x80000047;
	s9 =	ssub.s32 $0x2, s8;
	s8 =	smul.u32 $0x27100, s8  }
0xa: {  	s25 =	sshrl.u32 s9, $0x1;
	s11 =	sadd.s32 $0x80, s5;
	s10 =	sadd.s32 $0x100, s5  }
0xb: {  	s19 =	sadd.s32 $0x180, s5;
	s26 =	sadd.s32 $0x200, s5;
	s28 =	sadd.s32 $0xF0, s5  }
0xc: {  	s29 =	sadd.s32 $0x120, s5;
	s30 =	sadd.s32 $0x130, s5;
	[dreg:$0x14] =	wrdreg s19  }
0xd: {  	s31 =	sadd.s32 $0x1D0, s5;
	s0 =	ssub.s32 s9, s25;
	[dreg:$0x12] =	wrdreg s26  }
0xe: {  	v38 =	vlaneseq.u32;
	s17 =	sshll.u32 s11, $0x7;
	s16 =	sadd.s32 s16, s15;
	s8 =	sadd.s32 s18, s8  }
0xf: {  	s22 =	sshll.u32 s10, $0x7;
	s19 =	sshll.u32 s19, $0x7;
	v7 =	vadd.s32 s11, v38;
	s11 =	sadd.s32 $0x1B0, s5  }
0x10: {  	v14 =	vadd.s32 s28, v38;
	v15 =	vadd.s32 s10, v38;
	s10 =	sadd.s32 $0x220, s5;
	v17 =	vadd.s32 s29, v38;
	s28 =	simm.s32 $0x80;
	s29 =	simm.s32 $0x200  }
0x11: {  	v18 =	vadd.s32 s30, v38;
	v29 =	vadd.s32 s31, v38;
	s30 =	simm.s32 $0x280;
	s31 =	simm.s32 $0x3;
	[dreg:$0x13] =	wrdreg s0  }
0x12: {  	s17 =	sadd.s32 s15, s17;
	s16 =	sshrl.u32 s16, $0x3;
	s18 =	sadd.s32 s15, s22  }
0x13: {  	s19 =	sadd.s32 s15, s19;
	s0 =	sadd.s32 $0x50, s5;
	s22 =	sadd.s32 $0xA0, s5  }
0x14: {  	v33 =	vadd.s32 s10, v38;
	s10 =	simm.s32 $0x4280;
	s17 =	sshrl.u32 s17, $0x3;
	s20 =	sadd.s32 s13, s16  }
0x15: {  	s18 =	sshrl.u32 s18, $0x3;
	s19 =	sshrl.u32 s19, $0x3;
	v9 =	vadd.s32 s22, v38;
	s22 =	sadd.s32 $0x1C0, s5  }
0x16: {  	v4 =	vadd.s32 s0, v38;
	s0 =	sadd.s32 $0x1F0, s5;
	[dreg:$0x4] =	wrdreg s20;
	s21 =	sadd.s32 s13, s17  }
0x17: {  	s20 =	sshll.u32 s26, $0x7;
	s23 =	sadd.s32 s13, s18;
	[dreg:$0x5] =	wrdreg s21  }
0x18: {  	s24 =	sadd.s32 s13, s19;
	s26 =	sadd.s32 s14, s16;
	[dreg:$0x6] =	wrdreg s23  }
0x19: {  	s9 =	sadd.s32 s14, s17;
	s12 =	sadd.s32 s14, s18;
	[dreg:$0x7] =	wrdreg s24  }
0x1a: {  	s16 =	sadd.s32 $0x10, s5;
	s17 =	sadd.s32 $0x20, s5;
	[dreg:$0x9] =	wrdreg s26  }
0x1b: {  	s18 =	sadd.s32 $0x30, s5;
	v31 =	vadd.s32 s0, v38;
	s0 =	simm.s32 $0x100;
	[dreg:$0xa] =	wrdreg s9  }
0x1c: {  	s15 =	sadd.s32 s15, s20;
	[dreg:$0xb] =	wrdreg s12;
	s20 =	sadd.s32 $0x40, s5  }
0x1d: {  	s9 =	sadd.s32 $0x60, s5;
	s12 =	sadd.s32 $0x70, s5;
	s21 =	sadd.s32 $0x90, s5  }
0x1e: {  	s23 =	sadd.s32 $0xB0, s5;
	s24 =	sadd.s32 $0xC0, s5;
	s26 =	sadd.s32 $0xE0, s5  }
0x1f: {  	v0 =	vadd.s32 s16, v38;
	v1 =	vadd.s32 s17, v38;
	v2 =	vadd.s32 s18, v38;
	s16 =	sadd.s32 $0x160, s5;
	s17 =	sadd.s32 $0x170, s5;
	s18 =	sadd.s32 $0x190, s5  }
0x20: {  	s15 =	sshrl.u32 s15, $0x3;
	v3 =	vadd.s32 s20, v38;
	s20 =	sadd.s32 $0x1A0, s5;
	v11 =	vadd.s32 s24, v38;
	s24 =	sadd.s32 $0x1E0, s5  }
0x21: {  	v5 =	vadd.s32 s9, v38;
	v6 =	vadd.s32 s12, v38;
	v10 =	vadd.s32 s23, v38;
	s9 =	sadd.s32 $0x210, s5;
	s12 =	sadd.s32 $0x230, s5;
	s23 =	sadd.s32 $0x240, s5  }
0x22: {  	v8 =	vadd.s32 s21, v38;
	v13 =	vadd.s32 s26, v38;
	s21 =	sshrl.u32 s8, $0x3;
	s26 =	sadd.s32 $0x800, s8;
	v22 =	vadd.s32 s16, v38;
	s16 =	rddreg [dreg:$0x14]  }
0x23: {  	v23 =	vadd.s32 s17, v38;
	s17 =	sshll.u32 s8, $0x4;
	s25 =	sadd.s32 s13, s15;
	s13 =	sadd.s32 s14, s19  }
0x24: {  	s15 =	sadd.s32 s14, s15;
	s19 =	simm.s32 $0x4F;
	v26 =	vadd.s32 s20, v38;
	s20 =	rddreg [dreg:$0x13]  }
0x25: {  	v25 =	vadd.s32 s18, v38;
	s14 =	sadd.s32 $0x140, s5;
	s18 =	sadd.s32 s7, s17;
	[dreg:$0x8] =	wrdreg s25  }
0x26: {  	v30 =	vadd.s32 s24, v38;
	s24 =	stileid.u32;
	v32 =	vadd.s32 s9, v38;
	s9 =	simm.s32 $0x180;
	[dreg:$0xc] =	wrdreg s13  }
0x27: {  	v34 =	vadd.s32 s12, v38;
	s12 =	simm.s32 $0x2;
	[dreg:$0xd] =	wrdreg s15;
	s19 =	simm.s32 @!p0 $0x4E  }
0x28: {  	s25 =	sadd.s32 $0xD0, s5;
	s13 =	sadd.s32 $0x110, s5;
	s15 =	sadd.s32 $0x150, s5  }
0x29: {  	v27 =	vadd.s32 s11, v38;
	v19 =	vadd.s32 s14, v38;
	s14 =	sadd.s32 $0x270, s5;
	[dreg:$0xf] =	wrdreg s18;
	s11 =	smax.u32 s20, $0x1  }
0x2a: {  	p0 =	sgt.u32 s24, $0x1;
	v12 =	vadd.s32 s25, v38;
	v16 =	vadd.s32 s13, v38;
	s13 =	sadd.s32 $0x250, s5;
	s25 =	sadd.s32 $0x260, s5  }
.Ltmp0:
0x2b: {  	v20 =	vadd.s32 s15, v38;
	s15 =	sadd.s32 s4, s21;
	s21 =	sadd.s32 s6, s21;
	(pc) =	sbr.rel .LBB2_1-.Ltmp0, $4  }
0x2c: {  	vm0 =	vcmask $0x3F20;
	v21 =	vadd.s32 s5, v38;
	s5 =	sshrl.u32 s26, $0x3;
	[dreg:$0x10] =	wrdreg s11;
	s26 =	sadd.s32 $0x1000, s8  }
0x2d: {  	v40 =	vimm.f32 $0.0e+00;
	v28 =	vadd.s32 s22, v38;
	v39 =	vor.u32 s14, v38;
	s11 =	simm.s32 $0x1;
	s14 =	simm.s32 $0x0;
	[dreg:$0xe] =	wrdreg s15  }
0x2e: {  	v24 =	vadd.s32 s16, v38;
	v35 =	vadd.s32 s23, v38;
	s18 =	sadd.s32 s5, s6;
	s5 =	sadd.s32 s5, s4;
	v37 =	vadd.s32 s25, v38;
	s25 =	rddreg [dreg:$0x12]  }
0x2f: {  	v36 =	vadd.s32 s13, v38;
	s13 =	simm.s32 $0x8280;
	[dreg:$0x11] =	wrdreg s5;
	s5 =	simm.s32 $0x4;
	v38 =	vadd.s32 s25, v38;
	v39 =	vsel vm0, s25, v39  }
.LBB2_21:
0x30: {  	[bflag:$0x0] =	sbarrier.arrive $0xFFFF  }
0x31: {  	[tilespmem:$0x200] =	vst v21  }
0x32: {  	[tilespmem:$0x210] =	vst v0  }
0x33: {  	[tilespmem:$0x220] =	vst v1  }
0x34: {  	[tilespmem:$0x230] =	vst v2  }
0x35: {  	[tilespmem:$0x240] =	vst v3  }
0x36: {  	[tilespmem:$0x250] =	vst v4  }
0x37: {  	[tilespmem:$0x260] =	vst v5  }
0x38: {  	[tilespmem:$0x270] =	vst v6  }
0x39: {  	[tilespmem:s30], [sflag:$0x3] =	stream.indirect.gather [spmem:s2], $0x80, s29, s28, $0xb8;
	[tilespmem:$0x1FE80] =	vst v63  }
0x3a: {  	_ =	swait.ge [sflag:s31], $0x4000  }
0x3b: {  	[sflag:s31] =	ssyncset.done $0x0  }
0x3c: {  	s15 =	rddreg [dreg:$0x9];
	[sflag:s31] =	ssyncadd.s32 $0xFFFFC000  }
0x3d: {  	[hbm4b:s15+s3] =	stream.linear.scatter [tilespmem:s30], [sflag:$0x3], $0x4000, $0x38;
	[tilespmem:$0x1FE80] =	vst v63  }
0x3e: {  	_ =	swait.ge [sflag:s31], $0x4000  }
0x3f: {  	[sflag:s31] =	ssyncset.done $0x0  }
0x40: {  	[sflag:s31] =	ssyncadd.s32 $0xFFFFC000  }
0x41: {  	[tilespmem:$0x200] =	vst v7  }
0x42: {  	[tilespmem:$0x210] =	vst v8  }
0x43: {  	[tilespmem:$0x220] =	vst v9  }
0x44: {  	[tilespmem:$0x230] =	vst v10  }
0x45: {  	[tilespmem:$0x240] =	vst v11  }
0x46: {  	[tilespmem:$0x250] =	vst v12  }
0x47: {  	[tilespmem:$0x260] =	vst v13  }
0x48: {  	[tilespmem:$0x270] =	vst v14  }
0x49: {  	[tilespmem:s30], [sflag:$0x3] =	stream.indirect.gather [spmem:s2], $0x80, s29, s28, $0xb8;
	[tilespmem:$0x1FE80] =	vst v63  }
0x4a: {  	_ =	swait.ge [sflag:s31], $0x4000  }
0x4b: {  	[sflag:s31] =	ssyncset.done $0x0  }
0x4c: {  	s20 =	rddreg [dreg:$0xa];
	[sflag:s31] =	ssyncadd.s32 $0xFFFFC000  }
0x4d: {  	[hbm4b:s20+s3] =	stream.linear.scatter [tilespmem:s30], [sflag:$0x3], $0x4000, $0x38;
	[tilespmem:$0x1FE80] =	vst v63  }
0x4e: {  	_ =	swait.ge [sflag:s31], $0x4000  }
0x4f: {  	[sflag:s31] =	ssyncset.done $0x0  }
0x50: {  	[sflag:s31] =	ssyncadd.s32 $0xFFFFC000  }
0x51: {  	[tilespmem:$0x200] =	vst v15  }
0x52: {  	[tilespmem:$0x210] =	vst v16  }
0x53: {  	[tilespmem:$0x220] =	vst v17  }
0x54: {  	[tilespmem:$0x230] =	vst v18  }
0x55: {  	[tilespmem:$0x240] =	vst v19  }
0x56: {  	[tilespmem:$0x250] =	vst v20  }
0x57: {  	[tilespmem:$0x260] =	vst v22  }
0x58: {  	[tilespmem:$0x270] =	vst v23  }
0x59: {  	[tilespmem:s30], [sflag:$0x3] =	stream.indirect.gather [spmem:s2], $0x80, s29, s28, $0xb8;
	[tilespmem:$0x1FE80] =	vst v63  }
0x5a: {  	_ =	swait.ge [sflag:s31], $0x4000  }
0x5b: {  	[sflag:s31] =	ssyncset.done $0x0  }
0x5c: {  	s22 =	rddreg [dreg:$0xb];
	[sflag:s31] =	ssyncadd.s32 $0xFFFFC000  }
0x5d: {  	[hbm4b:s22+s3] =	stream.linear.scatter [tilespmem:s30], [sflag:$0x3], $0x4000, $0x38;
	[tilespmem:$0x1FE80] =	vst v63  }
0x5e: {  	_ =	swait.ge [sflag:s31], $0x4000  }
0x5f: {  	[sflag:s31] =	ssyncset.done $0x0  }
0x60: {  	[sflag:s31] =	ssyncadd.s32 $0xFFFFC000  }
0x61: {  	[tilespmem:$0x200] =	vst v24  }
0x62: {  	[tilespmem:$0x210] =	vst v25  }
0x63: {  	[tilespmem:$0x220] =	vst v26  }
0x64: {  	[tilespmem:$0x230] =	vst v27  }
0x65: {  	[tilespmem:$0x240] =	vst v28  }
0x66: {  	[tilespmem:$0x250] =	vst v29  }
0x67: {  	[tilespmem:$0x260] =	vst v30  }
0x68: {  	[tilespmem:$0x270] =	vst v31  }
0x69: {  	[tilespmem:s30], [sflag:$0x3] =	stream.indirect.gather [spmem:s2], $0x80, s29, s28, $0xb8;
	[tilespmem:$0x1FE80] =	vst v63  }
0x6a: {  	_ =	swait.ge [sflag:s31], $0x4000  }
0x6b: {  	[sflag:s31] =	ssyncset.done $0x0  }
0x6c: {  	s23 =	rddreg [dreg:$0xc];
	[sflag:s31] =	ssyncadd.s32 $0xFFFFC000  }
0x6d: {  	[hbm4b:s23+s3] =	stream.linear.scatter [tilespmem:s30], [sflag:$0x3], $0x4000, $0x38;
	[tilespmem:$0x1FE80] =	vst v63  }
0x6e: {  	_ =	swait.ge [sflag:s31], $0x4000  }
0x6f: {  	[sflag:s31] =	ssyncset.done $0x0  }
0x70: {  	[sflag:s31] =	ssyncadd.s32 $0xFFFFC000  }
0x71: {  	[tilespmem:$0x200] =	vst v38  }
0x72: {  	[tilespmem:$0x210] =	vst v32  }
0x73: {  	[tilespmem:$0x220] =	vst v33  }
0x74: {  	[tilespmem:$0x230] =	vst v34  }
0x75: {  	[tilespmem:$0x240] =	vst v35  }
0x76: {  	[tilespmem:$0x250] =	vst v36  }
0x77: {  	[tilespmem:$0x260] =	vst v37  }
0x78: {  	[tilespmem:$0x270] =	vst v39  }
0x79: {  	[tilespmem:s30], [sflag:$0x3] =	stream.indirect.gather [spmem:s2], $0x80, s29, s28, $0xb8;
	[tilespmem:$0x1FE80] =	vst v63  }
0x7a: {  	_ =	swait.ge [sflag:s31], $0x4000  }
0x7b: {  	[sflag:s31] =	ssyncset.done $0x0  }
0x7c: {  	s24 =	rddreg [dreg:$0xd];
	[sflag:s31] =	ssyncadd.s32 $0xFFFFC000  }
0x7d: {  	[hbm4b:s24+s3] =	stream.linear.scatter [tilespmem:s30], [sflag:$0x3], $0x3C00, $0x38;
	[tilespmem:$0x1FE80] =	vst v63  }
0x7e: {  	_ =	swait.ge [sflag:s31], $0x3C00  }
0x7f: {  	s14 =	sadd.s32 $0x1, s14;
	s25 =	rddreg [dreg:$0x10]  }
0x80: {  	p1 =	sne.s32 s14, s25  }
.Ltmp1:
0x81: {  	_ = 	snop;
	(pc) =	sbr.rel @!p1 .LBB2_22-.Ltmp1, $3  }
0x82: {  	_ =	sdelay $0x1  }
0x83: {  	[sflag:s31] =	ssyncset.done $0x0  }
0x84: {  	[sflag:s31] =	ssyncadd.s32 $0xFFFFC400  }
.LBB2_1:
0x85: {  	s15 =	sand.u32 $0xFE00, s3  }
0x86: {  	s16 =	sand.u32 $0x70, s3;
	s17 =	sshrl.u32 s15, $0x2  }
0x87: {  	s15 =	simm.s32 $0x40;
	s17 =	sor.u32 s16, s17;
	s16 =	simm.s32 $0x0  }
.LBB2_2:
0x88: {  	p1 =	sne.s32 s15, $0xFFC0  }
0x89: {  	[tilespmem:s17+$0x280] =	vst v40;
	s16 =	sadd.s32 $0x10, s16;
	s17 =	smov.u32 s15;
	s15 =	sadd.s32 $0x40, s15  }
.Ltmp2:
0x8a: {  	(pc) =	sbr.rel @p1 .LBB2_2-.Ltmp2, $4  }
0x8b: {  	_ = 	snop  }
0x8c: {  	s17 =	sand.u32 $0xFE00, s17  }
0x8d: {  	s20 =	sand.u32 $0x70, s16;
	s17 =	sshrl.u32 s17, $0x2  }
0x8e: {  	s17 =	sor.u32 s20, s17  }
0x8f: {  	[tilespmem:s17+$0x280] =	vst v40  }
0x90: {  	[tilespmem:$0x200] =	vst v21  }
0x91: {  	[tilespmem:$0x210] =	vst v0  }
0x92: {  	[tilespmem:$0x220] =	vst v1  }
0x93: {  	[tilespmem:$0x230] =	vst v2  }
0x94: {  	[tilespmem:$0x240] =	vst v3  }
0x95: {  	[tilespmem:$0x250] =	vst v4  }
0x96: {  	[tilespmem:$0x260] =	vst v5  }
0x97: {  	[tilespmem:$0x270] =	vst v6  }
0x98: {  	[spmem:s2] =	stream.indirect.scatter [tilespmem:s30], [sflag:$0x3], $0x80, s29, s28, $0xb8;
	[tilespmem:$0x1FE80] =	vst v63  }
0x99: {  	_ =	swait.ge [sflag:s31], $0x4000  }
0x9a: {  	[sflag:s31] =	ssyncset.done $0x0  }
0x9b: {  	[sflag:s31] =	ssyncadd.s32 $0xFFFFC000  }
0x9c: {  	[tilespmem:$0x200] =	vst v7  }
0x9d: {  	[tilespmem:$0x210] =	vst v8  }
0x9e: {  	[tilespmem:$0x220] =	vst v9  }
0x9f: {  	[tilespmem:$0x230] =	vst v10  }
0xa0: {  	[tilespmem:$0x240] =	vst v11  }
0xa1: {  	[tilespmem:$0x250] =	vst v12  }
0xa2: {  	[tilespmem:$0x260] =	vst v13  }
0xa3: {  	[tilespmem:$0x270] =	vst v14  }
0xa4: {  	[spmem:s2] =	stream.indirect.scatter [tilespmem:s30], [sflag:$0x3], $0x80, s29, s28, $0xb8;
	[tilespmem:$0x1FE80] =	vst v63  }
0xa5: {  	_ =	swait.ge [sflag:s31], $0x4000  }
0xa6: {  	[sflag:s31] =	ssyncset.done $0x0  }
0xa7: {  	[sflag:s31] =	ssyncadd.s32 $0xFFFFC000  }
0xa8: {  	[tilespmem:$0x200] =	vst v15  }
0xa9: {  	[tilespmem:$0x210] =	vst v16  }
0xaa: {  	[tilespmem:$0x220] =	vst v17  }
0xab: {  	[tilespmem:$0x230] =	vst v18  }
0xac: {  	[tilespmem:$0x240] =	vst v19  }
0xad: {  	[tilespmem:$0x250] =	vst v20  }
0xae: {  	[tilespmem:$0x260] =	vst v22  }
0xaf: {  	[tilespmem:$0x270] =	vst v23  }
0xb0: {  	[spmem:s2] =	stream.indirect.scatter [tilespmem:s30], [sflag:$0x3], $0x80, s29, s28, $0xb8;
	[tilespmem:$0x1FE80] =	vst v63  }
0xb1: {  	_ =	swait.ge [sflag:s31], $0x4000  }
0xb2: {  	[sflag:s31] =	ssyncset.done $0x0  }
0xb3: {  	[sflag:s31] =	ssyncadd.s32 $0xFFFFC000  }
0xb4: {  	[tilespmem:$0x200] =	vst v24  }
0xb5: {  	[tilespmem:$0x210] =	vst v25  }
0xb6: {  	[tilespmem:$0x220] =	vst v26  }
0xb7: {  	[tilespmem:$0x230] =	vst v27  }
0xb8: {  	[tilespmem:$0x240] =	vst v28  }
0xb9: {  	[tilespmem:$0x250] =	vst v29  }
0xba: {  	[tilespmem:$0x260] =	vst v30  }
0xbb: {  	[tilespmem:$0x270] =	vst v31  }
0xbc: {  	[spmem:s2] =	stream.indirect.scatter [tilespmem:s30], [sflag:$0x3], $0x80, s29, s28, $0xb8;
	[tilespmem:$0x1FE80] =	vst v63  }
0xbd: {  	_ =	swait.ge [sflag:s31], $0x4000  }
0xbe: {  	[sflag:s31] =	ssyncset.done $0x0  }
0xbf: {  	[sflag:s31] =	ssyncadd.s32 $0xFFFFC000  }
0xc0: {  	[tilespmem:$0x200] =	vst v38  }
0xc1: {  	[tilespmem:$0x210] =	vst v32  }
0xc2: {  	[tilespmem:$0x220] =	vst v33  }
0xc3: {  	[tilespmem:$0x230] =	vst v34  }
0xc4: {  	[tilespmem:$0x240] =	vst v35  }
0xc5: {  	[tilespmem:$0x250] =	vst v36  }
0xc6: {  	[tilespmem:$0x260] =	vst v37  }
0xc7: {  	[tilespmem:$0x270] =	vst v39  }
0xc8: {  	[spmem:s2] =	stream.indirect.scatter [tilespmem:s30], [sflag:$0x3], $0x80, s29, s28, $0xb8;
	[tilespmem:$0x1FE80] =	vst v63  }
0xc9: {  	_ =	swait.ge [sflag:s31], $0x4000  }
0xca: {  	[sflag:s31] =	ssyncset.done $0x0  }
0xcb: {  	[sflag:s31] =	ssyncadd.s32 $0xFFFFC000  }
0xcc: {  	[bflag:$0x0] =	sbarrier.arrive $0xFFFF  }
0xcd: {  	s15 =	rddreg [dreg:$0xe]  }
0xce: {  	[tilespmem:s3], [sflag:$0x3] =	stream.linear.gather [hbm4b:s15+s3], $0x80, $0x38;
	[tilespmem:$0x1FE80] =	vst v63  }
0xcf: {  	_ =	swait.ge [sflag:s31], $0x80  }
0xd0: {  	[sflag:s31] =	ssyncset.done $0x0  }
0xd1: {  	[sflag:s31] =	ssyncadd.s32 $0xFFFFFF80  }
0xd2: {  	[tilespmem:s0], [sflag:$0x3] =	stream.linear.gather [hbm4b:s21+s3], $0x80, $0x38;
	[tilespmem:$0x1FE80] =	vst v63  }
0xd3: {  	_ =	swait.ge [sflag:s31], $0x80  }
0xd4: {  	[sflag:s31] =	ssyncset.done $0x0  }
0xd5: {  	[sflag:s31] =	ssyncadd.s32 $0xFFFFFF80  }
0xd6: {  	[tilespmem:s30], [sflag:$0x1] =	stream.indirect.gather [hbm4b:s1+s28], $0x80, s3, s28, $0xb8;
	[tilespmem:$0x1FE80] =	vst v63  }
0xd7: {  	s24 =	rddreg [dreg:$0x11]  }
0xd8: {  	[tilespmem:s28], [sflag:$0x4] =	stream.linear.gather [hbm4b:s24+s3], $0x80, $0x38;
	[tilespmem:$0x1FE80] =	vst v63  }
0xd9: {  	_ =	swait.ge [sflag:s5], $0x80  }
0xda: {  	[sflag:s5] =	ssyncset.done $0x0  }
0xdb: {  	[sflag:s5] =	ssyncadd.s32 $0xFFFFFF80  }
0xdc: {  	[tilespmem:s9], [sflag:$0x4] =	stream.linear.gather [hbm4b:s18+s3], $0x80, $0x38;
	[tilespmem:$0x1FE80] =	vst v63  }
0xdd: {  	_ =	swait.ge [sflag:s5], $0x80  }
0xde: {  	[sflag:s5] =	ssyncset.done $0x0  }
0xdf: {  	[sflag:s5] =	ssyncadd.s32 $0xFFFFFF80  }
0xe0: {  	[tilespmem:s10], [sflag:$0x2] =	stream.indirect.gather [hbm4b:s1+s28], $0x80, s28, s28, $0xb8;
	[tilespmem:$0x1FE80] =	vst v63  }
0xe1: {  	_ =	swait.ge [sflag:s11], $0x4000  }
0xe2: {  	[sflag:s11] =	ssyncset.done $0x0  }
0xe3: {  	[sflag:s11] =	ssyncadd.s32 $0xFFFFC000  }
0xe4: {  	[spmem:s2] =	stream.indirect.scatter.add.f32 [tilespmem:s30], [sflag:$0x4], $0x80, s0, s28, $0xb8;
	[tilespmem:$0x1FE80] =	vst v63  }
0xe5: {  	p1 =	sle.u32 s19, $0x2;
	_ =	swait.ge [sflag:s5], $0x4000  }
0xe6: {  	s16 =	simm.s32 @!p1 $0x4;
	s15 =	sshrl.u32 @!p1 s26, $0x3;
	[sflag:s5] =	ssyncset.done $0x0  }
0xe7: {  	s20 =	simm.s32 @!p1 $0x0;
	s17 =	sadd.s32 @!p1 s4, s15;
	[sflag:s5] =	ssyncadd.s32 $0xFFFFC000  }
0xe8: {  	[tilespmem:s20], [sflag:$0x4] =	stream.linear.gather @!p1 [hbm4b:s17+s20], $0x80, $0x38;
	[tilespmem:$0x1FE80] =	vst v63  }
0xe9: {  	_ =	swait.ge @!p1 [sflag:s16], $0x80  }
0xea: {  	[sflag:s16] =	ssyncset.done @!p1 $0x0  }
0xeb: {  	s15 =	sadd.s32 @!p1 s6, s15;
	s17 =	simm.s32 @!p1 $0x100;
	[sflag:s16] =	ssyncadd.s32 @!p1 $0xFFFFFF80  }
0xec: {  	[tilespmem:s17], [sflag:$0x4] =	stream.linear.gather @!p1 [hbm4b:s15+s20], $0x80, $0x38;
	[tilespmem:$0x1FE80] =	vst v63  }
0xed: {  	_ =	swait.ge @!p1 [sflag:s16], $0x80  }
0xee: {  	[sflag:s16] =	ssyncset.done @!p1 $0x0  }
0xef: {  	s15 =	simm.s32 @!p1 $0x80;
	[sflag:s16] =	ssyncadd.s32 @!p1 $0xFFFFFF80;
	s16 =	simm.s32 @!p1 $0x280  }
0xf0: {  	[tilespmem:s16], [sflag:$0x1] =	stream.indirect.gather @!p1 [hbm4b:s1+s15], $0x80, s20, s15, $0xb8;
	[tilespmem:$0x1FE80] =	vst v63  }
0xf1: {  	_ =	swait.ge [sflag:s12], $0x4000  }
0xf2: {  	[sflag:s12] =	ssyncset.done $0x0  }
0xf3: {  	s25 =	smov.u32 s21;
	[sflag:s12] =	ssyncadd.s32 $0xFFFFC000  }
0xf4: {  	[spmem:s2] =	stream.indirect.scatter.add.f32 [tilespmem:s10], [sflag:$0x3], $0x80, s9, s28, $0xb8;
	[tilespmem:$0x1FE80] =	vst v63  }
0xf5: {  	s17 =	sadd.s32 $0x1000, s26;
	s15 =	simm.s32 $0x4;
	_ =	swait.ge [sflag:s31], $0x4000  }
0xf6: {  	s16 =	sadd.s32 $0x200, s24;
	s24 =	smov.u32 s18;
	[sflag:s31] =	ssyncset.done $0x0  }
.LBB2_4:
0xf7: {  	[sflag:s31] =	ssyncadd.s32 $0xFFFFC000  }
0xf8: {  	s24 =	sadd.s32 $0x200, s24;
	s20 =	smov.u32 s15;
	s15 =	sadd.s32 $0x2, s15  }
0xf9: {  	[tilespmem:s28], [sflag:$0x4] =	stream.linear.gather [hbm4b:s16+s3], $0x80, $0x38;
	[tilespmem:$0x1FE80] =	vst v63  }
0xfa: {  	p1 =	sne.s32 s15, $0x50;
	_ =	swait.ge [sflag:s5], $0x80  }
0xfb: {  	[sflag:s5] =	ssyncset.done $0x0  }
0xfc: {  	[sflag:s5] =	ssyncadd.s32 $0xFFFFFF80  }
0xfd: {  	[tilespmem:s9], [sflag:$0x4] =	stream.linear.gather [hbm4b:s24+s3], $0x80, $0x38;
	[tilespmem:$0x1FE80] =	vst v63  }
0xfe: {  	_ =	swait.ge [sflag:s5], $0x80  }
0xff: {  	[sflag:s5] =	ssyncset.done $0x0  }
0x100: {  	[sflag:s5] =	ssyncadd.s32 $0xFFFFFF80  }
0x101: {  	[tilespmem:s10], [sflag:$0x2] =	stream.indirect.gather [hbm4b:s1+s28], $0x80, s28, s28, $0xb8;
	[tilespmem:$0x1FE80] =	vst v63  }
0x102: {  	_ =	swait.ge [sflag:s11], $0x4000  }
0x103: {  	[sflag:s11] =	ssyncset.done $0x0  }
0x104: {  	[sflag:s11] =	ssyncadd.s32 $0xFFFFC000  }
0x105: {  	[spmem:s2] =	stream.indirect.scatter.add.f32 [tilespmem:s30], [sflag:$0x4], $0x80, s0, s28, $0xb8;
	[tilespmem:$0x1FE80] =	vst v63  }
0x106: {  	p2 =	sge.u32 s20, s19;
	_ =	swait.ge [sflag:s5], $0x4000  }
0x107: {  	s20 =	sshrl.u32 @!p2 s17, $0x3;
	s22 =	simm.s32 @!p2 $0x4;
	[sflag:s5] =	ssyncset.done $0x0  }
0x108: {  	s21 =	simm.s32 @!p2 $0x0;
	s23 =	sadd.s32 @!p2 s4, s20;
	[sflag:s5] =	ssyncadd.s32 $0xFFFFC000  }
0x109: {  	[tilespmem:s21], [sflag:$0x4] =	stream.linear.gather @!p2 [hbm4b:s23+s21], $0x80, $0x38;
	[tilespmem:$0x1FE80] =	vst v63  }
0x10a: {  	s20 =	sadd.s32 @!p2 s6, s20;
	_ =	swait.ge @!p2 [sflag:s22], $0x80  }
0x10b: {  	[sflag:s22] =	ssyncset.done @!p2 $0x0  }
0x10c: {  	s23 =	simm.s32 @!p2 $0x100;
	[sflag:s22] =	ssyncadd.s32 @!p2 $0xFFFFFF80  }
0x10d: {  	[tilespmem:s23], [sflag:$0x4] =	stream.linear.gather @!p2 [hbm4b:s20+s21], $0x80, $0x38;
	[tilespmem:$0x1FE80] =	vst v63  }
0x10e: {  	_ =	swait.ge @!p2 [sflag:s22], $0x80  }
0x10f: {  	[sflag:s22] =	ssyncset.done @!p2 $0x0  }
0x110: {  	s20 =	simm.s32 @!p2 $0x80;
	[sflag:s22] =	ssyncadd.s32 @!p2 $0xFFFFFF80;
	s22 =	simm.s32 @!p2 $0x280  }
0x111: {  	[tilespmem:s22], [sflag:$0x1] =	stream.indirect.gather @!p2 [hbm4b:s1+s20], $0x80, s21, s20, $0xb8;
	[tilespmem:$0x1FE80] =	vst v63  }
0x112: {  	_ =	swait.ge [sflag:s12], $0x4000  }
.Ltmp3:
0x113: {  	[sflag:s12] =	ssyncset.done $0x0;
	(pc) =	sbr.rel @p1 .LBB2_4-.Ltmp3, $4  }
0x114: {  	[sflag:s12] =	ssyncadd.s32 $0xFFFFC000  }
0x115: {  	[spmem:s2] =	stream.indirect.scatter.add.f32 [tilespmem:s10], [sflag:$0x3], $0x80, s9, s28, $0xb8;
	[tilespmem:$0x1FE80] =	vst v63  }
0x116: {  	_ =	swait.ge [sflag:s31], $0x4000  }
0x117: {  	s16 =	sadd.s32 $0x200, s16;
	s17 =	sadd.s32 $0x1000, s17;
	[sflag:s31] =	ssyncset.done $0x0  }
0x118: {  	[sflag:s31] =	ssyncadd.s32 $0xFFFFC000;
	s15 =	simm.s32 @!p0 $0x1  }
0x119: {  	_ =	swait.ge @!p0 [sflag:s15], $0x4000  }
0x11a: {  	s16 =	simm.s32 @!p0 $0x100;
	[sflag:s15] =	ssyncset.done @!p0 $0x0  }
0x11b: {  	s17 =	simm.s32 @!p0 $0x280;
	[sflag:s15] =	ssyncadd.s32 @!p0 $0xFFFFC000;
	s15 =	simm.s32 @!p0 $0x80  }
0x11c: {  	[spmem:s2] =	stream.indirect.scatter.add.f32 @!p0 [tilespmem:s17], [sflag:$0x4], $0x80, s16, s15, $0xb8;
	[tilespmem:$0x1FE80] =	vst v63  }
0x11d: {  	s15 =	simm.s32 @!p0 $0x4  }
0x11e: {  	_ =	swait.ge @!p0 [sflag:s15], $0x4000  }
0x11f: {  	[sflag:s15] =	ssyncset.done @!p0 $0x0  }
0x120: {  	[sflag:s15] =	ssyncadd.s32 @!p0 $0xFFFFC000  }
0x121: {  	[bflag:$0x0] =	sbarrier.arrive $0xFFFF  }
0x122: {  	[tilespmem:$0x200] =	vst v21  }
0x123: {  	[tilespmem:$0x210] =	vst v0  }
0x124: {  	[tilespmem:$0x220] =	vst v1  }
0x125: {  	[tilespmem:$0x230] =	vst v2  }
0x126: {  	[tilespmem:$0x240] =	vst v3  }
0x127: {  	[tilespmem:$0x250] =	vst v4  }
0x128: {  	[tilespmem:$0x260] =	vst v5  }
0x129: {  	[tilespmem:$0x270] =	vst v6  }
0x12a: {  	[tilespmem:s30], [sflag:$0x3] =	stream.indirect.gather [spmem:s2], $0x80, s29, s28, $0xb8;
	[tilespmem:$0x1FE80] =	vst v63  }
0x12b: {  	_ =	swait.ge [sflag:s31], $0x4000  }
0x12c: {  	[sflag:s31] =	ssyncset.done $0x0  }
0x12d: {  	s15 =	simm.s32 $0x0;
	s17 =	rddreg [dreg:$0x4];
	[sflag:s31] =	ssyncadd.s32 $0xFFFFC000  }
0x12e: {  	[hbm4b:s17+s15] =	stream.linear.scatter [tilespmem:s30], [sflag:$0x3], $0x4000, $0x38;
	[tilespmem:$0x1FE80] =	vst v63  }
0x12f: {  	_ =	swait.ge [sflag:s31], $0x4000  }
0x130: {  	[sflag:s31] =	ssyncset.done $0x0  }
0x131: {  	[sflag:s31] =	ssyncadd.s32 $0xFFFFC000  }
0x132: {  	[tilespmem:$0x200] =	vst v7  }
0x133: {  	[tilespmem:$0x210] =	vst v8  }
0x134: {  	[tilespmem:$0x220] =	vst v9  }
0x135: {  	[tilespmem:$0x230] =	vst v10  }
0x136: {  	[tilespmem:$0x240] =	vst v11  }
0x137: {  	[tilespmem:$0x250] =	vst v12  }
0x138: {  	[tilespmem:$0x260] =	vst v13  }
0x139: {  	[tilespmem:$0x270] =	vst v14  }
0x13a: {  	[tilespmem:s30], [sflag:$0x3] =	stream.indirect.gather [spmem:s2], $0x80, s29, s28, $0xb8;
	[tilespmem:$0x1FE80] =	vst v63  }
0x13b: {  	_ =	swait.ge [sflag:s31], $0x4000  }
0x13c: {  	[sflag:s31] =	ssyncset.done $0x0  }
0x13d: {  	s20 =	rddreg [dreg:$0x5];
	[sflag:s31] =	ssyncadd.s32 $0xFFFFC000  }
0x13e: {  	[hbm4b:s20+s15] =	stream.linear.scatter [tilespmem:s30], [sflag:$0x3], $0x4000, $0x38;
	[tilespmem:$0x1FE80] =	vst v63  }
0x13f: {  	_ =	swait.ge [sflag:s31], $0x4000  }
0x140: {  	[sflag:s31] =	ssyncset.done $0x0  }
0x141: {  	[sflag:s31] =	ssyncadd.s32 $0xFFFFC000  }
0x142: {  	[tilespmem:$0x200] =	vst v15  }
0x143: {  	[tilespmem:$0x210] =	vst v16  }
0x144: {  	[tilespmem:$0x220] =	vst v17  }
0x145: {  	[tilespmem:$0x230] =	vst v18  }
0x146: {  	[tilespmem:$0x240] =	vst v19  }
0x147: {  	[tilespmem:$0x250] =	vst v20  }
0x148: {  	[tilespmem:$0x260] =	vst v22  }
0x149: {  	[tilespmem:$0x270] =	vst v23  }
0x14a: {  	[tilespmem:s30], [sflag:$0x3] =	stream.indirect.gather [spmem:s2], $0x80, s29, s28, $0xb8;
	[tilespmem:$0x1FE80] =	vst v63  }
0x14b: {  	_ =	swait.ge [sflag:s31], $0x4000  }
0x14c: {  	[sflag:s31] =	ssyncset.done $0x0  }
0x14d: {  	s21 =	rddreg [dreg:$0x6];
	[sflag:s31] =	ssyncadd.s32 $0xFFFFC000  }
0x14e: {  	[hbm4b:s21+s15] =	stream.linear.scatter [tilespmem:s30], [sflag:$0x3], $0x4000, $0x38;
	[tilespmem:$0x1FE80] =	vst v63  }
0x14f: {  	_ =	swait.ge [sflag:s31], $0x4000  }
0x150: {  	[sflag:s31] =	ssyncset.done $0x0  }
0x151: {  	[sflag:s31] =	ssyncadd.s32 $0xFFFFC000  }
0x152: {  	[tilespmem:$0x200] =	vst v24  }
0x153: {  	[tilespmem:$0x210] =	vst v25  }
0x154: {  	[tilespmem:$0x220] =	vst v26  }
0x155: {  	[tilespmem:$0x230] =	vst v27  }
0x156: {  	[tilespmem:$0x240] =	vst v28  }
0x157: {  	[tilespmem:$0x250] =	vst v29  }
0x158: {  	[tilespmem:$0x260] =	vst v30  }
0x159: {  	[tilespmem:$0x270] =	vst v31  }
0x15a: {  	[tilespmem:s30], [sflag:$0x3] =	stream.indirect.gather [spmem:s2], $0x80, s29, s28, $0xb8;
	[tilespmem:$0x1FE80] =	vst v63  }
0x15b: {  	_ =	swait.ge [sflag:s31], $0x4000  }
0x15c: {  	[sflag:s31] =	ssyncset.done $0x0  }
0x15d: {  	s22 =	rddreg [dreg:$0x7];
	[sflag:s31] =	ssyncadd.s32 $0xFFFFC000  }
0x15e: {  	[hbm4b:s22+s15] =	stream.linear.scatter [tilespmem:s30], [sflag:$0x3], $0x4000, $0x38;
	[tilespmem:$0x1FE80] =	vst v63  }
0x15f: {  	_ =	swait.ge [sflag:s31], $0x4000  }
0x160: {  	[sflag:s31] =	ssyncset.done $0x0  }
0x161: {  	[sflag:s31] =	ssyncadd.s32 $0xFFFFC000  }
0x162: {  	[tilespmem:$0x200] =	vst v38  }
0x163: {  	[tilespmem:$0x210] =	vst v32  }
0x164: {  	[tilespmem:$0x220] =	vst v33  }
0x165: {  	[tilespmem:$0x230] =	vst v34  }
0x166: {  	[tilespmem:$0x240] =	vst v35  }
0x167: {  	[tilespmem:$0x250] =	vst v36  }
0x168: {  	[tilespmem:$0x260] =	vst v37  }
0x169: {  	[tilespmem:$0x270] =	vst v39  }
0x16a: {  	[tilespmem:s30], [sflag:$0x3] =	stream.indirect.gather [spmem:s2], $0x80, s29, s28, $0xb8;
	[tilespmem:$0x1FE80] =	vst v63  }
0x16b: {  	_ =	swait.ge [sflag:s31], $0x4000  }
0x16c: {  	[sflag:s31] =	ssyncset.done $0x0  }
0x16d: {  	s23 =	rddreg [dreg:$0x8];
	[sflag:s31] =	ssyncadd.s32 $0xFFFFC000  }
0x16e: {  	[hbm4b:s23+s15] =	stream.linear.scatter [tilespmem:s30], [sflag:$0x3], $0x3C00, $0x38;
	[tilespmem:$0x1FE80] =	vst v63  }
0x16f: {  	s24 =	sand.u32 $0xFE00, s15;
	s16 =	sand.u32 $0x70, s15;
	_ =	swait.ge [sflag:s31], $0x3C00  }
0x170: {  	s17 =	sshrl.u32 s24, $0x2;
	s24 =	simm.s32 $0x40;
	[sflag:s31] =	ssyncset.done $0x0  }
0x171: {  	s20 =	simm.s32 $0x0;
	s22 =	sor.u32 s16, s17;
	[sflag:s31] =	ssyncadd.s32 $0xFFFFC400  }
.LBB2_6:
0x172: {  	p1 =	sne.s32 s24, $0xFFC0  }
0x173: {  	[tilespmem:s22+$0x280] =	vst v40;
	s20 =	sadd.s32 $0x10, s20;
	s21 =	smov.u32 s24;
	s24 =	sadd.s32 $0x40, s24  }
.Ltmp4:
0x174: {  	(pc) =	sbr.rel @p1 .LBB2_6-.Ltmp4, $4  }
0x175: {  	_ = 	snop  }
0x176: {  	s21 =	sand.u32 $0xFE00, s21  }
0x177: {  	s22 =	sand.u32 $0x70, s20;
	s21 =	sshrl.u32 s21, $0x2  }
0x178: {  	s22 =	sor.u32 s22, s21  }
0x179: {  	[tilespmem:s22+$0x280] =	vst v40;
	s24 =	simm.s32 $0x40;
	s16 =	sor.u32 s16, s17;
	s21 =	smov.u32 s25  }
.LBB2_8:
0x17a: {  	p1 =	sne.s32 s24, $0xFFC0  }
0x17b: {  	[tilespmem:s16+$0x4280] =	vst v40;
	s15 =	sadd.s32 $0x10, s15;
	s16 =	smov.u32 s24;
	s24 =	sadd.s32 $0x40, s24  }
.Ltmp5:
0x17c: {  	(pc) =	sbr.rel @p1 .LBB2_8-.Ltmp5, $4  }
0x17d: {  	_ = 	snop  }
0x17e: {  	s16 =	sand.u32 $0xFE00, s16  }
0x17f: {  	s17 =	sand.u32 $0x70, s15;
	s16 =	sshrl.u32 s16, $0x2  }
0x180: {  	s16 =	sor.u32 s17, s16  }
0x181: {  	[tilespmem:s16+$0x4280] =	vst v40  }
0x182: {  	[tilespmem:$0x200] =	vst v21  }
0x183: {  	[tilespmem:$0x210] =	vst v0  }
0x184: {  	[tilespmem:$0x220] =	vst v1  }
0x185: {  	[tilespmem:$0x230] =	vst v2  }
0x186: {  	[tilespmem:$0x240] =	vst v3  }
0x187: {  	[tilespmem:$0x250] =	vst v4  }
0x188: {  	[tilespmem:$0x260] =	vst v5  }
0x189: {  	[tilespmem:$0x270] =	vst v6  }
0x18a: {  	[spmem:s2] =	stream.indirect.scatter [tilespmem:s30], [sflag:$0x3], $0x80, s29, s28, $0xb8;
	[tilespmem:$0x1FE80] =	vst v63  }
0x18b: {  	_ =	swait.ge [sflag:s31], $0x4000  }
0x18c: {  	[sflag:s31] =	ssyncset.done $0x0  }
0x18d: {  	[sflag:s31] =	ssyncadd.s32 $0xFFFFC000  }
0x18e: {  	[tilespmem:$0x200] =	vst v7  }
0x18f: {  	[tilespmem:$0x210] =	vst v8  }
0x190: {  	[tilespmem:$0x220] =	vst v9  }
0x191: {  	[tilespmem:$0x230] =	vst v10  }
0x192: {  	[tilespmem:$0x240] =	vst v11  }
0x193: {  	[tilespmem:$0x250] =	vst v12  }
0x194: {  	[tilespmem:$0x260] =	vst v13  }
0x195: {  	[tilespmem:$0x270] =	vst v14  }
0x196: {  	[spmem:s2] =	stream.indirect.scatter [tilespmem:s30], [sflag:$0x3], $0x80, s29, s28, $0xb8;
	[tilespmem:$0x1FE80] =	vst v63  }
0x197: {  	_ =	swait.ge [sflag:s31], $0x4000  }
0x198: {  	[sflag:s31] =	ssyncset.done $0x0  }
0x199: {  	[sflag:s31] =	ssyncadd.s32 $0xFFFFC000  }
0x19a: {  	[tilespmem:$0x200] =	vst v15  }
0x19b: {  	[tilespmem:$0x210] =	vst v16  }
0x19c: {  	[tilespmem:$0x220] =	vst v17  }
0x19d: {  	[tilespmem:$0x230] =	vst v18  }
0x19e: {  	[tilespmem:$0x240] =	vst v19  }
0x19f: {  	[tilespmem:$0x250] =	vst v20  }
0x1a0: {  	[tilespmem:$0x260] =	vst v22  }
0x1a1: {  	[tilespmem:$0x270] =	vst v23  }
0x1a2: {  	[spmem:s2] =	stream.indirect.scatter [tilespmem:s30], [sflag:$0x3], $0x80, s29, s28, $0xb8;
	[tilespmem:$0x1FE80] =	vst v63  }
0x1a3: {  	_ =	swait.ge [sflag:s31], $0x4000  }
0x1a4: {  	[sflag:s31] =	ssyncset.done $0x0  }
0x1a5: {  	[sflag:s31] =	ssyncadd.s32 $0xFFFFC000  }
0x1a6: {  	[tilespmem:$0x200] =	vst v24  }
0x1a7: {  	[tilespmem:$0x210] =	vst v25  }
0x1a8: {  	[tilespmem:$0x220] =	vst v26  }
0x1a9: {  	[tilespmem:$0x230] =	vst v27  }
0x1aa: {  	[tilespmem:$0x240] =	vst v28  }
0x1ab: {  	[tilespmem:$0x250] =	vst v29  }
0x1ac: {  	[tilespmem:$0x260] =	vst v30  }
0x1ad: {  	[tilespmem:$0x270] =	vst v31  }
0x1ae: {  	[spmem:s2] =	stream.indirect.scatter [tilespmem:s30], [sflag:$0x3], $0x80, s29, s28, $0xb8;
	[tilespmem:$0x1FE80] =	vst v63  }
0x1af: {  	_ =	swait.ge [sflag:s31], $0x4000  }
0x1b0: {  	[sflag:s31] =	ssyncset.done $0x0  }
0x1b1: {  	[sflag:s31] =	ssyncadd.s32 $0xFFFFC000  }
0x1b2: {  	[tilespmem:$0x200] =	vst v38  }
0x1b3: {  	[tilespmem:$0x210] =	vst v32  }
0x1b4: {  	[tilespmem:$0x220] =	vst v33  }
0x1b5: {  	[tilespmem:$0x230] =	vst v34  }
0x1b6: {  	[tilespmem:$0x240] =	vst v35  }
0x1b7: {  	[tilespmem:$0x250] =	vst v36  }
0x1b8: {  	[tilespmem:$0x260] =	vst v37  }
0x1b9: {  	[tilespmem:$0x270] =	vst v39  }
0x1ba: {  	[spmem:s2] =	stream.indirect.scatter [tilespmem:s30], [sflag:$0x3], $0x80, s29, s28, $0xb8;
	[tilespmem:$0x1FE80] =	vst v63  }
0x1bb: {  	_ =	swait.ge [sflag:s31], $0x4000  }
0x1bc: {  	[sflag:s31] =	ssyncset.done $0x0  }
0x1bd: {  	[sflag:s31] =	ssyncadd.s32 $0xFFFFC000  }
0x1be: {  	s15 =	simm.s32 $0x0;
	[bflag:$0x0] =	sbarrier.arrive $0xFFFF  }
0x1bf: {  	[tilespmem:s0], [sflag:$0x3] =	stream.linear.gather [hbm4b:s21+s15], $0x80, $0x38;
	[tilespmem:$0x1FE80] =	vst v63  }
0x1c0: {  	_ =	swait.ge [sflag:s31], $0x80  }
0x1c1: {  	[sflag:s31] =	ssyncset.done $0x0  }
0x1c2: {  	s25 =	rddreg [dreg:$0xf];
	[sflag:s31] =	ssyncadd.s32 $0xFFFFFF80  }
0x1c3: {  	[tilespmem:s13], [sflag:$0x3] =	stream.linear.gather [hbm4b:s25+s15], $0x4000, $0x38;
	[tilespmem:$0x1FE80] =	vst v63  }
0x1c4: {  	_ =	swait.ge [sflag:s31], $0x4000  }
0x1c5: {  	[sflag:s31] =	ssyncset.done $0x0  }
0x1c6: {  	s15 =	simm.s32 $0x0;
	[sflag:s31] =	ssyncadd.s32 $0xFFFFC000  }
0x1c7: {  	s16 =	simm.s32 $0x200;
	v41 =	vld [tilespmem:s15+$0x8280]  }
.LBB2_10:
0x1c8: {  	p1 =	sne.s32 s16, $0xFE00  }
.Ltmp6:
0x1c9: {  	_ = 	snop;
	(pc) =	sbr.rel @p1 .LBB2_10-.Ltmp6, $3  }
0x1ca: {  	_ =	sdelay $0x1  }
0x1cb: {  	[tilespmem:s15+$0x280] =	vst v41;
	s15 =	sshra.s32 s16, $0x2;
	s16 =	sadd.s32 $0x200, s16  }
0x1cc: {  	v41 =	vld [tilespmem:s15+$0x8280]  }
0x1cd: {  	_ = 	snop  }
.Ltmp7:
0x1ce: {  	_ = 	snop;
	(pc) =	sbr.rel .LBB2_12-.Ltmp7, $3  }
0x1cf: {  	_ =	sdelay $0x1  }
0x1d0: {  	[tilespmem:s15+$0x280] =	vst v41;
	s15 =	simm.s32 $0x0  }
0x1d1: {  	[spmem:s2] =	stream.indirect.scatter.add.f32 [tilespmem:s30], [sflag:$0x1], $0x80, s0, s28, $0xb8;
	[tilespmem:$0x1FE80] =	vst v63  }
.LBB2_20:
0x1d2: {  	s15 =	sadd.s32 $0x1, s15  }
0x1d3: {  	p2 =	sne.s32 s15, $0x28  }
.Ltmp8:
0x1d4: {  	_ = 	snop;
	(pc) =	sbr.rel @!p2 .LBB2_21-.Ltmp8, $4  }
0x1d5: {  	s16 =	simm.s32 @!p1 $0x2  }
0x1d6: {  	_ =	swait.ge @!p1 [sflag:s16], $0x4000  }
0x1d7: {  	[sflag:s16] =	ssyncset.done @!p1 $0x0  }
0x1d8: {  	[sflag:s16] =	ssyncadd.s32 @!p1 $0xFFFFC000  }
.LBB2_12:
0x1d9: {  	s16 =	sshllo.u32 s15, $0x1  }
0x1da: {  	p1 =	sge.u32 s16, s19  }
.Ltmp9:
0x1db: {  	_ = 	snop;
	(pc) =	sbr.rel @p1 .LBB2_16-.Ltmp9, $1  }
0x1dc: {  	_ =	sdelay $0x3  }
0x1dd: {  	s16 =	sshll.u32 s16, $0xB  }
0x1de: {  	s16 =	sadd.s32 s16, s8  }
0x1df: {  	s17 =	sshrl.u32 s16, $0x3  }
0x1e0: {  	s20 =	simm.s32 $0x0;
	s17 =	sadd.s32 s6, s17  }
0x1e1: {  	[tilespmem:s9], [sflag:$0x3] =	stream.linear.gather [hbm4b:s17+s20], $0x80, $0x38;
	[tilespmem:$0x1FE80] =	vst v63  }
0x1e2: {  	_ =	swait.ge [sflag:s31], $0x80  }
0x1e3: {  	s16 =	sshll.u32 s16, $0x4;
	[sflag:s31] =	ssyncset.done $0x0  }
0x1e4: {  	s16 =	sadd.s32 s7, s16;
	[sflag:s31] =	ssyncadd.s32 $0xFFFFFF80  }
0x1e5: {  	[tilespmem:s13], [sflag:$0x3] =	stream.linear.gather [hbm4b:s16+s20], $0x4000, $0x38;
	[tilespmem:$0x1FE80] =	vst v63  }
0x1e6: {  	_ =	swait.ge [sflag:s31], $0x4000  }
0x1e7: {  	[sflag:s31] =	ssyncset.done $0x0  }
0x1e8: {  	s16 =	simm.s32 $0x0;
	[sflag:s31] =	ssyncadd.s32 $0xFFFFC000  }
0x1e9: {  	s17 =	simm.s32 $0x200;
	v41 =	vld [tilespmem:s16+$0x8280]  }
.LBB2_14:
0x1ea: {  	p2 =	sne.s32 s17, $0xFE00  }
.Ltmp10:
0x1eb: {  	_ = 	snop;
	(pc) =	sbr.rel @p2 .LBB2_14-.Ltmp10, $3  }
0x1ec: {  	_ =	sdelay $0x1  }
0x1ed: {  	[tilespmem:s16+$0x4280] =	vst v41;
	s16 =	sshra.s32 s17, $0x2;
	s17 =	sadd.s32 $0x200, s17  }
0x1ee: {  	v41 =	vld [tilespmem:s16+$0x8280]  }
0x1ef: {  	_ =	sdelay $0x3  }
0x1f0: {  	[tilespmem:s16+$0x4280] =	vst v41  }
0x1f1: {  	[spmem:s2] =	stream.indirect.scatter.add.f32 [tilespmem:s10], [sflag:$0x2], $0x80, s9, s28, $0xb8;
	[tilespmem:$0x1FE80] =	vst v63  }
.LBB2_16:
0x1f2: {  	s16 =	sshll.u32 s15, $0x1  }
0x1f3: {  	p2 =	sge.u32 s16, s19;
	s16 =	sadd.s32 $0x2, s16  }
0x1f4: {  	p3 =	sge.u32 s16, s19  }
.Ltmp11:
0x1f5: {  	_ = 	snop;
	(pc) =	sbr.rel @p3 .LBB2_20-.Ltmp11, $4  }
0x1f6: {  	s17 =	simm.s32 @!p2 $0x1  }
0x1f7: {  	_ =	swait.ge @!p2 [sflag:s17], $0x4000  }
0x1f8: {  	[sflag:s17] =	ssyncset.done @!p2 $0x0  }
0x1f9: {  	[sflag:s17] =	ssyncadd.s32 @!p2 $0xFFFFC000  }
0x1fa: {  	s16 =	sshll.u32 s16, $0xB  }
0x1fb: {  	s16 =	sadd.s32 s16, s8  }
0x1fc: {  	s17 =	sshrl.u32 s16, $0x3  }
0x1fd: {  	s20 =	simm.s32 $0x0;
	s17 =	sadd.s32 s6, s17  }
0x1fe: {  	[tilespmem:s0], [sflag:$0x3] =	stream.linear.gather [hbm4b:s17+s20], $0x80, $0x38;
	[tilespmem:$0x1FE80] =	vst v63  }
0x1ff: {  	_ =	swait.ge [sflag:s31], $0x80  }
0x200: {  	s16 =	sshll.u32 s16, $0x4;
	[sflag:s31] =	ssyncset.done $0x0  }
0x201: {  	s16 =	sadd.s32 s7, s16;
	[sflag:s31] =	ssyncadd.s32 $0xFFFFFF80  }
0x202: {  	[tilespmem:s13], [sflag:$0x3] =	stream.linear.gather [hbm4b:s16+s20], $0x4000, $0x38;
	[tilespmem:$0x1FE80] =	vst v63  }
0x203: {  	_ =	swait.ge [sflag:s31], $0x4000  }
0x204: {  	[sflag:s31] =	ssyncset.done $0x0  }
0x205: {  	s16 =	simm.s32 $0x0;
	[sflag:s31] =	ssyncadd.s32 $0xFFFFC000  }
0x206: {  	s17 =	simm.s32 $0x200;
	v41 =	vld [tilespmem:s16+$0x8280]  }
.LBB2_18:
0x207: {  	p2 =	sne.s32 s17, $0xFE00  }
.Ltmp12:
0x208: {  	_ = 	snop;
	(pc) =	sbr.rel @p2 .LBB2_18-.Ltmp12, $3  }
0x209: {  	_ =	sdelay $0x1  }
0x20a: {  	[tilespmem:s16+$0x280] =	vst v41;
	s16 =	sshra.s32 s17, $0x2;
	s17 =	sadd.s32 $0x200, s17  }
0x20b: {  	v41 =	vld [tilespmem:s16+$0x8280]  }
0x20c: {  	_ = 	snop  }
.Ltmp13:
0x20d: {  	_ = 	snop;
	(pc) =	sbr.rel .LBB2_20-.Ltmp13, $3  }
0x20e: {  	_ =	sdelay $0x1  }
0x20f: {  	[tilespmem:s16+$0x280] =	vst v41  }
0x210: {  	[spmem:s2] =	stream.indirect.scatter.add.f32 [tilespmem:s30], [sflag:$0x1], $0x80, s0, s28, $0xb8;
	[tilespmem:$0x1FE80] =	vst v63  }
.LBB2_22:
0x211: {  	_ =	sfence.sel $0x180000  }
0x212: {  	[bflag:$0x0] =	sbarrier.arrive $0xFFFF  }
0x213: {  	_ =	strace $0x90000047  }
0x214: {  	s0 =	stileid.u32;
	[bflag:$0x2] =	sbarrier.arrive $0xFFFF  }
0x215: {  	p0 =	sne.s32 s0, $0x0;
	s0 =	rddreg [dreg:$0x3]  }
0x216: {  	s0 =	sadd.s32 @!p0 $0x100000, s0  }
0x217: {  	[sflag:s0] =	ssyncadd.tile.s32 @!p0 $0x1;
	_ =	shalt  }
.Lfunc_end2:
_tile_overlayer_lowered:
.L_overlay_start_2:
0x218: {  	(tag) =	ssettag $0x2  }
0x219: {  	s0 =	rddreg [dreg:$0x0];
	s2 =	stileid.u32  }
0x21a: {  	s1 =	rddreg [dreg:$0x1];
	p0 =	sne.s32 s2, $0x0  }
0x21b: {  	s3 =	rddreg [dreg:$0x2];
	[bflag:$0x3] =	sbarrier.arrive $0xFFFF;
	s2 =	simm.s32 @!p0 $0x1C03  }
0x21c: {  	[timem:s3], [sflag:s2] =	dma.local @!p0 [hbm:s0], s1  }
0x21d: {  	s0 =	simm.s32 @!p0 $0x3  }
0x21e: {  	_ =	swait.ge @!p0 [sflag:s0], s1  }
0x21f: {  	s1 =	ssub.s32 @!p0 $0x0, s1;
	[sflag:s0] =	ssyncset.done @!p0 $0x0  }
0x220: {  	[sflag:s0] =	ssyncadd.s32 @!p0 s1  }
0x221: {  	[bflag:$0x3] =	sbarrier.arrive $0xFFFF  }
0x222: {  	_ =	shalt  }

</sc_bundles>
